<compile_context>
chip_gen: v7x
topology: tpu7x:2x2x1
jax: 0.10.2.dev20260603
libtpu: 0.0.44.dev20260713+nightly
codegen_flags: <defaults>
</compile_context>

<pallas_src>
import functools

import jax
import jax.numpy as jnp
from jax import lax
from jax.experimental import pallas as pl
from jax.experimental.pallas import tpu as pltpu
from jax.experimental.pallas import tpu_sc as plsc

HIDDEN = 64
BATCH = 16384
NPLAYERS = 1000000
NCOLS = 7812
TAIL = NCOLS * 128
SINK = BATCH

_CPW = 245
_C = 4
_NCH = 62
_LANES = _C * 128


def _sc_stream_gather(tbl_t, ids_hbm):
    mesh = plsc.VectorSubcoreMesh(core_axis_name="c", subcore_axis_name="s")

    @functools.partial(
        pl.kernel,
        out_type=jax.ShapeDtypeStruct((BATCH + 64, 128), jnp.float32),
        mesh=mesh,
        compiler_params=pltpu.CompilerParams(needs_layout_passes=False),
        scratch_types=[
            pltpu.VMEM((1024,), jnp.int32),
            pltpu.VMEM((BATCH + 16,), jnp.int32),
            pltpu.VMEM((BATCH + 16,), jnp.int32),
            pltpu.VMEM((2, 64, _LANES), jnp.float32),
            pltpu.VMEM((128, 128), jnp.float32),
            pltpu.VMEM((2, 64), jnp.int32),
            pltpu.VMEM((32,), jnp.int32),
            pltpu.VMEM((32,), jnp.int32),
            pltpu.SMEM((8,), jnp.int32),
            pltpu.SemaphoreType.DMA,
            pltpu.SemaphoreType.DMA,
            pltpu.SemaphoreType.DMA,
        ],
    )
    def k(tbl_hbm, ids_in, out_hbm, idbuf, lids, lb, stage, orow, obidx,
          pend_p, pend_b, sc, sem, semA, semB):
        wid = lax.axis_index("s") * 2 + lax.axis_index("c")
        lo = jnp.minimum(wid * _CPW, NCOLS)
        hi = jnp.minimum(lo + _CPW, NCOLS)
        lo_p = lo * 128
        hi_p = hi * 128
        i16 = lax.broadcasted_iota(jnp.int32, (16,), 0)

        for q in range(8):
            obidx[q // 4, pl.ds((q % 4) * 16, 16)] = \
                SINK + i16 + (q % 4) * 16

        n = jnp.int32(0)
        for t in range(16):
            pltpu.sync_copy(ids_in.at[pl.ds(t * 1024, 1024)], idbuf)

            def bodyA(v, n, t=t):
                p = idbuf[pl.ds(v * 16, 16)]
                m = (p >= lo_p) & (p < hi_p)
                b = i16 + (t * 1024 + v * 16)
                mi = jnp.where(m, 1, 0)
                cs = plsc.cumsum(mi)
                ranks = n + cs - mi
                plsc.store_scatter(lids, [ranks], p, mask=m)
                plsc.store_scatter(lb, [ranks], b, mask=m)
                return n + jnp.sum(mi)

            n = lax.fori_loop(0, 64, bodyA, n)
        sc[0] = 0
        sc[1] = 0
        sc[2] = 0
        sc[3] = n

        def extract(bufv, s, O, cnt):
            hp = pend_p[pl.ds(0, 16)]
            hb = pend_b[pl.ds(0, 16)]
            hm = i16 < cnt
            colidx = (lax.shift_right_logical(hp, 7) - s) * 128 + (hp & 127)
            rpos = (O + i16) & 127
            plsc.store_scatter(
                obidx, [lax.shift_right_logical(rpos, 6), rpos & 63], hb,
                mask=hm)
            bufvec = i16 * 0 + bufv

            def fbody(q, c):
                for u in range(4):
                    fv = i16 * 0 + (q * 4 + u)
                    vals = plsc.load_gather(stage, [bufvec, fv, colidx],
                                            mask=hm)
                    plsc.store_scatter(orow, [rpos, fv], vals, mask=hm)
                return c

            lax.fori_loop(0, 16, fbody, jnp.int32(0))

        def flush(F):
            slot = lax.shift_right_logical(F, 6) & 1
            pltpu.async_copy(
                orow.at[pl.ds(slot * 64, 64)],
                out_hbm.at[obidx.at[slot]], sem).wait()
            for q in range(4):
                obidx[slot, pl.ds(q * 16, 16)] = SINK + i16 + q * 16

        def stage_src(kk):
            s = jnp.maximum(lo, jnp.minimum(lo + kk * _C, hi - _C))
            return tbl_hbm.at[pl.ds(0, 64), pl.ds(s * 128, _LANES)]

        def chunk_body(kk, c):
            bufv = kk & 1
            s = jnp.maximum(lo, jnp.minimum(lo + kk * _C, hi - _C))
            even = (kk & 1) == 0
            more = kk < (_NCH - 1)

            @pl.when(even & more)
            def _():
                pltpu.async_copy(stage_src(kk + 1), stage.at[1], semB)

            @pl.when((~even) & more)
            def _():
                pltpu.async_copy(stage_src(kk + 1), stage.at[0], semA)

            @pl.when(even)
            def _():
                pltpu.make_async_copy(stage_src(kk), stage.at[0],
                                      semA).wait()

            @pl.when(~even)
            def _():
                pltpu.make_async_copy(stage_src(kk), stage.at[1],
                                      semB).wait()

            nn = sc[3]
            ns = (nn + 15) // 16

            def bodyB(g, c2):
                O = sc[0]
                F = sc[1]
                ph = sc[2]
                p = lids[pl.ds(g * 16, 16)]
                b = lb[pl.ds(g * 16, 16)]
                m = (i16 < (nn - g * 16)) & (p >= s * 128) & \
                    (p < (s + _C) * 128)
                mi = jnp.where(m, 1, 0)
                cs = plsc.cumsum(mi)
                ranks = ph + cs - mi
                plsc.store_scatter(pend_p, [ranks], p, mask=m)
                plsc.store_scatter(pend_b, [ranks], b, mask=m)
                ph2 = ph + jnp.sum(mi)
                sc[2] = ph2

                @pl.when(ph2 >= 16)
                def _():
                    extract(bufv, s, O, jnp.int32(16))
                    rp = pend_p[pl.ds(16, 16)]
                    rb = pend_b[pl.ds(16, 16)]
                    pend_p[pl.ds(0, 16)] = rp
                    pend_b[pl.ds(0, 16)] = rb
                    sc[0] = O + 16
                    sc[2] = ph2 - 16

                    @pl.when(O + 16 - F >= 64)
                    def _():
                        flush(F)
                        sc[1] = F + 64

                return c2

            lax.fori_loop(0, ns, bodyB, jnp.int32(0))
            O = sc[0]
            F = sc[1]
            ph = sc[2]
            extract(bufv, s, O, ph)
            sc[0] = O + ph
            sc[2] = 0

            @pl.when(O + ph - F >= 64)
            def _():
                flush(F)
                sc[1] = F + 64

            return c

        pltpu.async_copy(stage_src(jnp.int32(0)), stage.at[0], semA)
        lax.fori_loop(0, _NCH, chunk_body, jnp.int32(0))

        @pl.when(sc[0] - sc[1] > 0)
        def _():
            flush(sc[1])

    return k(tbl_t, ids_hbm)


def _tc_body(x_ref, pe_ref, pid_ref, tail_ref, a_ref, p_ref, ae_ref,
             pt_ref, w_ref, b_ref, g_ref, bt_ref, o_ref):
    pid = pid_ref[...]
    is_tail = pid >= TAIL
    lane = lax.broadcasted_iota(jnp.int32, (1, HIDDEN), 1)
    oh = jnp.where(is_tail & ((pid - TAIL) == lane), 1.0, 0.0)
    pe_tail = lax.dot_general(oh, tail_ref[...], (((1,), (0,)), ((), ())),
                              preferred_element_type=jnp.float32)
    pe = jnp.where(is_tail, pe_tail, pe_ref[:, :HIDDEN])
    h = x_ref[...] + pe
    a = a_ref[...]
    for k in range(3):
        h += jnp.where(a == k, ae_ref[k, :][None, :], 0.0)
    p = p_ref[...]
    for k in range(10):
        h += jnp.where(p == k, pt_ref[k, :][None, :], 0.0)
    hw = lax.dot_general(h, w_ref[...], (((1,), (1,)), ((), ())),
                         preferred_element_type=jnp.float32) + b_ref[...]
    mean = jnp.mean(hw, axis=1, keepdims=True)
    cen = hw - mean
    var = jnp.mean(cen * cen, axis=1, keepdims=True)
    o_ref[...] = cen * lax.rsqrt(var + 1e-5) * g_ref[...] + bt_ref[...]


def _tc_fused(x, pe, pid2, tail, a2, p2, action_emb, pos_emb, W, b2, g2,
              bt2, blk=2048):
    grid = BATCH // blk
    return pl.pallas_call(
        _tc_body,
        grid=(grid,),
        in_specs=[
            pl.BlockSpec((blk, HIDDEN), lambda i: (i, 0)),
            pl.BlockSpec((blk, 2 * HIDDEN), lambda i: (i, 0)),
            pl.BlockSpec((blk, 1), lambda i: (i, 0)),
            pl.BlockSpec((HIDDEN, HIDDEN), lambda i: (0, 0)),
            pl.BlockSpec((blk, 1), lambda i: (i, 0)),
            pl.BlockSpec((blk, 1), lambda i: (i, 0)),
            pl.BlockSpec((3, HIDDEN), lambda i: (0, 0)),
            pl.BlockSpec((10, HIDDEN), lambda i: (0, 0)),
            pl.BlockSpec((HIDDEN, HIDDEN), lambda i: (0, 0)),
            pl.BlockSpec((1, HIDDEN), lambda i: (0, 0)),
            pl.BlockSpec((1, HIDDEN), lambda i: (0, 0)),
            pl.BlockSpec((1, HIDDEN), lambda i: (0, 0)),
        ],
        out_specs=pl.BlockSpec((blk, HIDDEN), lambda i: (i, 0)),
        out_shape=jax.ShapeDtypeStruct((BATCH, HIDDEN), jnp.float32),
    )(x, pe, pid2, tail, a2, p2, action_emb, pos_emb, W, b2, g2, bt2)


def kernel(x, player_ids, actions, positions, player_emb, action_emb,
           pos_emb, W, b, gamma, beta):
    ids = player_ids.astype(jnp.int32)
    peS = _sc_stream_gather(player_emb.T, ids)[:BATCH]
    pid2 = ids.reshape(BATCH, 1)
    tail = lax.slice(player_emb, (TAIL, 0), (NPLAYERS, HIDDEN))
    a2 = actions.astype(jnp.int32).reshape(BATCH, 1)
    p2 = positions.astype(jnp.int32).reshape(BATCH, 1)
    out = _tc_fused(x, peS, pid2, tail, a2, p2, action_emb, pos_emb, W,
                    b.reshape(1, HIDDEN), gamma.reshape(1, HIDDEN),
                    beta.reshape(1, HIDDEN))
    return out.reshape(BATCH, 1, HIDDEN)

# --- scband reference (transcript-rebuilt; emitter-appended) ---
"""Pipeline reference for scband-player-dynamics-attention-35485019799653 (READ-ONLY COPY).

The authoritative reference and input builder live on the scoring server;
editing this copy changes nothing except your own understanding.
"""

import jax, jax.numpy as jnp
import numpy as np

HIDDEN = 64
NUM_PLAYERS = 1000000
NUM_ACTIONS = 3
MAX_POSITIONS = 10
BATCH = 16384


def _xavier_uniform(key, shape):
    fan_in, fan_out = shape[1], shape[0]
    limit = float(np.sqrt(6.0 / (fan_in + fan_out)))
    return jax.random.uniform(key, shape, dtype=jnp.float32, minval=-limit, maxval=limit)


def setup_inputs(seed: int = 0) -> dict:
    key = jax.random.key(seed)
    ks = jax.random.split(key, 10)
    x = jax.random.normal(ks[0], (BATCH, HIDDEN), dtype=jnp.float32)
    player_ids = jax.random.randint(ks[1], (BATCH,), 0, NUM_PLAYERS)
    actions = jax.random.randint(ks[2], (BATCH,), 0, NUM_ACTIONS)
    positions = jax.random.randint(ks[3], (BATCH,), 0, MAX_POSITIONS)
    player_emb = _xavier_uniform(ks[4], (NUM_PLAYERS, HIDDEN))
    action_emb = _xavier_uniform(ks[5], (NUM_ACTIONS, HIDDEN))
    pos_emb = _xavier_uniform(ks[6], (MAX_POSITIONS, HIDDEN))
    W = _xavier_uniform(ks[7], (HIDDEN, HIDDEN))
    b = jnp.zeros((HIDDEN,), dtype=jnp.float32)
    gamma = jnp.ones((HIDDEN,), dtype=jnp.float32)
    beta = jnp.zeros((HIDDEN,), dtype=jnp.float32)
    return {
        'x': x, 'player_ids': player_ids, 'actions': actions, 'positions': positions,
        'player_emb': player_emb, 'action_emb': action_emb, 'pos_emb': pos_emb,
        'W': W, 'b': b, 'gamma': gamma, 'beta': beta,
    }


def reference(x, player_ids, actions, positions, player_emb, action_emb, pos_emb, W, b, gamma, beta):
    # Embedding gathers (SparseCore-style lookups)
    pe = jnp.take(player_emb, player_ids, axis=0)[:, None, :]
    ae = jnp.take(action_emb, actions, axis=0)[:, None, :]
    poe = jnp.take(pos_emb, positions, axis=0)[:, None, :]  # dropout is identity in eval
    h = x[:, None, :] + pe + ae + poe
    # Linear projection (nn.Linear: h @ W.T + b)
    h = jnp.einsum('bsd,od->bso', h, W) + b
    # LayerNorm over last dim, eps=1e-5
    mean = jnp.mean(h, axis=-1, keepdims=True)
    var = jnp.mean((h - mean) ** 2, axis=-1, keepdims=True)
    out = (h - mean) / jnp.sqrt(var + 1e-5) * gamma + beta
    return out

if __name__ == "__main__":
    import jax
    _d = setup_inputs()
    print(jax.jit(kernel)(*tuple(_d.values())))

</pallas_src>

<mosaic_0001>
#map = affine_map<(d0, d1) -> (0, 0)>
#map1 = affine_map<(d0, d1) -> (0)>
module attributes {stable_mosaic.version = 14 : i64} {
  func.func @k(%arg0: i32, %arg1: i32, %arg2: memref<64x1000000xf32, #tpu.memory_space<hbm>>, %arg3: memref<16384xi32, #tpu.memory_space<hbm>>, %arg4: memref<16448x128xf32, #tpu.memory_space<hbm>>, %arg5: memref<1024xi32, #tpu.memory_space<vmem>>, %arg6: memref<16400xi32, #tpu.memory_space<vmem>>, %arg7: memref<16400xi32, #tpu.memory_space<vmem>>, %arg8: memref<2x64x512xf32, #tpu.memory_space<vmem>>, %arg9: memref<128x128xf32, #tpu.memory_space<vmem>>, %arg10: memref<2x64xi32, #tpu.memory_space<vmem>>, %arg11: memref<32xi32, #tpu.memory_space<vmem>>, %arg12: memref<32xi32, #tpu.memory_space<vmem>>, %arg13: memref<8xi32, #tpu.memory_space<smem>>, %arg14: memref<!tpu.dma_semaphore, #tpu.memory_space<semaphore_mem>>, %arg15: memref<!tpu.dma_semaphore, #tpu.memory_space<semaphore_mem>>, %arg16: memref<!tpu.dma_semaphore, #tpu.memory_space<semaphore_mem>>) attributes {dimension_semantics = [#tpu.dimension_semantics<core_parallel>, #tpu.dimension_semantics<subcore_parallel>], iteration_bounds = array<i64: 2, 16>, scalar_prefetch = 0 : i64, scratch_operands = 12 : i64, tpu.core_type = #tpu.core_type<sc_vector_subcore>, window_params = [{transform_indices = #map}, {transform_indices = #map1}, {transform_indices = #map}]} {
    %mul3A = arith.constant 2 : i32
    %mul3A_0 = arith.muli %arg1, %mul3A : i32
    %add3A = arith.addi %mul3A_0, %arg0 : i32
    %mul3A_1 = arith.constant 245 : i32
    %mul3A_2 = arith.muli %add3A, %mul3A_1 : i32
    %min3A = arith.constant 7812 : i32
    %min3A_3 = arith.minsi %mul3A_2, %min3A : i32
    %add3A_4 = arith.constant 245 : i32
    %add3A_5 = arith.addi %min3A_3, %add3A_4 : i32
    %min3A_6 = arith.constant 7812 : i32
    %min3A_7 = arith.minsi %add3A_5, %min3A_6 : i32
    %mul3A_8 = arith.constant 128 : i32
    %mul3A_9 = arith.muli %min3A_3, %mul3A_8 : i32
    %mul3A_10 = arith.constant 128 : i32
    %mul3A_11 = arith.muli %min3A_7, %mul3A_10 : i32
    %iota3A = tpu.iota {dimensions = array<i32: 0>} : vector<16xi32>
    %add3A_12 = arith.constant 16384 : i32
    %add3A_13 = vector.broadcast %add3A_12 : i32 to vector<16xi32>
    %add3A_14 = arith.addi %add3A_13, %iota3A : vector<16xi32>
    %add3A_15 = arith.constant 0 : i32
    %add3A_16 = vector.broadcast %add3A_15 : i32 to vector<16xi32>
    %add3A_17 = arith.addi %add3A_14, %add3A_16 : vector<16xi32>
    %swap3A = arith.constant 0 : i32
    %swap3A_18 = arith.index_cast %swap3A : i32 to index
    %swap3A_19 = arith.constant 0 : index
    %swap3A_20 = tpu.vector_load %arg10[%swap3A_18, %swap3A_19] {strides = array<i32>} : memref<2x64xi32, #tpu.memory_space<vmem>>, vector<16xi32>,
    tpu.vector_store %arg10[%swap3A_18, %swap3A_19], %add3A_17 {strides = array<i32>} : memref<2x64xi32, #tpu.memory_space<vmem>>, vector<16xi32>,
    %add3A_21 = arith.constant 16384 : i32
    %add3A_22 = vector.broadcast %add3A_21 : i32 to vector<16xi32>
    %add3A_23 = arith.addi %add3A_22, %iota3A : vector<16xi32>
    %add3A_24 = arith.constant 16 : i32
    %add3A_25 = vector.broadcast %add3A_24 : i32 to vector<16xi32>
    %add3A_26 = arith.addi %add3A_23, %add3A_25 : vector<16xi32>
    %swap3A_27 = arith.constant 0 : i32
    %swap3A_28 = arith.index_cast %swap3A_27 : i32 to index
    %swap3A_29 = arith.constant 16 : index
    %swap3A_30 = tpu.vector_load %arg10[%swap3A_28, %swap3A_29] {strides = array<i32>} : memref<2x64xi32, #tpu.memory_space<vmem>>, vector<16xi32>,
    tpu.vector_store %arg10[%swap3A_28, %swap3A_29], %add3A_26 {strides = array<i32>} : memref<2x64xi32, #tpu.memory_space<vmem>>, vector<16xi32>,
    %add3A_31 = arith.constant 16384 : i32
    %add3A_32 = vector.broadcast %add3A_31 : i32 to vector<16xi32>
    %add3A_33 = arith.addi %add3A_32, %iota3A : vector<16xi32>
    %add3A_34 = arith.constant 32 : i32
    %add3A_35 = vector.broadcast %add3A_34 : i32 to vector<16xi32>
    %add3A_36 = arith.addi %add3A_33, %add3A_35 : vector<16xi32>
    %swap3A_37 = arith.constant 0 : i32
    %swap3A_38 = arith.index_cast %swap3A_37 : i32 to index
    %swap3A_39 = arith.constant 32 : index
    %swap3A_40 = tpu.vector_load %arg10[%swap3A_38, %swap3A_39] {strides = array<i32>} : memref<2x64xi32, #tpu.memory_space<vmem>>, vector<16xi32>,
    tpu.vector_store %arg10[%swap3A_38, %swap3A_39], %add3A_36 {strides = array<i32>} : memref<2x64xi32, #tpu.memory_space<vmem>>, vector<16xi32>,
    %add3A_41 = arith.constant 16384 : i32
    %add3A_42 = vector.broadcast %add3A_41 : i32 to vector<16xi32>
    %add3A_43 = arith.addi %add3A_42, %iota3A : vector<16xi32>
    %add3A_44 = arith.constant 48 : i32
    %add3A_45 = vector.broadcast %add3A_44 : i32 to vector<16xi32>
    %add3A_46 = arith.addi %add3A_43, %add3A_45 : vector<16xi32>
    %swap3A_47 = arith.constant 0 : i32
    %swap3A_48 = arith.index_cast %swap3A_47 : i32 to index
    %swap3A_49 = arith.constant 48 : index
    %swap3A_50 = tpu.vector_load %arg10[%swap3A_48, %swap3A_49] {strides = array<i32>} : memref<2x64xi32, #tpu.memory_space<vmem>>, vector<16xi32>,
    tpu.vector_store %arg10[%swap3A_48, %swap3A_49], %add3A_46 {strides = array<i32>} : memref<2x64xi32, #tpu.memory_space<vmem>>, vector<16xi32>,
    %add3A_51 = arith.constant 16384 : i32
    %add3A_52 = vector.broadcast %add3A_51 : i32 to vector<16xi32>
    %add3A_53 = arith.addi %add3A_52, %iota3A : vector<16xi32>
    %add3A_54 = arith.constant 0 : i32
    %add3A_55 = vector.broadcast %add3A_54 : i32 to vector<16xi32>
    %add3A_56 = arith.addi %add3A_53, %add3A_55 : vector<16xi32>
    %swap3A_57 = arith.constant 1 : i32
    %swap3A_58 = arith.index_cast %swap3A_57 : i32 to index
    %swap3A_59 = arith.constant 0 : index
    %swap3A_60 = tpu.vector_load %arg10[%swap3A_58, %swap3A_59] {strides = array<i32>} : memref<2x64xi32, #tpu.memory_space<vmem>>, vector<16xi32>,
    tpu.vector_store %arg10[%swap3A_58, %swap3A_59], %add3A_56 {strides = array<i32>} : memref<2x64xi32, #tpu.memory_space<vmem>>, vector<16xi32>,
    %add3A_61 = arith.constant 16384 : i32
    %add3A_62 = vector.broadcast %add3A_61 : i32 to vector<16xi32>
    %add3A_63 = arith.addi %add3A_62, %iota3A : vector<16xi32>
    %add3A_64 = arith.constant 16 : i32
    %add3A_65 = vector.broadcast %add3A_64 : i32 to vector<16xi32>
    %add3A_66 = arith.addi %add3A_63, %add3A_65 : vector<16xi32>
    %swap3A_67 = arith.constant 1 : i32
    %swap3A_68 = arith.index_cast %swap3A_67 : i32 to index
    %swap3A_69 = arith.constant 16 : index
    %swap3A_70 = tpu.vector_load %arg10[%swap3A_68, %swap3A_69] {strides = array<i32>} : memref<2x64xi32, #tpu.memory_space<vmem>>, vector<16xi32>,
    tpu.vector_store %arg10[%swap3A_68, %swap3A_69], %add3A_66 {strides = array<i32>} : memref<2x64xi32, #tpu.memory_space<vmem>>, vector<16xi32>,
    %add3A_71 = arith.constant 16384 : i32
    %add3A_72 = vector.broadcast %add3A_71 : i32 to vector<16xi32>
    %add3A_73 = arith.addi %add3A_72, %iota3A : vector<16xi32>
    %add3A_74 = arith.constant 32 : i32
    %add3A_75 = vector.broadcast %add3A_74 : i32 to vector<16xi32>
    %add3A_76 = arith.addi %add3A_73, %add3A_75 : vector<16xi32>
    %swap3A_77 = arith.constant 1 : i32
    %swap3A_78 = arith.index_cast %swap3A_77 : i32 to index
    %swap3A_79 = arith.constant 32 : index
    %swap3A_80 = tpu.vector_load %arg10[%swap3A_78, %swap3A_79] {strides = array<i32>} : memref<2x64xi32, #tpu.memory_space<vmem>>, vector<16xi32>,
    tpu.vector_store %arg10[%swap3A_78, %swap3A_79], %add3A_76 {strides = array<i32>} : memref<2x64xi32, #tpu.memory_space<vmem>>, vector<16xi32>,
    %add3A_81 = arith.constant 16384 : i32
    %add3A_82 = vector.broadcast %add3A_81 : i32 to vector<16xi32>
    %add3A_83 = arith.addi %add3A_82, %iota3A : vector<16xi32>
    %add3A_84 = arith.constant 48 : i32
    %add3A_85 = vector.broadcast %add3A_84 : i32 to vector<16xi32>
    %add3A_86 = arith.addi %add3A_83, %add3A_85 : vector<16xi32>
    %swap3A_87 = arith.constant 1 : i32
    %swap3A_88 = arith.index_cast %swap3A_87 : i32 to index
    %swap3A_89 = arith.constant 48 : index
    %swap3A_90 = tpu.vector_load %arg10[%swap3A_88, %swap3A_89] {strides = array<i32>} : memref<2x64xi32, #tpu.memory_space<vmem>>, vector<16xi32>,
    tpu.vector_store %arg10[%swap3A_88, %swap3A_89], %add3A_86 {strides = array<i32>} : memref<2x64xi32, #tpu.memory_space<vmem>>, vector<16xi32>,
    "tpu.region"() ({
      %run_scoped3A = tpu.sem_alloc : memref<!tpu.dma_semaphore, #tpu.memory_space<semaphore_mem>>
      %dma_start3A_236 = arith.constant 0 : i32
      %dma_start3A_237 = tpu.memref_slice %arg3[%dma_start3A_236] : memref<16384xi32, #tpu.memory_space<hbm>> -> memref<1024xi32, #tpu.memory_space<hbm>>
      %dma_start3A_238 = arith.constant 0 : i32
      %dma_start3A_239 = tpu.memref_slice %arg3[%dma_start3A_238] : memref<16384xi32, #tpu.memory_space<hbm>> -> memref<1024xi32, #tpu.memory_space<hbm>>
      tpu.enqueue_dma source(%dma_start3A_239 : memref<1024xi32, #tpu.memory_space<hbm>>) target(%arg5 : memref<1024xi32, #tpu.memory_space<vmem>>) target_semaphore(%run_scoped3A : memref<!tpu.dma_semaphore, #tpu.memory_space<semaphore_mem>>)
      %dma_wait3A = arith.constant 0 : i32
      %dma_wait3A_240 = tpu.memref_slice %arg3[%dma_wait3A] : memref<16384xi32, #tpu.memory_space<hbm>> -> memref<1024xi32, #tpu.memory_space<hbm>>
      %dma_wait3A_241 = arith.constant 0 : i32
      %dma_wait3A_242 = tpu.memref_slice %arg3[%dma_wait3A_241] : memref<16384xi32, #tpu.memory_space<hbm>> -> memref<1024xi32, #tpu.memory_space<hbm>>
      tpu.wait_dma2 semaphore(%run_scoped3A : memref<!tpu.dma_semaphore, #tpu.memory_space<semaphore_mem>>) src(%dma_wait3A_242 : memref<1024xi32, #tpu.memory_space<hbm>>) dst(%arg5 : memref<1024xi32, #tpu.memory_space<vmem>>)
      tpu.yield
    }) : () -> ()
    %scan3A = arith.constant 0 : i32
    %scan3A_91 = arith.constant 0 : i32
    %scan3A_92 = arith.constant 64 : i32
    %scan3A_93 = arith.addi %scan3A_91, %scan3A_92 : i32
    %scan3A_94 = arith.constant 1 : i32
    %scan3A_95 = scf.for %scan3A_236 = %scan3A_91 to %scan3A_93 step %scan3A_94 iter_args(%scan3A_237 = %scan3A) -> (i32)  : i32 {
      %mul3A_238 = arith.constant 16 : i32
      %mul3A_239 = arith.muli %scan3A_236, %mul3A_238 : i32
      %get3A_240 = arith.index_cast %mul3A_239 : i32 to index
      %get3A_241 = tpu.vector_load %arg5[%get3A_240] {strides = array<i32>} : memref<1024xi32, #tpu.memory_space<vmem>>, vector<16xi32>,
      %ge3A = vector.broadcast %mul3A_9 : i32 to vector<16xi32>
      %ge3A_242 = arith.cmpi sge, %get3A_241, %ge3A : vector<16xi32>
      %lt3A = vector.broadcast %mul3A_11 : i32 to vector<16xi32>
      %lt3A_243 = arith.cmpi slt, %get3A_241, %lt3A : vector<16xi32>
      %and3A = arith.andi %ge3A_242, %lt3A_243 : vector<16xi1>
      %mul3A_244 = arith.constant 16 : i32
      %mul3A_245 = arith.muli %scan3A_236, %mul3A_244 : i32
      %add3A_246 = arith.constant 0 : i32
      %add3A_247 = arith.addi %add3A_246, %mul3A_245 : i32
      %add3A_248 = vector.broadcast %add3A_247 : i32 to vector<16xi32>
      %add3A_249 = arith.addi %iota3A, %add3A_248 : vector<16xi32>
      %jit3A = arith.constant 1 : i32
      %jit3A_250 = arith.constant 0 : i32
      %broadcast_in_dim3A = vector.broadcast %jit3A : i32 to vector<16xi32>
      %broadcast_in_dim3A_251 = vector.broadcast %jit3A_250 : i32 to vector<16xi32>
      %select_n3A = arith.select %and3A, %broadcast_in_dim3A, %broadcast_in_dim3A_251 : vector<16xi1>, vector<16xi32>
      %broadcast_in_dim3A_252 = arith.constant true
      %broadcast_in_dim3A_253 = vector.broadcast %broadcast_in_dim3A_252 : i1 to vector<16xi1>
      %masked_cumsum3A = tpu.scan <sum>, %select_n3A masked %broadcast_in_dim3A_253 : vector<16xi32>, vector<16xi1> -> vector<16xi32>
      %add3A_254 = vector.broadcast %scan3A_237 : i32 to vector<16xi32>
      %add3A_255 = arith.addi %add3A_254, %masked_cumsum3A : vector<16xi32>
      %sub3A_256 = arith.subi %add3A_255, %select_n3A : vector<16xi32>
      tpu.vector_store_idx %arg6[%sub3A_256], %get3A_241 masked %and3A : memref<16400xi32, #tpu.memory_space<vmem>>[vector<16xi32>], vector<16xi32>, vector<16xi1>
      tpu.vector_store_idx %arg7[%sub3A_256], %add3A_249 masked %and3A : memref<16400xi32, #tpu.memory_space<vmem>>[vector<16xi32>], vector<16xi32>, vector<16xi1>
      %reduce_sum3A = arith.constant true
      %reduce_sum3A_257 = vector.broadcast %reduce_sum3A : i1 to vector<16xi1>
      %reduce_sum3A_258 = tpu.scan <sum>, %select_n3A masked %reduce_sum3A_257 : vector<16xi32>, vector<16xi1> -> vector<16xi32>
      %reduce_sum3A_259 = vector.extract %reduce_sum3A_258[15] : i32 from vector<16xi32>
      %add3A_260 = arith.addi %scan3A_237, %reduce_sum3A_259 : i32
      scf.yield %add3A_260 : i32
    }
    %scan3A_96 = arith.constant 64 : i32
    "tpu.region"() ({
      %run_scoped3A = tpu.sem_alloc : memref<!tpu.dma_semaphore, #tpu.memory_space<semaphore_mem>>
      %dma_start3A_236 = arith.constant 1024 : i32
      %dma_start3A_237 = tpu.memref_slice %arg3[%dma_start3A_236] : memref<16384xi32, #tpu.memory_space<hbm>> -> memref<1024xi32, #tpu.memory_space<hbm>>
      %dma_start3A_238 = arith.constant 1024 : i32
      %dma_start3A_239 = tpu.memref_slice %arg3[%dma_start3A_238] : memref<16384xi32, #tpu.memory_space<hbm>> -> memref<1024xi32, #tpu.memory_space<hbm>>
      tpu.enqueue_dma source(%dma_start3A_239 : memref<1024xi32, #tpu.memory_space<hbm>>) target(%arg5 : memref<1024xi32, #tpu.memory_space<vmem>>) target_semaphore(%run_scoped3A : memref<!tpu.dma_semaphore, #tpu.memory_space<semaphore_mem>>)
      %dma_wait3A = arith.constant 1024 : i32
      %dma_wait3A_240 = tpu.memref_slice %arg3[%dma_wait3A] : memref<16384xi32, #tpu.memory_space<hbm>> -> memref<1024xi32, #tpu.memory_space<hbm>>
      %dma_wait3A_241 = arith.constant 1024 : i32
      %dma_wait3A_242 = tpu.memref_slice %arg3[%dma_wait3A_241] : memref<16384xi32, #tpu.memory_space<hbm>> -> memref<1024xi32, #tpu.memory_space<hbm>>
      tpu.wait_dma2 semaphore(%run_scoped3A : memref<!tpu.dma_semaphore, #tpu.memory_space<semaphore_mem>>) src(%dma_wait3A_242 : memref<1024xi32, #tpu.memory_space<hbm>>) dst(%arg5 : memref<1024xi32, #tpu.memory_space<vmem>>)
      tpu.yield
    }) : () -> ()
    %scan3A_97 = arith.constant 0 : i32
    %scan3A_98 = arith.constant 64 : i32
    %scan3A_99 = arith.addi %scan3A_97, %scan3A_98 : i32
    %scan3A_100 = arith.constant 1 : i32
    %scan3A_101 = scf.for %scan3A_236 = %scan3A_97 to %scan3A_99 step %scan3A_100 iter_args(%scan3A_237 = %scan3A_95) -> (i32)  : i32 {
      %mul3A_238 = arith.constant 16 : i32
      %mul3A_239 = arith.muli %scan3A_236, %mul3A_238 : i32
      %get3A_240 = arith.index_cast %mul3A_239 : i32 to index
      %get3A_241 = tpu.vector_load %arg5[%get3A_240] {strides = array<i32>} : memref<1024xi32, #tpu.memory_space<vmem>>, vector<16xi32>,
      %ge3A = vector.broadcast %mul3A_9 : i32 to vector<16xi32>
      %ge3A_242 = arith.cmpi sge, %get3A_241, %ge3A : vector<16xi32>
      %lt3A = vector.broadcast %mul3A_11 : i32 to vector<16xi32>
      %lt3A_243 = arith.cmpi slt, %get3A_241, %lt3A : vector<16xi32>
      %and3A = arith.andi %ge3A_242, %lt3A_243 : vector<16xi1>
      %mul3A_244 = arith.constant 16 : i32
      %mul3A_245 = arith.muli %scan3A_236, %mul3A_244 : i32
      %add3A_246 = arith.constant 1024 : i32
      %add3A_247 = arith.addi %add3A_246, %mul3A_245 : i32
      %add3A_248 = vector.broadcast %add3A_247 : i32 to vector<16xi32>
      %add3A_249 = arith.addi %iota3A, %add3A_248 : vector<16xi32>
      %jit3A = arith.constant 1 : i32
      %jit3A_250 = arith.constant 0 : i32
      %broadcast_in_dim3A = vector.broadcast %jit3A : i32 to vector<16xi32>
      %broadcast_in_dim3A_251 = vector.broadcast %jit3A_250 : i32 to vector<16xi32>
      %select_n3A = arith.select %and3A, %broadcast_in_dim3A, %broadcast_in_dim3A_251 : vector<16xi1>, vector<16xi32>
      %broadcast_in_dim3A_252 = arith.constant true
      %broadcast_in_dim3A_253 = vector.broadcast %broadcast_in_dim3A_252 : i1 to vector<16xi1>
      %masked_cumsum3A = tpu.scan <sum>, %select_n3A masked %broadcast_in_dim3A_253 : vector<16xi32>, vector<16xi1> -> vector<16xi32>
      %add3A_254 = vector.broadcast %scan3A_237 : i32 to vector<16xi32>
      %add3A_255 = arith.addi %add3A_254, %masked_cumsum3A : vector<16xi32>
      %sub3A_256 = arith.subi %add3A_255, %select_n3A : vector<16xi32>
      tpu.vector_store_idx %arg6[%sub3A_256], %get3A_241 masked %and3A : memref<16400xi32, #tpu.memory_space<vmem>>[vector<16xi32>], vector<16xi32>, vector<16xi1>
      tpu.vector_store_idx %arg7[%sub3A_256], %add3A_249 masked %and3A : memref<16400xi32, #tpu.memory_space<vmem>>[vector<16xi32>], vector<16xi32>, vector<16xi1>
      %reduce_sum3A = arith.constant true
      %reduce_sum3A_257 = vector.broadcast %reduce_sum3A : i1 to vector<16xi1>
      %reduce_sum3A_258 = tpu.scan <sum>, %select_n3A masked %reduce_sum3A_257 : vector<16xi32>, vector<16xi1> -> vector<16xi32>
      %reduce_sum3A_259 = vector.extract %reduce_sum3A_258[15] : i32 from vector<16xi32>
      %add3A_260 = arith.addi %scan3A_237, %reduce_sum3A_259 : i32
      scf.yield %add3A_260 : i32
    }
    %scan3A_102 = arith.constant 64 : i32
    "tpu.region"() ({
      %run_scoped3A = tpu.sem_alloc : memref<!tpu.dma_semaphore, #tpu.memory_space<semaphore_mem>>
      %dma_start3A_236 = arith.constant 2048 : i32
      %dma_start3A_237 = tpu.memref_slice %arg3[%dma_start3A_236] : memref<16384xi32, #tpu.memory_space<hbm>> -> memref<1024xi32, #tpu.memory_space<hbm>>
      %dma_start3A_238 = arith.constant 2048 : i32
      %dma_start3A_239 = tpu.memref_slice %arg3[%dma_start3A_238] : memref<16384xi32, #tpu.memory_space<hbm>> -> memref<1024xi32, #tpu.memory_space<hbm>>
      tpu.enqueue_dma source(%dma_start3A_239 : memref<1024xi32, #tpu.memory_space<hbm>>) target(%arg5 : memref<1024xi32, #tpu.memory_space<vmem>>) target_semaphore(%run_scoped3A : memref<!tpu.dma_semaphore, #tpu.memory_space<semaphore_mem>>)
      %dma_wait3A = arith.constant 2048 : i32
      %dma_wait3A_240 = tpu.memref_slice %arg3[%dma_wait3A] : memref<16384xi32, #tpu.memory_space<hbm>> -> memref<1024xi32, #tpu.memory_space<hbm>>
      %dma_wait3A_241 = arith.constant 2048 : i32
      %dma_wait3A_242 = tpu.memref_slice %arg3[%dma_wait3A_241] : memref<16384xi32, #tpu.memory_space<hbm>> -> memref<1024xi32, #tpu.memory_space<hbm>>
      tpu.wait_dma2 semaphore(%run_scoped3A : memref<!tpu.dma_semaphore, #tpu.memory_space<semaphore_mem>>) src(%dma_wait3A_242 : memref<1024xi32, #tpu.memory_space<hbm>>) dst(%arg5 : memref<1024xi32, #tpu.memory_space<vmem>>)
      tpu.yield
    }) : () -> ()
    %scan3A_103 = arith.constant 0 : i32
    %scan3A_104 = arith.constant 64 : i32
    %scan3A_105 = arith.addi %scan3A_103, %scan3A_104 : i32
    %scan3A_106 = arith.constant 1 : i32
    %scan3A_107 = scf.for %scan3A_236 = %scan3A_103 to %scan3A_105 step %scan3A_106 iter_args(%scan3A_237 = %scan3A_101) -> (i32)  : i32 {
      %mul3A_238 = arith.constant 16 : i32
      %mul3A_239 = arith.muli %scan3A_236, %mul3A_238 : i32
      %get3A_240 = arith.index_cast %mul3A_239 : i32 to index
      %get3A_241 = tpu.vector_load %arg5[%get3A_240] {strides = array<i32>} : memref<1024xi32, #tpu.memory_space<vmem>>, vector<16xi32>,
      %ge3A = vector.broadcast %mul3A_9 : i32 to vector<16xi32>
      %ge3A_242 = arith.cmpi sge, %get3A_241, %ge3A : vector<16xi32>
      %lt3A = vector.broadcast %mul3A_11 : i32 to vector<16xi32>
      %lt3A_243 = arith.cmpi slt, %get3A_241, %lt3A : vector<16xi32>
      %and3A = arith.andi %ge3A_242, %lt3A_243 : vector<16xi1>
      %mul3A_244 = arith.constant 16 : i32
      %mul3A_245 = arith.muli %scan3A_236, %mul3A_244 : i32
      %add3A_246 = arith.constant 2048 : i32
      %add3A_247 = arith.addi %add3A_246, %mul3A_245 : i32
      %add3A_248 = vector.broadcast %add3A_247 : i32 to vector<16xi32>
      %add3A_249 = arith.addi %iota3A, %add3A_248 : vector<16xi32>
      %jit3A = arith.constant 1 : i32
      %jit3A_250 = arith.constant 0 : i32
      %broadcast_in_dim3A = vector.broadcast %jit3A : i32 to vector<16xi32>
      %broadcast_in_dim3A_251 = vector.broadcast %jit3A_250 : i32 to vector<16xi32>
      %select_n3A = arith.select %and3A, %broadcast_in_dim3A, %broadcast_in_dim3A_251 : vector<16xi1>, vector<16xi32>
      %broadcast_in_dim3A_252 = arith.constant true
      %broadcast_in_dim3A_253 = vector.broadcast %broadcast_in_dim3A_252 : i1 to vector<16xi1>
      %masked_cumsum3A = tpu.scan <sum>, %select_n3A masked %broadcast_in_dim3A_253 : vector<16xi32>, vector<16xi1> -> vector<16xi32>
      %add3A_254 = vector.broadcast %scan3A_237 : i32 to vector<16xi32>
      %add3A_255 = arith.addi %add3A_254, %masked_cumsum3A : vector<16xi32>
      %sub3A_256 = arith.subi %add3A_255, %select_n3A : vector<16xi32>
      tpu.vector_store_idx %arg6[%sub3A_256], %get3A_241 masked %and3A : memref<16400xi32, #tpu.memory_space<vmem>>[vector<16xi32>], vector<16xi32>, vector<16xi1>
      tpu.vector_store_idx %arg7[%sub3A_256], %add3A_249 masked %and3A : memref<16400xi32, #tpu.memory_space<vmem>>[vector<16xi32>], vector<16xi32>, vector<16xi1>
      %reduce_sum3A = arith.constant true
      %reduce_sum3A_257 = vector.broadcast %reduce_sum3A : i1 to vector<16xi1>
      %reduce_sum3A_258 = tpu.scan <sum>, %select_n3A masked %reduce_sum3A_257 : vector<16xi32>, vector<16xi1> -> vector<16xi32>
      %reduce_sum3A_259 = vector.extract %reduce_sum3A_258[15] : i32 from vector<16xi32>
      %add3A_260 = arith.addi %scan3A_237, %reduce_sum3A_259 : i32
      scf.yield %add3A_260 : i32
    }
    %scan3A_108 = arith.constant 64 : i32
    "tpu.region"() ({
      %run_scoped3A = tpu.sem_alloc : memref<!tpu.dma_semaphore, #tpu.memory_space<semaphore_mem>>
      %dma_start3A_236 = arith.constant 3072 : i32
      %dma_start3A_237 = tpu.memref_slice %arg3[%dma_start3A_236] : memref<16384xi32, #tpu.memory_space<hbm>> -> memref<1024xi32, #tpu.memory_space<hbm>>
      %dma_start3A_238 = arith.constant 3072 : i32
      %dma_start3A_239 = tpu.memref_slice %arg3[%dma_start3A_238] : memref<16384xi32, #tpu.memory_space<hbm>> -> memref<1024xi32, #tpu.memory_space<hbm>>
      tpu.enqueue_dma source(%dma_start3A_239 : memref<1024xi32, #tpu.memory_space<hbm>>) target(%arg5 : memref<1024xi32, #tpu.memory_space<vmem>>) target_semaphore(%run_scoped3A : memref<!tpu.dma_semaphore, #tpu.memory_space<semaphore_mem>>)
      %dma_wait3A = arith.constant 3072 : i32
      %dma_wait3A_240 = tpu.memref_slice %arg3[%dma_wait3A] : memref<16384xi32, #tpu.memory_space<hbm>> -> memref<1024xi32, #tpu.memory_space<hbm>>
      %dma_wait3A_241 = arith.constant 3072 : i32
      %dma_wait3A_242 = tpu.memref_slice %arg3[%dma_wait3A_241] : memref<16384xi32, #tpu.memory_space<hbm>> -> memref<1024xi32, #tpu.memory_space<hbm>>
      tpu.wait_dma2 semaphore(%run_scoped3A : memref<!tpu.dma_semaphore, #tpu.memory_space<semaphore_mem>>) src(%dma_wait3A_242 : memref<1024xi32, #tpu.memory_space<hbm>>) dst(%arg5 : memref<1024xi32, #tpu.memory_space<vmem>>)
      tpu.yield
    }) : () -> ()
    %scan3A_109 = arith.constant 0 : i32
    %scan3A_110 = arith.constant 64 : i32
    %scan3A_111 = arith.addi %scan3A_109, %scan3A_110 : i32
    %scan3A_112 = arith.constant 1 : i32
    %scan3A_113 = scf.for %scan3A_236 = %scan3A_109 to %scan3A_111 step %scan3A_112 iter_args(%scan3A_237 = %scan3A_107) -> (i32)  : i32 {
      %mul3A_238 = arith.constant 16 : i32
      %mul3A_239 = arith.muli %scan3A_236, %mul3A_238 : i32
      %get3A_240 = arith.index_cast %mul3A_239 : i32 to index
      %get3A_241 = tpu.vector_load %arg5[%get3A_240] {strides = array<i32>} : memref<1024xi32, #tpu.memory_space<vmem>>, vector<16xi32>,
      %ge3A = vector.broadcast %mul3A_9 : i32 to vector<16xi32>
      %ge3A_242 = arith.cmpi sge, %get3A_241, %ge3A : vector<16xi32>
      %lt3A = vector.broadcast %mul3A_11 : i32 to vector<16xi32>
      %lt3A_243 = arith.cmpi slt, %get3A_241, %lt3A : vector<16xi32>
      %and3A = arith.andi %ge3A_242, %lt3A_243 : vector<16xi1>
      %mul3A_244 = arith.constant 16 : i32
      %mul3A_245 = arith.muli %scan3A_236, %mul3A_244 : i32
      %add3A_246 = arith.constant 3072 : i32
      %add3A_247 = arith.addi %add3A_246, %mul3A_245 : i32
      %add3A_248 = vector.broadcast %add3A_247 : i32 to vector<16xi32>
      %add3A_249 = arith.addi %iota3A, %add3A_248 : vector<16xi32>
      %jit3A = arith.constant 1 : i32
      %jit3A_250 = arith.constant 0 : i32
      %broadcast_in_dim3A = vector.broadcast %jit3A : i32 to vector<16xi32>
      %broadcast_in_dim3A_251 = vector.broadcast %jit3A_250 : i32 to vector<16xi32>
      %select_n3A = arith.select %and3A, %broadcast_in_dim3A, %broadcast_in_dim3A_251 : vector<16xi1>, vector<16xi32>
      %broadcast_in_dim3A_252 = arith.constant true
      %broadcast_in_dim3A_253 = vector.broadcast %broadcast_in_dim3A_252 : i1 to vector<16xi1>
      %masked_cumsum3A = tpu.scan <sum>, %select_n3A masked %broadcast_in_dim3A_253 : vector<16xi32>, vector<16xi1> -> vector<16xi32>
      %add3A_254 = vector.broadcast %scan3A_237 : i32 to vector<16xi32>
      %add3A_255 = arith.addi %add3A_254, %masked_cumsum3A : vector<16xi32>
      %sub3A_256 = arith.subi %add3A_255, %select_n3A : vector<16xi32>
      tpu.vector_store_idx %arg6[%sub3A_256], %get3A_241 masked %and3A : memref<16400xi32, #tpu.memory_space<vmem>>[vector<16xi32>], vector<16xi32>, vector<16xi1>
      tpu.vector_store_idx %arg7[%sub3A_256], %add3A_249 masked %and3A : memref<16400xi32, #tpu.memory_space<vmem>>[vector<16xi32>], vector<16xi32>, vector<16xi1>
      %reduce_sum3A = arith.constant true
      %reduce_sum3A_257 = vector.broadcast %reduce_sum3A : i1 to vector<16xi1>
      %reduce_sum3A_258 = tpu.scan <sum>, %select_n3A masked %reduce_sum3A_257 : vector<16xi32>, vector<16xi1> -> vector<16xi32>
      %reduce_sum3A_259 = vector.extract %reduce_sum3A_258[15] : i32 from vector<16xi32>
      %add3A_260 = arith.addi %scan3A_237, %reduce_sum3A_259 : i32
      scf.yield %add3A_260 : i32
    }
    %scan3A_114 = arith.constant 64 : i32
    "tpu.region"() ({
      %run_scoped3A = tpu.sem_alloc : memref<!tpu.dma_semaphore, #tpu.memory_space<semaphore_mem>>
      %dma_start3A_236 = arith.constant 4096 : i32
      %dma_start3A_237 = tpu.memref_slice %arg3[%dma_start3A_236] : memref<16384xi32, #tpu.memory_space<hbm>> -> memref<1024xi32, #tpu.memory_space<hbm>>
      %dma_start3A_238 = arith.constant 4096 : i32
      %dma_start3A_239 = tpu.memref_slice %arg3[%dma_start3A_238] : memref<16384xi32, #tpu.memory_space<hbm>> -> memref<1024xi32, #tpu.memory_space<hbm>>
      tpu.enqueue_dma source(%dma_start3A_239 : memref<1024xi32, #tpu.memory_space<hbm>>) target(%arg5 : memref<1024xi32, #tpu.memory_space<vmem>>) target_semaphore(%run_scoped3A : memref<!tpu.dma_semaphore, #tpu.memory_space<semaphore_mem>>)
      %dma_wait3A = arith.constant 4096 : i32
      %dma_wait3A_240 = tpu.memref_slice %arg3[%dma_wait3A] : memref<16384xi32, #tpu.memory_space<hbm>> -> memref<1024xi32, #tpu.memory_space<hbm>>
      %dma_wait3A_241 = arith.constant 4096 : i32
      %dma_wait3A_242 = tpu.memref_slice %arg3[%dma_wait3A_241] : memref<16384xi32, #tpu.memory_space<hbm>> -> memref<1024xi32, #tpu.memory_space<hbm>>
      tpu.wait_dma2 semaphore(%run_scoped3A : memref<!tpu.dma_semaphore, #tpu.memory_space<semaphore_mem>>) src(%dma_wait3A_242 : memref<1024xi32, #tpu.memory_space<hbm>>) dst(%arg5 : memref<1024xi32, #tpu.memory_space<vmem>>)
      tpu.yield
    }) : () -> ()
    %scan3A_115 = arith.constant 0 : i32
    %scan3A_116 = arith.constant 64 : i32
    %scan3A_117 = arith.addi %scan3A_115, %scan3A_116 : i32
    %scan3A_118 = arith.constant 1 : i32
    %scan3A_119 = scf.for %scan3A_236 = %scan3A_115 to %scan3A_117 step %scan3A_118 iter_args(%scan3A_237 = %scan3A_113) -> (i32)  : i32 {
      %mul3A_238 = arith.constant 16 : i32
      %mul3A_239 = arith.muli %scan3A_236, %mul3A_238 : i32
      %get3A_240 = arith.index_cast %mul3A_239 : i32 to index
      %get3A_241 = tpu.vector_load %arg5[%get3A_240] {strides = array<i32>} : memref<1024xi32, #tpu.memory_space<vmem>>, vector<16xi32>,
      %ge3A = vector.broadcast %mul3A_9 : i32 to vector<16xi32>
      %ge3A_242 = arith.cmpi sge, %get3A_241, %ge3A : vector<16xi32>
      %lt3A = vector.broadcast %mul3A_11 : i32 to vector<16xi32>
      %lt3A_243 = arith.cmpi slt, %get3A_241, %lt3A : vector<16xi32>
      %and3A = arith.andi %ge3A_242, %lt3A_243 : vector<16xi1>
      %mul3A_244 = arith.constant 16 : i32
      %mul3A_245 = arith.muli %scan3A_236, %mul3A_244 : i32
      %add3A_246 = arith.constant 4096 : i32
      %add3A_247 = arith.addi %add3A_246, %mul3A_245 : i32
      %add3A_248 = vector.broadcast %add3A_247 : i32 to vector<16xi32>
      %add3A_249 = arith.addi %iota3A, %add3A_248 : vector<16xi32>
      %jit3A = arith.constant 1 : i32
      %jit3A_250 = arith.constant 0 : i32
      %broadcast_in_dim3A = vector.broadcast %jit3A : i32 to vector<16xi32>
      %broadcast_in_dim3A_251 = vector.broadcast %jit3A_250 : i32 to vector<16xi32>
      %select_n3A = arith.select %and3A, %broadcast_in_dim3A, %broadcast_in_dim3A_251 : vector<16xi1>, vector<16xi32>
      %broadcast_in_dim3A_252 = arith.constant true
      %broadcast_in_dim3A_253 = vector.broadcast %broadcast_in_dim3A_252 : i1 to vector<16xi1>
      %masked_cumsum3A = tpu.scan <sum>, %select_n3A masked %broadcast_in_dim3A_253 : vector<16xi32>, vector<16xi1> -> vector<16xi32>
      %add3A_254 = vector.broadcast %scan3A_237 : i32 to vector<16xi32>
      %add3A_255 = arith.addi %add3A_254, %masked_cumsum3A : vector<16xi32>
      %sub3A_256 = arith.subi %add3A_255, %select_n3A : vector<16xi32>
      tpu.vector_store_idx %arg6[%sub3A_256], %get3A_241 masked %and3A : memref<16400xi32, #tpu.memory_space<vmem>>[vector<16xi32>], vector<16xi32>, vector<16xi1>
      tpu.vector_store_idx %arg7[%sub3A_256], %add3A_249 masked %and3A : memref<16400xi32, #tpu.memory_space<vmem>>[vector<16xi32>], vector<16xi32>, vector<16xi1>
      %reduce_sum3A = arith.constant true
      %reduce_sum3A_257 = vector.broadcast %reduce_sum3A : i1 to vector<16xi1>
      %reduce_sum3A_258 = tpu.scan <sum>, %select_n3A masked %reduce_sum3A_257 : vector<16xi32>, vector<16xi1> -> vector<16xi32>
      %reduce_sum3A_259 = vector.extract %reduce_sum3A_258[15] : i32 from vector<16xi32>
      %add3A_260 = arith.addi %scan3A_237, %reduce_sum3A_259 : i32
      scf.yield %add3A_260 : i32
    }
    %scan3A_120 = arith.constant 64 : i32
    "tpu.region"() ({
      %run_scoped3A = tpu.sem_alloc : memref<!tpu.dma_semaphore, #tpu.memory_space<semaphore_mem>>
      %dma_start3A_236 = arith.constant 5120 : i32
      %dma_start3A_237 = tpu.memref_slice %arg3[%dma_start3A_236] : memref<16384xi32, #tpu.memory_space<hbm>> -> memref<1024xi32, #tpu.memory_space<hbm>>
      %dma_start3A_238 = arith.constant 5120 : i32
      %dma_start3A_239 = tpu.memref_slice %arg3[%dma_start3A_238] : memref<16384xi32, #tpu.memory_space<hbm>> -> memref<1024xi32, #tpu.memory_space<hbm>>
      tpu.enqueue_dma source(%dma_start3A_239 : memref<1024xi32, #tpu.memory_space<hbm>>) target(%arg5 : memref<1024xi32, #tpu.memory_space<vmem>>) target_semaphore(%run_scoped3A : memref<!tpu.dma_semaphore, #tpu.memory_space<semaphore_mem>>)
      %dma_wait3A = arith.constant 5120 : i32
      %dma_wait3A_240 = tpu.memref_slice %arg3[%dma_wait3A] : memref<16384xi32, #tpu.memory_space<hbm>> -> memref<1024xi32, #tpu.memory_space<hbm>>
      %dma_wait3A_241 = arith.constant 5120 : i32
      %dma_wait3A_242 = tpu.memref_slice %arg3[%dma_wait3A_241] : memref<16384xi32, #tpu.memory_space<hbm>> -> memref<1024xi32, #tpu.memory_space<hbm>>
      tpu.wait_dma2 semaphore(%run_scoped3A : memref<!tpu.dma_semaphore, #tpu.memory_space<semaphore_mem>>) src(%dma_wait3A_242 : memref<1024xi32, #tpu.memory_space<hbm>>) dst(%arg5 : memref<1024xi32, #tpu.memory_space<vmem>>)
      tpu.yield
    }) : () -> ()
    %scan3A_121 = arith.constant 0 : i32
    %scan3A_122 = arith.constant 64 : i32
    %scan3A_123 = arith.addi %scan3A_121, %scan3A_122 : i32
    %scan3A_124 = arith.constant 1 : i32
    %scan3A_125 = scf.for %scan3A_236 = %scan3A_121 to %scan3A_123 step %scan3A_124 iter_args(%scan3A_237 = %scan3A_119) -> (i32)  : i32 {
      %mul3A_238 = arith.constant 16 : i32
      %mul3A_239 = arith.muli %scan3A_236, %mul3A_238 : i32
      %get3A_240 = arith.index_cast %mul3A_239 : i32 to index
      %get3A_241 = tpu.vector_load %arg5[%get3A_240] {strides = array<i32>} : memref<1024xi32, #tpu.memory_space<vmem>>, vector<16xi32>,
      %ge3A = vector.broadcast %mul3A_9 : i32 to vector<16xi32>
      %ge3A_242 = arith.cmpi sge, %get3A_241, %ge3A : vector<16xi32>
      %lt3A = vector.broadcast %mul3A_11 : i32 to vector<16xi32>
      %lt3A_243 = arith.cmpi slt, %get3A_241, %lt3A : vector<16xi32>
      %and3A = arith.andi %ge3A_242, %lt3A_243 : vector<16xi1>
      %mul3A_244 = arith.constant 16 : i32
      %mul3A_245 = arith.muli %scan3A_236, %mul3A_244 : i32
      %add3A_246 = arith.constant 5120 : i32
      %add3A_247 = arith.addi %add3A_246, %mul3A_245 : i32
      %add3A_248 = vector.broadcast %add3A_247 : i32 to vector<16xi32>
      %add3A_249 = arith.addi %iota3A, %add3A_248 : vector<16xi32>
      %jit3A = arith.constant 1 : i32
      %jit3A_250 = arith.constant 0 : i32
      %broadcast_in_dim3A = vector.broadcast %jit3A : i32 to vector<16xi32>
      %broadcast_in_dim3A_251 = vector.broadcast %jit3A_250 : i32 to vector<16xi32>
      %select_n3A = arith.select %and3A, %broadcast_in_dim3A, %broadcast_in_dim3A_251 : vector<16xi1>, vector<16xi32>
      %broadcast_in_dim3A_252 = arith.constant true
      %broadcast_in_dim3A_253 = vector.broadcast %broadcast_in_dim3A_252 : i1 to vector<16xi1>
      %masked_cumsum3A = tpu.scan <sum>, %select_n3A masked %broadcast_in_dim3A_253 : vector<16xi32>, vector<16xi1> -> vector<16xi32>
      %add3A_254 = vector.broadcast %scan3A_237 : i32 to vector<16xi32>
      %add3A_255 = arith.addi %add3A_254, %masked_cumsum3A : vector<16xi32>
      %sub3A_256 = arith.subi %add3A_255, %select_n3A : vector<16xi32>
      tpu.vector_store_idx %arg6[%sub3A_256], %get3A_241 masked %and3A : memref<16400xi32, #tpu.memory_space<vmem>>[vector<16xi32>], vector<16xi32>, vector<16xi1>
      tpu.vector_store_idx %arg7[%sub3A_256], %add3A_249 masked %and3A : memref<16400xi32, #tpu.memory_space<vmem>>[vector<16xi32>], vector<16xi32>, vector<16xi1>
      %reduce_sum3A = arith.constant true
      %reduce_sum3A_257 = vector.broadcast %reduce_sum3A : i1 to vector<16xi1>
      %reduce_sum3A_258 = tpu.scan <sum>, %select_n3A masked %reduce_sum3A_257 : vector<16xi32>, vector<16xi1> -> vector<16xi32>
      %reduce_sum3A_259 = vector.extract %reduce_sum3A_258[15] : i32 from vector<16xi32>
      %add3A_260 = arith.addi %scan3A_237, %reduce_sum3A_259 : i32
      scf.yield %add3A_260 : i32
    }
    %scan3A_126 = arith.constant 64 : i32
    "tpu.region"() ({
      %run_scoped3A = tpu.sem_alloc : memref<!tpu.dma_semaphore, #tpu.memory_space<semaphore_mem>>
      %dma_start3A_236 = arith.constant 6144 : i32
      %dma_start3A_237 = tpu.memref_slice %arg3[%dma_start3A_236] : memref<16384xi32, #tpu.memory_space<hbm>> -> memref<1024xi32, #tpu.memory_space<hbm>>
      %dma_start3A_238 = arith.constant 6144 : i32
      %dma_start3A_239 = tpu.memref_slice %arg3[%dma_start3A_238] : memref<16384xi32, #tpu.memory_space<hbm>> -> memref<1024xi32, #tpu.memory_space<hbm>>
      tpu.enqueue_dma source(%dma_start3A_239 : memref<1024xi32, #tpu.memory_space<hbm>>) target(%arg5 : memref<1024xi32, #tpu.memory_space<vmem>>) target_semaphore(%run_scoped3A : memref<!tpu.dma_semaphore, #tpu.memory_space<semaphore_mem>>)
      %dma_wait3A = arith.constant 6144 : i32
      %dma_wait3A_240 = tpu.memref_slice %arg3[%dma_wait3A] : memref<16384xi32, #tpu.memory_space<hbm>> -> memref<1024xi32, #tpu.memory_space<hbm>>
      %dma_wait3A_241 = arith.constant 6144 : i32
      %dma_wait3A_242 = tpu.memref_slice %arg3[%dma_wait3A_241] : memref<16384xi32, #tpu.memory_space<hbm>> -> memref<1024xi32, #tpu.memory_space<hbm>>
      tpu.wait_dma2 semaphore(%run_scoped3A : memref<!tpu.dma_semaphore, #tpu.memory_space<semaphore_mem>>) src(%dma_wait3A_242 : memref<1024xi32, #tpu.memory_space<hbm>>) dst(%arg5 : memref<1024xi32, #tpu.memory_space<vmem>>)
      tpu.yield
    }) : () -> ()
    %scan3A_127 = arith.constant 0 : i32
    %scan3A_128 = arith.constant 64 : i32
    %scan3A_129 = arith.addi %scan3A_127, %scan3A_128 : i32
    %scan3A_130 = arith.constant 1 : i32
    %scan3A_131 = scf.for %scan3A_236 = %scan3A_127 to %scan3A_129 step %scan3A_130 iter_args(%scan3A_237 = %scan3A_125) -> (i32)  : i32 {
      %mul3A_238 = arith.constant 16 : i32
      %mul3A_239 = arith.muli %scan3A_236, %mul3A_238 : i32
      %get3A_240 = arith.index_cast %mul3A_239 : i32 to index
      %get3A_241 = tpu.vector_load %arg5[%get3A_240] {strides = array<i32>} : memref<1024xi32, #tpu.memory_space<vmem>>, vector<16xi32>,
      %ge3A = vector.broadcast %mul3A_9 : i32 to vector<16xi32>
      %ge3A_242 = arith.cmpi sge, %get3A_241, %ge3A : vector<16xi32>
      %lt3A = vector.broadcast %mul3A_11 : i32 to vector<16xi32>
      %lt3A_243 = arith.cmpi slt, %get3A_241, %lt3A : vector<16xi32>
      %and3A = arith.andi %ge3A_242, %lt3A_243 : vector<16xi1>
      %mul3A_244 = arith.constant 16 : i32
      %mul3A_245 = arith.muli %scan3A_236, %mul3A_244 : i32
      %add3A_246 = arith.constant 6144 : i32
      %add3A_247 = arith.addi %add3A_246, %mul3A_245 : i32
      %add3A_248 = vector.broadcast %add3A_247 : i32 to vector<16xi32>
      %add3A_249 = arith.addi %iota3A, %add3A_248 : vector<16xi32>
      %jit3A = arith.constant 1 : i32
      %jit3A_250 = arith.constant 0 : i32
      %broadcast_in_dim3A = vector.broadcast %jit3A : i32 to vector<16xi32>
      %broadcast_in_dim3A_251 = vector.broadcast %jit3A_250 : i32 to vector<16xi32>
      %select_n3A = arith.select %and3A, %broadcast_in_dim3A, %broadcast_in_dim3A_251 : vector<16xi1>, vector<16xi32>
      %broadcast_in_dim3A_252 = arith.constant true
      %broadcast_in_dim3A_253 = vector.broadcast %broadcast_in_dim3A_252 : i1 to vector<16xi1>
      %masked_cumsum3A = tpu.scan <sum>, %select_n3A masked %broadcast_in_dim3A_253 : vector<16xi32>, vector<16xi1> -> vector<16xi32>
      %add3A_254 = vector.broadcast %scan3A_237 : i32 to vector<16xi32>
      %add3A_255 = arith.addi %add3A_254, %masked_cumsum3A : vector<16xi32>
      %sub3A_256 = arith.subi %add3A_255, %select_n3A : vector<16xi32>
      tpu.vector_store_idx %arg6[%sub3A_256], %get3A_241 masked %and3A : memref<16400xi32, #tpu.memory_space<vmem>>[vector<16xi32>], vector<16xi32>, vector<16xi1>
      tpu.vector_store_idx %arg7[%sub3A_256], %add3A_249 masked %and3A : memref<16400xi32, #tpu.memory_space<vmem>>[vector<16xi32>], vector<16xi32>, vector<16xi1>
      %reduce_sum3A = arith.constant true
      %reduce_sum3A_257 = vector.broadcast %reduce_sum3A : i1 to vector<16xi1>
      %reduce_sum3A_258 = tpu.scan <sum>, %select_n3A masked %reduce_sum3A_257 : vector<16xi32>, vector<16xi1> -> vector<16xi32>
      %reduce_sum3A_259 = vector.extract %reduce_sum3A_258[15] : i32 from vector<16xi32>
      %add3A_260 = arith.addi %scan3A_237, %reduce_sum3A_259 : i32
      scf.yield %add3A_260 : i32
    }
    %scan3A_132 = arith.constant 64 : i32
    "tpu.region"() ({
      %run_scoped3A = tpu.sem_alloc : memref<!tpu.dma_semaphore, #tpu.memory_space<semaphore_mem>>
      %dma_start3A_236 = arith.constant 7168 : i32
      %dma_start3A_237 = tpu.memref_slice %arg3[%dma_start3A_236] : memref<16384xi32, #tpu.memory_space<hbm>> -> memref<1024xi32, #tpu.memory_space<hbm>>
      %dma_start3A_238 = arith.constant 7168 : i32
      %dma_start3A_239 = tpu.memref_slice %arg3[%dma_start3A_238] : memref<16384xi32, #tpu.memory_space<hbm>> -> memref<1024xi32, #tpu.memory_space<hbm>>
      tpu.enqueue_dma source(%dma_start3A_239 : memref<1024xi32, #tpu.memory_space<hbm>>) target(%arg5 : memref<1024xi32, #tpu.memory_space<vmem>>) target_semaphore(%run_scoped3A : memref<!tpu.dma_semaphore, #tpu.memory_space<semaphore_mem>>)
      %dma_wait3A = arith.constant 7168 : i32
      %dma_wait3A_240 = tpu.memref_slice %arg3[%dma_wait3A] : memref<16384xi32, #tpu.memory_space<hbm>> -> memref<1024xi32, #tpu.memory_space<hbm>>
      %dma_wait3A_241 = arith.constant 7168 : i32
      %dma_wait3A_242 = tpu.memref_slice %arg3[%dma_wait3A_241] : memref<16384xi32, #tpu.memory_space<hbm>> -> memref<1024xi32, #tpu.memory_space<hbm>>
      tpu.wait_dma2 semaphore(%run_scoped3A : memref<!tpu.dma_semaphore, #tpu.memory_space<semaphore_mem>>) src(%dma_wait3A_242 : memref<1024xi32, #tpu.memory_space<hbm>>) dst(%arg5 : memref<1024xi32, #tpu.memory_space<vmem>>)
      tpu.yield
    }) : () -> ()
    %scan3A_133 = arith.constant 0 : i32
    %scan3A_134 = arith.constant 64 : i32
    %scan3A_135 = arith.addi %scan3A_133, %scan3A_134 : i32
    %scan3A_136 = arith.constant 1 : i32
    %scan3A_137 = scf.for %scan3A_236 = %scan3A_133 to %scan3A_135 step %scan3A_136 iter_args(%scan3A_237 = %scan3A_131) -> (i32)  : i32 {
      %mul3A_238 = arith.constant 16 : i32
      %mul3A_239 = arith.muli %scan3A_236, %mul3A_238 : i32
      %get3A_240 = arith.index_cast %mul3A_239 : i32 to index
      %get3A_241 = tpu.vector_load %arg5[%get3A_240] {strides = array<i32>} : memref<1024xi32, #tpu.memory_space<vmem>>, vector<16xi32>,
      %ge3A = vector.broadcast %mul3A_9 : i32 to vector<16xi32>
      %ge3A_242 = arith.cmpi sge, %get3A_241, %ge3A : vector<16xi32>
      %lt3A = vector.broadcast %mul3A_11 : i32 to vector<16xi32>
      %lt3A_243 = arith.cmpi slt, %get3A_241, %lt3A : vector<16xi32>
      %and3A = arith.andi %ge3A_242, %lt3A_243 : vector<16xi1>
      %mul3A_244 = arith.constant 16 : i32
      %mul3A_245 = arith.muli %scan3A_236, %mul3A_244 : i32
      %add3A_246 = arith.constant 7168 : i32
      %add3A_247 = arith.addi %add3A_246, %mul3A_245 : i32
      %add3A_248 = vector.broadcast %add3A_247 : i32 to vector<16xi32>
      %add3A_249 = arith.addi %iota3A, %add3A_248 : vector<16xi32>
      %jit3A = arith.constant 1 : i32
      %jit3A_250 = arith.constant 0 : i32
      %broadcast_in_dim3A = vector.broadcast %jit3A : i32 to vector<16xi32>
      %broadcast_in_dim3A_251 = vector.broadcast %jit3A_250 : i32 to vector<16xi32>
      %select_n3A = arith.select %and3A, %broadcast_in_dim3A, %broadcast_in_dim3A_251 : vector<16xi1>, vector<16xi32>
      %broadcast_in_dim3A_252 = arith.constant true
      %broadcast_in_dim3A_253 = vector.broadcast %broadcast_in_dim3A_252 : i1 to vector<16xi1>
      %masked_cumsum3A = tpu.scan <sum>, %select_n3A masked %broadcast_in_dim3A_253 : vector<16xi32>, vector<16xi1> -> vector<16xi32>
      %add3A_254 = vector.broadcast %scan3A_237 : i32 to vector<16xi32>
      %add3A_255 = arith.addi %add3A_254, %masked_cumsum3A : vector<16xi32>
      %sub3A_256 = arith.subi %add3A_255, %select_n3A : vector<16xi32>
      tpu.vector_store_idx %arg6[%sub3A_256], %get3A_241 masked %and3A : memref<16400xi32, #tpu.memory_space<vmem>>[vector<16xi32>], vector<16xi32>, vector<16xi1>
      tpu.vector_store_idx %arg7[%sub3A_256], %add3A_249 masked %and3A : memref<16400xi32, #tpu.memory_space<vmem>>[vector<16xi32>], vector<16xi32>, vector<16xi1>
      %reduce_sum3A = arith.constant true
      %reduce_sum3A_257 = vector.broadcast %reduce_sum3A : i1 to vector<16xi1>
      %reduce_sum3A_258 = tpu.scan <sum>, %select_n3A masked %reduce_sum3A_257 : vector<16xi32>, vector<16xi1> -> vector<16xi32>
      %reduce_sum3A_259 = vector.extract %reduce_sum3A_258[15] : i32 from vector<16xi32>
      %add3A_260 = arith.addi %scan3A_237, %reduce_sum3A_259 : i32
      scf.yield %add3A_260 : i32
    }
    %scan3A_138 = arith.constant 64 : i32
    "tpu.region"() ({
      %run_scoped3A = tpu.sem_alloc : memref<!tpu.dma_semaphore, #tpu.memory_space<semaphore_mem>>
      %dma_start3A_236 = arith.constant 8192 : i32
      %dma_start3A_237 = tpu.memref_slice %arg3[%dma_start3A_236] : memref<16384xi32, #tpu.memory_space<hbm>> -> memref<1024xi32, #tpu.memory_space<hbm>>
      %dma_start3A_238 = arith.constant 8192 : i32
      %dma_start3A_239 = tpu.memref_slice %arg3[%dma_start3A_238] : memref<16384xi32, #tpu.memory_space<hbm>> -> memref<1024xi32, #tpu.memory_space<hbm>>
      tpu.enqueue_dma source(%dma_start3A_239 : memref<1024xi32, #tpu.memory_space<hbm>>) target(%arg5 : memref<1024xi32, #tpu.memory_space<vmem>>) target_semaphore(%run_scoped3A : memref<!tpu.dma_semaphore, #tpu.memory_space<semaphore_mem>>)
      %dma_wait3A = arith.constant 8192 : i32
      %dma_wait3A_240 = tpu.memref_slice %arg3[%dma_wait3A] : memref<16384xi32, #tpu.memory_space<hbm>> -> memref<1024xi32, #tpu.memory_space<hbm>>
      %dma_wait3A_241 = arith.constant 8192 : i32
      %dma_wait3A_242 = tpu.memref_slice %arg3[%dma_wait3A_241] : memref<16384xi32, #tpu.memory_space<hbm>> -> memref<1024xi32, #tpu.memory_space<hbm>>
      tpu.wait_dma2 semaphore(%run_scoped3A : memref<!tpu.dma_semaphore, #tpu.memory_space<semaphore_mem>>) src(%dma_wait3A_242 : memref<1024xi32, #tpu.memory_space<hbm>>) dst(%arg5 : memref<1024xi32, #tpu.memory_space<vmem>>)
      tpu.yield
    }) : () -> ()
    %scan3A_139 = arith.constant 0 : i32
    %scan3A_140 = arith.constant 64 : i32
    %scan3A_141 = arith.addi %scan3A_139, %scan3A_140 : i32
    %scan3A_142 = arith.constant 1 : i32
    %scan3A_143 = scf.for %scan3A_236 = %scan3A_139 to %scan3A_141 step %scan3A_142 iter_args(%scan3A_237 = %scan3A_137) -> (i32)  : i32 {
      %mul3A_238 = arith.constant 16 : i32
      %mul3A_239 = arith.muli %scan3A_236, %mul3A_238 : i32
      %get3A_240 = arith.index_cast %mul3A_239 : i32 to index
      %get3A_241 = tpu.vector_load %arg5[%get3A_240] {strides = array<i32>} : memref<1024xi32, #tpu.memory_space<vmem>>, vector<16xi32>,
      %ge3A = vector.broadcast %mul3A_9 : i32 to vector<16xi32>
      %ge3A_242 = arith.cmpi sge, %get3A_241, %ge3A : vector<16xi32>
      %lt3A = vector.broadcast %mul3A_11 : i32 to vector<16xi32>
      %lt3A_243 = arith.cmpi slt, %get3A_241, %lt3A : vector<16xi32>
      %and3A = arith.andi %ge3A_242, %lt3A_243 : vector<16xi1>
      %mul3A_244 = arith.constant 16 : i32
      %mul3A_245 = arith.muli %scan3A_236, %mul3A_244 : i32
      %add3A_246 = arith.constant 8192 : i32
      %add3A_247 = arith.addi %add3A_246, %mul3A_245 : i32
      %add3A_248 = vector.broadcast %add3A_247 : i32 to vector<16xi32>
      %add3A_249 = arith.addi %iota3A, %add3A_248 : vector<16xi32>
      %jit3A = arith.constant 1 : i32
      %jit3A_250 = arith.constant 0 : i32
      %broadcast_in_dim3A = vector.broadcast %jit3A : i32 to vector<16xi32>
      %broadcast_in_dim3A_251 = vector.broadcast %jit3A_250 : i32 to vector<16xi32>
      %select_n3A = arith.select %and3A, %broadcast_in_dim3A, %broadcast_in_dim3A_251 : vector<16xi1>, vector<16xi32>
      %broadcast_in_dim3A_252 = arith.constant true
      %broadcast_in_dim3A_253 = vector.broadcast %broadcast_in_dim3A_252 : i1 to vector<16xi1>
      %masked_cumsum3A = tpu.scan <sum>, %select_n3A masked %broadcast_in_dim3A_253 : vector<16xi32>, vector<16xi1> -> vector<16xi32>
      %add3A_254 = vector.broadcast %scan3A_237 : i32 to vector<16xi32>
      %add3A_255 = arith.addi %add3A_254, %masked_cumsum3A : vector<16xi32>
      %sub3A_256 = arith.subi %add3A_255, %select_n3A : vector<16xi32>
      tpu.vector_store_idx %arg6[%sub3A_256], %get3A_241 masked %and3A : memref<16400xi32, #tpu.memory_space<vmem>>[vector<16xi32>], vector<16xi32>, vector<16xi1>
      tpu.vector_store_idx %arg7[%sub3A_256], %add3A_249 masked %and3A : memref<16400xi32, #tpu.memory_space<vmem>>[vector<16xi32>], vector<16xi32>, vector<16xi1>
      %reduce_sum3A = arith.constant true
      %reduce_sum3A_257 = vector.broadcast %reduce_sum3A : i1 to vector<16xi1>
      %reduce_sum3A_258 = tpu.scan <sum>, %select_n3A masked %reduce_sum3A_257 : vector<16xi32>, vector<16xi1> -> vector<16xi32>
      %reduce_sum3A_259 = vector.extract %reduce_sum3A_258[15] : i32 from vector<16xi32>
      %add3A_260 = arith.addi %scan3A_237, %reduce_sum3A_259 : i32
      scf.yield %add3A_260 : i32
    }
    %scan3A_144 = arith.constant 64 : i32
    "tpu.region"() ({
      %run_scoped3A = tpu.sem_alloc : memref<!tpu.dma_semaphore, #tpu.memory_space<semaphore_mem>>
      %dma_start3A_236 = arith.constant 9216 : i32
      %dma_start3A_237 = tpu.memref_slice %arg3[%dma_start3A_236] : memref<16384xi32, #tpu.memory_space<hbm>> -> memref<1024xi32, #tpu.memory_space<hbm>>
      %dma_start3A_238 = arith.constant 9216 : i32
      %dma_start3A_239 = tpu.memref_slice %arg3[%dma_start3A_238] : memref<16384xi32, #tpu.memory_space<hbm>> -> memref<1024xi32, #tpu.memory_space<hbm>>
      tpu.enqueue_dma source(%dma_start3A_239 : memref<1024xi32, #tpu.memory_space<hbm>>) target(%arg5 : memref<1024xi32, #tpu.memory_space<vmem>>) target_semaphore(%run_scoped3A : memref<!tpu.dma_semaphore, #tpu.memory_space<semaphore_mem>>)
      %dma_wait3A = arith.constant 9216 : i32
      %dma_wait3A_240 = tpu.memref_slice %arg3[%dma_wait3A] : memref<16384xi32, #tpu.memory_space<hbm>> -> memref<1024xi32, #tpu.memory_space<hbm>>
      %dma_wait3A_241 = arith.constant 9216 : i32
      %dma_wait3A_242 = tpu.memref_slice %arg3[%dma_wait3A_241] : memref<16384xi32, #tpu.memory_space<hbm>> -> memref<1024xi32, #tpu.memory_space<hbm>>
      tpu.wait_dma2 semaphore(%run_scoped3A : memref<!tpu.dma_semaphore, #tpu.memory_space<semaphore_mem>>) src(%dma_wait3A_242 : memref<1024xi32, #tpu.memory_space<hbm>>) dst(%arg5 : memref<1024xi32, #tpu.memory_space<vmem>>)
      tpu.yield
    }) : () -> ()
    %scan3A_145 = arith.constant 0 : i32
    %scan3A_146 = arith.constant 64 : i32
    %scan3A_147 = arith.addi %scan3A_145, %scan3A_146 : i32
    %scan3A_148 = arith.constant 1 : i32
    %scan3A_149 = scf.for %scan3A_236 = %scan3A_145 to %scan3A_147 step %scan3A_148 iter_args(%scan3A_237 = %scan3A_143) -> (i32)  : i32 {
      %mul3A_238 = arith.constant 16 : i32
      %mul3A_239 = arith.muli %scan3A_236, %mul3A_238 : i32
      %get3A_240 = arith.index_cast %mul3A_239 : i32 to index
      %get3A_241 = tpu.vector_load %arg5[%get3A_240] {strides = array<i32>} : memref<1024xi32, #tpu.memory_space<vmem>>, vector<16xi32>,
      %ge3A = vector.broadcast %mul3A_9 : i32 to vector<16xi32>
      %ge3A_242 = arith.cmpi sge, %get3A_241, %ge3A : vector<16xi32>
      %lt3A = vector.broadcast %mul3A_11 : i32 to vector<16xi32>
      %lt3A_243 = arith.cmpi slt, %get3A_241, %lt3A : vector<16xi32>
      %and3A = arith.andi %ge3A_242, %lt3A_243 : vector<16xi1>
      %mul3A_244 = arith.constant 16 : i32
      %mul3A_245 = arith.muli %scan3A_236, %mul3A_244 : i32
      %add3A_246 = arith.constant 9216 : i32
      %add3A_247 = arith.addi %add3A_246, %mul3A_245 : i32
      %add3A_248 = vector.broadcast %add3A_247 : i32 to vector<16xi32>
      %add3A_249 = arith.addi %iota3A, %add3A_248 : vector<16xi32>
      %jit3A = arith.constant 1 : i32
      %jit3A_250 = arith.constant 0 : i32
      %broadcast_in_dim3A = vector.broadcast %jit3A : i32 to vector<16xi32>
      %broadcast_in_dim3A_251 = vector.broadcast %jit3A_250 : i32 to vector<16xi32>
      %select_n3A = arith.select %and3A, %broadcast_in_dim3A, %broadcast_in_dim3A_251 : vector<16xi1>, vector<16xi32>
      %broadcast_in_dim3A_252 = arith.constant true
      %broadcast_in_dim3A_253 = vector.broadcast %broadcast_in_dim3A_252 : i1 to vector<16xi1>
      %masked_cumsum3A = tpu.scan <sum>, %select_n3A masked %broadcast_in_dim3A_253 : vector<16xi32>, vector<16xi1> -> vector<16xi32>
      %add3A_254 = vector.broadcast %scan3A_237 : i32 to vector<16xi32>
      %add3A_255 = arith.addi %add3A_254, %masked_cumsum3A : vector<16xi32>
      %sub3A_256 = arith.subi %add3A_255, %select_n3A : vector<16xi32>
      tpu.vector_store_idx %arg6[%sub3A_256], %get3A_241 masked %and3A : memref<16400xi32, #tpu.memory_space<vmem>>[vector<16xi32>], vector<16xi32>, vector<16xi1>
      tpu.vector_store_idx %arg7[%sub3A_256], %add3A_249 masked %and3A : memref<16400xi32, #tpu.memory_space<vmem>>[vector<16xi32>], vector<16xi32>, vector<16xi1>
      %reduce_sum3A = arith.constant true
      %reduce_sum3A_257 = vector.broadcast %reduce_sum3A : i1 to vector<16xi1>
      %reduce_sum3A_258 = tpu.scan <sum>, %select_n3A masked %reduce_sum3A_257 : vector<16xi32>, vector<16xi1> -> vector<16xi32>
      %reduce_sum3A_259 = vector.extract %reduce_sum3A_258[15] : i32 from vector<16xi32>
      %add3A_260 = arith.addi %scan3A_237, %reduce_sum3A_259 : i32
      scf.yield %add3A_260 : i32
    }
    %scan3A_150 = arith.constant 64 : i32
    "tpu.region"() ({
      %run_scoped3A = tpu.sem_alloc : memref<!tpu.dma_semaphore, #tpu.memory_space<semaphore_mem>>
      %dma_start3A_236 = arith.constant 10240 : i32
      %dma_start3A_237 = tpu.memref_slice %arg3[%dma_start3A_236] : memref<16384xi32, #tpu.memory_space<hbm>> -> memref<1024xi32, #tpu.memory_space<hbm>>
      %dma_start3A_238 = arith.constant 10240 : i32
      %dma_start3A_239 = tpu.memref_slice %arg3[%dma_start3A_238] : memref<16384xi32, #tpu.memory_space<hbm>> -> memref<1024xi32, #tpu.memory_space<hbm>>
      tpu.enqueue_dma source(%dma_start3A_239 : memref<1024xi32, #tpu.memory_space<hbm>>) target(%arg5 : memref<1024xi32, #tpu.memory_space<vmem>>) target_semaphore(%run_scoped3A : memref<!tpu.dma_semaphore, #tpu.memory_space<semaphore_mem>>)
      %dma_wait3A = arith.constant 10240 : i32
      %dma_wait3A_240 = tpu.memref_slice %arg3[%dma_wait3A] : memref<16384xi32, #tpu.memory_space<hbm>> -> memref<1024xi32, #tpu.memory_space<hbm>>
      %dma_wait3A_241 = arith.constant 10240 : i32
      %dma_wait3A_242 = tpu.memref_slice %arg3[%dma_wait3A_241] : memref<16384xi32, #tpu.memory_space<hbm>> -> memref<1024xi32, #tpu.memory_space<hbm>>
      tpu.wait_dma2 semaphore(%run_scoped3A : memref<!tpu.dma_semaphore, #tpu.memory_space<semaphore_mem>>) src(%dma_wait3A_242 : memref<1024xi32, #tpu.memory_space<hbm>>) dst(%arg5 : memref<1024xi32, #tpu.memory_space<vmem>>)
      tpu.yield
    }) : () -> ()
    %scan3A_151 = arith.constant 0 : i32
    %scan3A_152 = arith.constant 64 : i32
    %scan3A_153 = arith.addi %scan3A_151, %scan3A_152 : i32
    %scan3A_154 = arith.constant 1 : i32
    %scan3A_155 = scf.for %scan3A_236 = %scan3A_151 to %scan3A_153 step %scan3A_154 iter_args(%scan3A_237 = %scan3A_149) -> (i32)  : i32 {
      %mul3A_238 = arith.constant 16 : i32
      %mul3A_239 = arith.muli %scan3A_236, %mul3A_238 : i32
      %get3A_240 = arith.index_cast %mul3A_239 : i32 to index
      %get3A_241 = tpu.vector_load %arg5[%get3A_240] {strides = array<i32>} : memref<1024xi32, #tpu.memory_space<vmem>>, vector<16xi32>,
      %ge3A = vector.broadcast %mul3A_9 : i32 to vector<16xi32>
      %ge3A_242 = arith.cmpi sge, %get3A_241, %ge3A : vector<16xi32>
      %lt3A = vector.broadcast %mul3A_11 : i32 to vector<16xi32>
      %lt3A_243 = arith.cmpi slt, %get3A_241, %lt3A : vector<16xi32>
      %and3A = arith.andi %ge3A_242, %lt3A_243 : vector<16xi1>
      %mul3A_244 = arith.constant 16 : i32
      %mul3A_245 = arith.muli %scan3A_236, %mul3A_244 : i32
      %add3A_246 = arith.constant 10240 : i32
      %add3A_247 = arith.addi %add3A_246, %mul3A_245 : i32
      %add3A_248 = vector.broadcast %add3A_247 : i32 to vector<16xi32>
      %add3A_249 = arith.addi %iota3A, %add3A_248 : vector<16xi32>
      %jit3A = arith.constant 1 : i32
      %jit3A_250 = arith.constant 0 : i32
      %broadcast_in_dim3A = vector.broadcast %jit3A : i32 to vector<16xi32>
      %broadcast_in_dim3A_251 = vector.broadcast %jit3A_250 : i32 to vector<16xi32>
      %select_n3A = arith.select %and3A, %broadcast_in_dim3A, %broadcast_in_dim3A_251 : vector<16xi1>, vector<16xi32>
      %broadcast_in_dim3A_252 = arith.constant true
      %broadcast_in_dim3A_253 = vector.broadcast %broadcast_in_dim3A_252 : i1 to vector<16xi1>
      %masked_cumsum3A = tpu.scan <sum>, %select_n3A masked %broadcast_in_dim3A_253 : vector<16xi32>, vector<16xi1> -> vector<16xi32>
      %add3A_254 = vector.broadcast %scan3A_237 : i32 to vector<16xi32>
      %add3A_255 = arith.addi %add3A_254, %masked_cumsum3A : vector<16xi32>
      %sub3A_256 = arith.subi %add3A_255, %select_n3A : vector<16xi32>
      tpu.vector_store_idx %arg6[%sub3A_256], %get3A_241 masked %and3A : memref<16400xi32, #tpu.memory_space<vmem>>[vector<16xi32>], vector<16xi32>, vector<16xi1>
      tpu.vector_store_idx %arg7[%sub3A_256], %add3A_249 masked %and3A : memref<16400xi32, #tpu.memory_space<vmem>>[vector<16xi32>], vector<16xi32>, vector<16xi1>
      %reduce_sum3A = arith.constant true
      %reduce_sum3A_257 = vector.broadcast %reduce_sum3A : i1 to vector<16xi1>
      %reduce_sum3A_258 = tpu.scan <sum>, %select_n3A masked %reduce_sum3A_257 : vector<16xi32>, vector<16xi1> -> vector<16xi32>
      %reduce_sum3A_259 = vector.extract %reduce_sum3A_258[15] : i32 from vector<16xi32>
      %add3A_260 = arith.addi %scan3A_237, %reduce_sum3A_259 : i32
      scf.yield %add3A_260 : i32
    }
    %scan3A_156 = arith.constant 64 : i32
    "tpu.region"() ({
      %run_scoped3A = tpu.sem_alloc : memref<!tpu.dma_semaphore, #tpu.memory_space<semaphore_mem>>
      %dma_start3A_236 = arith.constant 11264 : i32
      %dma_start3A_237 = tpu.memref_slice %arg3[%dma_start3A_236] : memref<16384xi32, #tpu.memory_space<hbm>> -> memref<1024xi32, #tpu.memory_space<hbm>>
      %dma_start3A_238 = arith.constant 11264 : i32
      %dma_start3A_239 = tpu.memref_slice %arg3[%dma_start3A_238] : memref<16384xi32, #tpu.memory_space<hbm>> -> memref<1024xi32, #tpu.memory_space<hbm>>
      tpu.enqueue_dma source(%dma_start3A_239 : memref<1024xi32, #tpu.memory_space<hbm>>) target(%arg5 : memref<1024xi32, #tpu.memory_space<vmem>>) target_semaphore(%run_scoped3A : memref<!tpu.dma_semaphore, #tpu.memory_space<semaphore_mem>>)
      %dma_wait3A = arith.constant 11264 : i32
      %dma_wait3A_240 = tpu.memref_slice %arg3[%dma_wait3A] : memref<16384xi32, #tpu.memory_space<hbm>> -> memref<1024xi32, #tpu.memory_space<hbm>>
      %dma_wait3A_241 = arith.constant 11264 : i32
      %dma_wait3A_242 = tpu.memref_slice %arg3[%dma_wait3A_241] : memref<16384xi32, #tpu.memory_space<hbm>> -> memref<1024xi32, #tpu.memory_space<hbm>>
      tpu.wait_dma2 semaphore(%run_scoped3A : memref<!tpu.dma_semaphore, #tpu.memory_space<semaphore_mem>>) src(%dma_wait3A_242 : memref<1024xi32, #tpu.memory_space<hbm>>) dst(%arg5 : memref<1024xi32, #tpu.memory_space<vmem>>)
      tpu.yield
    }) : () -> ()
    %scan3A_157 = arith.constant 0 : i32
    %scan3A_158 = arith.constant 64 : i32
    %scan3A_159 = arith.addi %scan3A_157, %scan3A_158 : i32
    %scan3A_160 = arith.constant 1 : i32
    %scan3A_161 = scf.for %scan3A_236 = %scan3A_157 to %scan3A_159 step %scan3A_160 iter_args(%scan3A_237 = %scan3A_155) -> (i32)  : i32 {
      %mul3A_238 = arith.constant 16 : i32
      %mul3A_239 = arith.muli %scan3A_236, %mul3A_238 : i32
      %get3A_240 = arith.index_cast %mul3A_239 : i32 to index
      %get3A_241 = tpu.vector_load %arg5[%get3A_240] {strides = array<i32>} : memref<1024xi32, #tpu.memory_space<vmem>>, vector<16xi32>,
      %ge3A = vector.broadcast %mul3A_9 : i32 to vector<16xi32>
      %ge3A_242 = arith.cmpi sge, %get3A_241, %ge3A : vector<16xi32>
      %lt3A = vector.broadcast %mul3A_11 : i32 to vector<16xi32>
      %lt3A_243 = arith.cmpi slt, %get3A_241, %lt3A : vector<16xi32>
      %and3A = arith.andi %ge3A_242, %lt3A_243 : vector<16xi1>
      %mul3A_244 = arith.constant 16 : i32
      %mul3A_245 = arith.muli %scan3A_236, %mul3A_244 : i32
      %add3A_246 = arith.constant 11264 : i32
      %add3A_247 = arith.addi %add3A_246, %mul3A_245 : i32
      %add3A_248 = vector.broadcast %add3A_247 : i32 to vector<16xi32>
      %add3A_249 = arith.addi %iota3A, %add3A_248 : vector<16xi32>
      %jit3A = arith.constant 1 : i32
      %jit3A_250 = arith.constant 0 : i32
      %broadcast_in_dim3A = vector.broadcast %jit3A : i32 to vector<16xi32>
      %broadcast_in_dim3A_251 = vector.broadcast %jit3A_250 : i32 to vector<16xi32>
      %select_n3A = arith.select %and3A, %broadcast_in_dim3A, %broadcast_in_dim3A_251 : vector<16xi1>, vector<16xi32>
      %broadcast_in_dim3A_252 = arith.constant true
      %broadcast_in_dim3A_253 = vector.broadcast %broadcast_in_dim3A_252 : i1 to vector<16xi1>
      %masked_cumsum3A = tpu.scan <sum>, %select_n3A masked %broadcast_in_dim3A_253 : vector<16xi32>, vector<16xi1> -> vector<16xi32>
      %add3A_254 = vector.broadcast %scan3A_237 : i32 to vector<16xi32>
      %add3A_255 = arith.addi %add3A_254, %masked_cumsum3A : vector<16xi32>
      %sub3A_256 = arith.subi %add3A_255, %select_n3A : vector<16xi32>
      tpu.vector_store_idx %arg6[%sub3A_256], %get3A_241 masked %and3A : memref<16400xi32, #tpu.memory_space<vmem>>[vector<16xi32>], vector<16xi32>, vector<16xi1>
      tpu.vector_store_idx %arg7[%sub3A_256], %add3A_249 masked %and3A : memref<16400xi32, #tpu.memory_space<vmem>>[vector<16xi32>], vector<16xi32>, vector<16xi1>
      %reduce_sum3A = arith.constant true
      %reduce_sum3A_257 = vector.broadcast %reduce_sum3A : i1 to vector<16xi1>
      %reduce_sum3A_258 = tpu.scan <sum>, %select_n3A masked %reduce_sum3A_257 : vector<16xi32>, vector<16xi1> -> vector<16xi32>
      %reduce_sum3A_259 = vector.extract %reduce_sum3A_258[15] : i32 from vector<16xi32>
      %add3A_260 = arith.addi %scan3A_237, %reduce_sum3A_259 : i32
      scf.yield %add3A_260 : i32
    }
    %scan3A_162 = arith.constant 64 : i32
    "tpu.region"() ({
      %run_scoped3A = tpu.sem_alloc : memref<!tpu.dma_semaphore, #tpu.memory_space<semaphore_mem>>
      %dma_start3A_236 = arith.constant 12288 : i32
      %dma_start3A_237 = tpu.memref_slice %arg3[%dma_start3A_236] : memref<16384xi32, #tpu.memory_space<hbm>> -> memref<1024xi32, #tpu.memory_space<hbm>>
      %dma_start3A_238 = arith.constant 12288 : i32
      %dma_start3A_239 = tpu.memref_slice %arg3[%dma_start3A_238] : memref<16384xi32, #tpu.memory_space<hbm>> -> memref<1024xi32, #tpu.memory_space<hbm>>
      tpu.enqueue_dma source(%dma_start3A_239 : memref<1024xi32, #tpu.memory_space<hbm>>) target(%arg5 : memref<1024xi32, #tpu.memory_space<vmem>>) target_semaphore(%run_scoped3A : memref<!tpu.dma_semaphore, #tpu.memory_space<semaphore_mem>>)
      %dma_wait3A = arith.constant 12288 : i32
      %dma_wait3A_240 = tpu.memref_slice %arg3[%dma_wait3A] : memref<16384xi32, #tpu.memory_space<hbm>> -> memref<1024xi32, #tpu.memory_space<hbm>>
      %dma_wait3A_241 = arith.constant 12288 : i32
      %dma_wait3A_242 = tpu.memref_slice %arg3[%dma_wait3A_241] : memref<16384xi32, #tpu.memory_space<hbm>> -> memref<1024xi32, #tpu.memory_space<hbm>>
      tpu.wait_dma2 semaphore(%run_scoped3A : memref<!tpu.dma_semaphore, #tpu.memory_space<semaphore_mem>>) src(%dma_wait3A_242 : memref<1024xi32, #tpu.memory_space<hbm>>) dst(%arg5 : memref<1024xi32, #tpu.memory_space<vmem>>)
      tpu.yield
    }) : () -> ()
    %scan3A_163 = arith.constant 0 : i32
    %scan3A_164 = arith.constant 64 : i32
    %scan3A_165 = arith.addi %scan3A_163, %scan3A_164 : i32
    %scan3A_166 = arith.constant 1 : i32
    %scan3A_167 = scf.for %scan3A_236 = %scan3A_163 to %scan3A_165 step %scan3A_166 iter_args(%scan3A_237 = %scan3A_161) -> (i32)  : i32 {
      %mul3A_238 = arith.constant 16 : i32
      %mul3A_239 = arith.muli %scan3A_236, %mul3A_238 : i32
      %get3A_240 = arith.index_cast %mul3A_239 : i32 to index
      %get3A_241 = tpu.vector_load %arg5[%get3A_240] {strides = array<i32>} : memref<1024xi32, #tpu.memory_space<vmem>>, vector<16xi32>,
      %ge3A = vector.broadcast %mul3A_9 : i32 to vector<16xi32>
      %ge3A_242 = arith.cmpi sge, %get3A_241, %ge3A : vector<16xi32>
      %lt3A = vector.broadcast %mul3A_11 : i32 to vector<16xi32>
      %lt3A_243 = arith.cmpi slt, %get3A_241, %lt3A : vector<16xi32>
      %and3A = arith.andi %ge3A_242, %lt3A_243 : vector<16xi1>
      %mul3A_244 = arith.constant 16 : i32
      %mul3A_245 = arith.muli %scan3A_236, %mul3A_244 : i32
      %add3A_246 = arith.constant 12288 : i32
      %add3A_247 = arith.addi %add3A_246, %mul3A_245 : i32
      %add3A_248 = vector.broadcast %add3A_247 : i32 to vector<16xi32>
      %add3A_249 = arith.addi %iota3A, %add3A_248 : vector<16xi32>
      %jit3A = arith.constant 1 : i32
      %jit3A_250 = arith.constant 0 : i32
      %broadcast_in_dim3A = vector.broadcast %jit3A : i32 to vector<16xi32>
      %broadcast_in_dim3A_251 = vector.broadcast %jit3A_250 : i32 to vector<16xi32>
      %select_n3A = arith.select %and3A, %broadcast_in_dim3A, %broadcast_in_dim3A_251 : vector<16xi1>, vector<16xi32>
      %broadcast_in_dim3A_252 = arith.constant true
      %broadcast_in_dim3A_253 = vector.broadcast %broadcast_in_dim3A_252 : i1 to vector<16xi1>
      %masked_cumsum3A = tpu.scan <sum>, %select_n3A masked %broadcast_in_dim3A_253 : vector<16xi32>, vector<16xi1> -> vector<16xi32>
      %add3A_254 = vector.broadcast %scan3A_237 : i32 to vector<16xi32>
      %add3A_255 = arith.addi %add3A_254, %masked_cumsum3A : vector<16xi32>
      %sub3A_256 = arith.subi %add3A_255, %select_n3A : vector<16xi32>
      tpu.vector_store_idx %arg6[%sub3A_256], %get3A_241 masked %and3A : memref<16400xi32, #tpu.memory_space<vmem>>[vector<16xi32>], vector<16xi32>, vector<16xi1>
      tpu.vector_store_idx %arg7[%sub3A_256], %add3A_249 masked %and3A : memref<16400xi32, #tpu.memory_space<vmem>>[vector<16xi32>], vector<16xi32>, vector<16xi1>
      %reduce_sum3A = arith.constant true
      %reduce_sum3A_257 = vector.broadcast %reduce_sum3A : i1 to vector<16xi1>
      %reduce_sum3A_258 = tpu.scan <sum>, %select_n3A masked %reduce_sum3A_257 : vector<16xi32>, vector<16xi1> -> vector<16xi32>
      %reduce_sum3A_259 = vector.extract %reduce_sum3A_258[15] : i32 from vector<16xi32>
      %add3A_260 = arith.addi %scan3A_237, %reduce_sum3A_259 : i32
      scf.yield %add3A_260 : i32
    }
    %scan3A_168 = arith.constant 64 : i32
    "tpu.region"() ({
      %run_scoped3A = tpu.sem_alloc : memref<!tpu.dma_semaphore, #tpu.memory_space<semaphore_mem>>
      %dma_start3A_236 = arith.constant 13312 : i32
      %dma_start3A_237 = tpu.memref_slice %arg3[%dma_start3A_236] : memref<16384xi32, #tpu.memory_space<hbm>> -> memref<1024xi32, #tpu.memory_space<hbm>>
      %dma_start3A_238 = arith.constant 13312 : i32
      %dma_start3A_239 = tpu.memref_slice %arg3[%dma_start3A_238] : memref<16384xi32, #tpu.memory_space<hbm>> -> memref<1024xi32, #tpu.memory_space<hbm>>
      tpu.enqueue_dma source(%dma_start3A_239 : memref<1024xi32, #tpu.memory_space<hbm>>) target(%arg5 : memref<1024xi32, #tpu.memory_space<vmem>>) target_semaphore(%run_scoped3A : memref<!tpu.dma_semaphore, #tpu.memory_space<semaphore_mem>>)
      %dma_wait3A = arith.constant 13312 : i32
      %dma_wait3A_240 = tpu.memref_slice %arg3[%dma_wait3A] : memref<16384xi32, #tpu.memory_space<hbm>> -> memref<1024xi32, #tpu.memory_space<hbm>>
      %dma_wait3A_241 = arith.constant 13312 : i32
      %dma_wait3A_242 = tpu.memref_slice %arg3[%dma_wait3A_241] : memref<16384xi32, #tpu.memory_space<hbm>> -> memref<1024xi32, #tpu.memory_space<hbm>>
      tpu.wait_dma2 semaphore(%run_scoped3A : memref<!tpu.dma_semaphore, #tpu.memory_space<semaphore_mem>>) src(%dma_wait3A_242 : memref<1024xi32, #tpu.memory_space<hbm>>) dst(%arg5 : memref<1024xi32, #tpu.memory_space<vmem>>)
      tpu.yield
    }) : () -> ()
    %scan3A_169 = arith.constant 0 : i32
    %scan3A_170 = arith.constant 64 : i32
    %scan3A_171 = arith.addi %scan3A_169, %scan3A_170 : i32
    %scan3A_172 = arith.constant 1 : i32
    %scan3A_173 = scf.for %scan3A_236 = %scan3A_169 to %scan3A_171 step %scan3A_172 iter_args(%scan3A_237 = %scan3A_167) -> (i32)  : i32 {
      %mul3A_238 = arith.constant 16 : i32
      %mul3A_239 = arith.muli %scan3A_236, %mul3A_238 : i32
      %get3A_240 = arith.index_cast %mul3A_239 : i32 to index
      %get3A_241 = tpu.vector_load %arg5[%get3A_240] {strides = array<i32>} : memref<1024xi32, #tpu.memory_space<vmem>>, vector<16xi32>,
      %ge3A = vector.broadcast %mul3A_9 : i32 to vector<16xi32>
      %ge3A_242 = arith.cmpi sge, %get3A_241, %ge3A : vector<16xi32>
      %lt3A = vector.broadcast %mul3A_11 : i32 to vector<16xi32>
      %lt3A_243 = arith.cmpi slt, %get3A_241, %lt3A : vector<16xi32>
      %and3A = arith.andi %ge3A_242, %lt3A_243 : vector<16xi1>
      %mul3A_244 = arith.constant 16 : i32
      %mul3A_245 = arith.muli %scan3A_236, %mul3A_244 : i32
      %add3A_246 = arith.constant 13312 : i32
      %add3A_247 = arith.addi %add3A_246, %mul3A_245 : i32
      %add3A_248 = vector.broadcast %add3A_247 : i32 to vector<16xi32>
      %add3A_249 = arith.addi %iota3A, %add3A_248 : vector<16xi32>
      %jit3A = arith.constant 1 : i32
      %jit3A_250 = arith.constant 0 : i32
      %broadcast_in_dim3A = vector.broadcast %jit3A : i32 to vector<16xi32>
      %broadcast_in_dim3A_251 = vector.broadcast %jit3A_250 : i32 to vector<16xi32>
      %select_n3A = arith.select %and3A, %broadcast_in_dim3A, %broadcast_in_dim3A_251 : vector<16xi1>, vector<16xi32>
      %broadcast_in_dim3A_252 = arith.constant true
      %broadcast_in_dim3A_253 = vector.broadcast %broadcast_in_dim3A_252 : i1 to vector<16xi1>
      %masked_cumsum3A = tpu.scan <sum>, %select_n3A masked %broadcast_in_dim3A_253 : vector<16xi32>, vector<16xi1> -> vector<16xi32>
      %add3A_254 = vector.broadcast %scan3A_237 : i32 to vector<16xi32>
      %add3A_255 = arith.addi %add3A_254, %masked_cumsum3A : vector<16xi32>
      %sub3A_256 = arith.subi %add3A_255, %select_n3A : vector<16xi32>
      tpu.vector_store_idx %arg6[%sub3A_256], %get3A_241 masked %and3A : memref<16400xi32, #tpu.memory_space<vmem>>[vector<16xi32>], vector<16xi32>, vector<16xi1>
      tpu.vector_store_idx %arg7[%sub3A_256], %add3A_249 masked %and3A : memref<16400xi32, #tpu.memory_space<vmem>>[vector<16xi32>], vector<16xi32>, vector<16xi1>
      %reduce_sum3A = arith.constant true
      %reduce_sum3A_257 = vector.broadcast %reduce_sum3A : i1 to vector<16xi1>
      %reduce_sum3A_258 = tpu.scan <sum>, %select_n3A masked %reduce_sum3A_257 : vector<16xi32>, vector<16xi1> -> vector<16xi32>
      %reduce_sum3A_259 = vector.extract %reduce_sum3A_258[15] : i32 from vector<16xi32>
      %add3A_260 = arith.addi %scan3A_237, %reduce_sum3A_259 : i32
      scf.yield %add3A_260 : i32
    }
    %scan3A_174 = arith.constant 64 : i32
    "tpu.region"() ({
      %run_scoped3A = tpu.sem_alloc : memref<!tpu.dma_semaphore, #tpu.memory_space<semaphore_mem>>
      %dma_start3A_236 = arith.constant 14336 : i32
      %dma_start3A_237 = tpu.memref_slice %arg3[%dma_start3A_236] : memref<16384xi32, #tpu.memory_space<hbm>> -> memref<1024xi32, #tpu.memory_space<hbm>>
      %dma_start3A_238 = arith.constant 14336 : i32
      %dma_start3A_239 = tpu.memref_slice %arg3[%dma_start3A_238] : memref<16384xi32, #tpu.memory_space<hbm>> -> memref<1024xi32, #tpu.memory_space<hbm>>
      tpu.enqueue_dma source(%dma_start3A_239 : memref<1024xi32, #tpu.memory_space<hbm>>) target(%arg5 : memref<1024xi32, #tpu.memory_space<vmem>>) target_semaphore(%run_scoped3A : memref<!tpu.dma_semaphore, #tpu.memory_space<semaphore_mem>>)
      %dma_wait3A = arith.constant 14336 : i32
      %dma_wait3A_240 = tpu.memref_slice %arg3[%dma_wait3A] : memref<16384xi32, #tpu.memory_space<hbm>> -> memref<1024xi32, #tpu.memory_space<hbm>>
      %dma_wait3A_241 = arith.constant 14336 : i32
      %dma_wait3A_242 = tpu.memref_slice %arg3[%dma_wait3A_241] : memref<16384xi32, #tpu.memory_space<hbm>> -> memref<1024xi32, #tpu.memory_space<hbm>>
      tpu.wait_dma2 semaphore(%run_scoped3A : memref<!tpu.dma_semaphore, #tpu.memory_space<semaphore_mem>>) src(%dma_wait3A_242 : memref<1024xi32, #tpu.memory_space<hbm>>) dst(%arg5 : memref<1024xi32, #tpu.memory_space<vmem>>)
      tpu.yield
    }) : () -> ()
    %scan3A_175 = arith.constant 0 : i32
    %scan3A_176 = arith.constant 64 : i32
    %scan3A_177 = arith.addi %scan3A_175, %scan3A_176 : i32
    %scan3A_178 = arith.constant 1 : i32
    %scan3A_179 = scf.for %scan3A_236 = %scan3A_175 to %scan3A_177 step %scan3A_178 iter_args(%scan3A_237 = %scan3A_173) -> (i32)  : i32 {
      %mul3A_238 = arith.constant 16 : i32
      %mul3A_239 = arith.muli %scan3A_236, %mul3A_238 : i32
      %get3A_240 = arith.index_cast %mul3A_239 : i32 to index
      %get3A_241 = tpu.vector_load %arg5[%get3A_240] {strides = array<i32>} : memref<1024xi32, #tpu.memory_space<vmem>>, vector<16xi32>,
      %ge3A = vector.broadcast %mul3A_9 : i32 to vector<16xi32>
      %ge3A_242 = arith.cmpi sge, %get3A_241, %ge3A : vector<16xi32>
      %lt3A = vector.broadcast %mul3A_11 : i32 to vector<16xi32>
      %lt3A_243 = arith.cmpi slt, %get3A_241, %lt3A : vector<16xi32>
      %and3A = arith.andi %ge3A_242, %lt3A_243 : vector<16xi1>
      %mul3A_244 = arith.constant 16 : i32
      %mul3A_245 = arith.muli %scan3A_236, %mul3A_244 : i32
      %add3A_246 = arith.constant 14336 : i32
      %add3A_247 = arith.addi %add3A_246, %mul3A_245 : i32
      %add3A_248 = vector.broadcast %add3A_247 : i32 to vector<16xi32>
      %add3A_249 = arith.addi %iota3A, %add3A_248 : vector<16xi32>
      %jit3A = arith.constant 1 : i32
      %jit3A_250 = arith.constant 0 : i32
      %broadcast_in_dim3A = vector.broadcast %jit3A : i32 to vector<16xi32>
      %broadcast_in_dim3A_251 = vector.broadcast %jit3A_250 : i32 to vector<16xi32>
      %select_n3A = arith.select %and3A, %broadcast_in_dim3A, %broadcast_in_dim3A_251 : vector<16xi1>, vector<16xi32>
      %broadcast_in_dim3A_252 = arith.constant true
      %broadcast_in_dim3A_253 = vector.broadcast %broadcast_in_dim3A_252 : i1 to vector<16xi1>
      %masked_cumsum3A = tpu.scan <sum>, %select_n3A masked %broadcast_in_dim3A_253 : vector<16xi32>, vector<16xi1> -> vector<16xi32>
      %add3A_254 = vector.broadcast %scan3A_237 : i32 to vector<16xi32>
      %add3A_255 = arith.addi %add3A_254, %masked_cumsum3A : vector<16xi32>
      %sub3A_256 = arith.subi %add3A_255, %select_n3A : vector<16xi32>
      tpu.vector_store_idx %arg6[%sub3A_256], %get3A_241 masked %and3A : memref<16400xi32, #tpu.memory_space<vmem>>[vector<16xi32>], vector<16xi32>, vector<16xi1>
      tpu.vector_store_idx %arg7[%sub3A_256], %add3A_249 masked %and3A : memref<16400xi32, #tpu.memory_space<vmem>>[vector<16xi32>], vector<16xi32>, vector<16xi1>
      %reduce_sum3A = arith.constant true
      %reduce_sum3A_257 = vector.broadcast %reduce_sum3A : i1 to vector<16xi1>
      %reduce_sum3A_258 = tpu.scan <sum>, %select_n3A masked %reduce_sum3A_257 : vector<16xi32>, vector<16xi1> -> vector<16xi32>
      %reduce_sum3A_259 = vector.extract %reduce_sum3A_258[15] : i32 from vector<16xi32>
      %add3A_260 = arith.addi %scan3A_237, %reduce_sum3A_259 : i32
      scf.yield %add3A_260 : i32
    }
    %scan3A_180 = arith.constant 64 : i32
    "tpu.region"() ({
      %run_scoped3A = tpu.sem_alloc : memref<!tpu.dma_semaphore, #tpu.memory_space<semaphore_mem>>
      %dma_start3A_236 = arith.constant 15360 : i32
      %dma_start3A_237 = tpu.memref_slice %arg3[%dma_start3A_236] : memref<16384xi32, #tpu.memory_space<hbm>> -> memref<1024xi32, #tpu.memory_space<hbm>>
      %dma_start3A_238 = arith.constant 15360 : i32
      %dma_start3A_239 = tpu.memref_slice %arg3[%dma_start3A_238] : memref<16384xi32, #tpu.memory_space<hbm>> -> memref<1024xi32, #tpu.memory_space<hbm>>
      tpu.enqueue_dma source(%dma_start3A_239 : memref<1024xi32, #tpu.memory_space<hbm>>) target(%arg5 : memref<1024xi32, #tpu.memory_space<vmem>>) target_semaphore(%run_scoped3A : memref<!tpu.dma_semaphore, #tpu.memory_space<semaphore_mem>>)
      %dma_wait3A = arith.constant 15360 : i32
      %dma_wait3A_240 = tpu.memref_slice %arg3[%dma_wait3A] : memref<16384xi32, #tpu.memory_space<hbm>> -> memref<1024xi32, #tpu.memory_space<hbm>>
      %dma_wait3A_241 = arith.constant 15360 : i32
      %dma_wait3A_242 = tpu.memref_slice %arg3[%dma_wait3A_241] : memref<16384xi32, #tpu.memory_space<hbm>> -> memref<1024xi32, #tpu.memory_space<hbm>>
      tpu.wait_dma2 semaphore(%run_scoped3A : memref<!tpu.dma_semaphore, #tpu.memory_space<semaphore_mem>>) src(%dma_wait3A_242 : memref<1024xi32, #tpu.memory_space<hbm>>) dst(%arg5 : memref<1024xi32, #tpu.memory_space<vmem>>)
      tpu.yield
    }) : () -> ()
    %scan3A_181 = arith.constant 0 : i32
    %scan3A_182 = arith.constant 64 : i32
    %scan3A_183 = arith.addi %scan3A_181, %scan3A_182 : i32
    %scan3A_184 = arith.constant 1 : i32
    %scan3A_185 = scf.for %scan3A_236 = %scan3A_181 to %scan3A_183 step %scan3A_184 iter_args(%scan3A_237 = %scan3A_179) -> (i32)  : i32 {
      %mul3A_238 = arith.constant 16 : i32
      %mul3A_239 = arith.muli %scan3A_236, %mul3A_238 : i32
      %get3A_240 = arith.index_cast %mul3A_239 : i32 to index
      %get3A_241 = tpu.vector_load %arg5[%get3A_240] {strides = array<i32>} : memref<1024xi32, #tpu.memory_space<vmem>>, vector<16xi32>,
      %ge3A = vector.broadcast %mul3A_9 : i32 to vector<16xi32>
      %ge3A_242 = arith.cmpi sge, %get3A_241, %ge3A : vector<16xi32>
      %lt3A = vector.broadcast %mul3A_11 : i32 to vector<16xi32>
      %lt3A_243 = arith.cmpi slt, %get3A_241, %lt3A : vector<16xi32>
      %and3A = arith.andi %ge3A_242, %lt3A_243 : vector<16xi1>
      %mul3A_244 = arith.constant 16 : i32
      %mul3A_245 = arith.muli %scan3A_236, %mul3A_244 : i32
      %add3A_246 = arith.constant 15360 : i32
      %add3A_247 = arith.addi %add3A_246, %mul3A_245 : i32
      %add3A_248 = vector.broadcast %add3A_247 : i32 to vector<16xi32>
      %add3A_249 = arith.addi %iota3A, %add3A_248 : vector<16xi32>
      %jit3A = arith.constant 1 : i32
      %jit3A_250 = arith.constant 0 : i32
      %broadcast_in_dim3A = vector.broadcast %jit3A : i32 to vector<16xi32>
      %broadcast_in_dim3A_251 = vector.broadcast %jit3A_250 : i32 to vector<16xi32>
      %select_n3A = arith.select %and3A, %broadcast_in_dim3A, %broadcast_in_dim3A_251 : vector<16xi1>, vector<16xi32>
      %broadcast_in_dim3A_252 = arith.constant true
      %broadcast_in_dim3A_253 = vector.broadcast %broadcast_in_dim3A_252 : i1 to vector<16xi1>
      %masked_cumsum3A = tpu.scan <sum>, %select_n3A masked %broadcast_in_dim3A_253 : vector<16xi32>, vector<16xi1> -> vector<16xi32>
      %add3A_254 = vector.broadcast %scan3A_237 : i32 to vector<16xi32>
      %add3A_255 = arith.addi %add3A_254, %masked_cumsum3A : vector<16xi32>
      %sub3A_256 = arith.subi %add3A_255, %select_n3A : vector<16xi32>
      tpu.vector_store_idx %arg6[%sub3A_256], %get3A_241 masked %and3A : memref<16400xi32, #tpu.memory_space<vmem>>[vector<16xi32>], vector<16xi32>, vector<16xi1>
      tpu.vector_store_idx %arg7[%sub3A_256], %add3A_249 masked %and3A : memref<16400xi32, #tpu.memory_space<vmem>>[vector<16xi32>], vector<16xi32>, vector<16xi1>
      %reduce_sum3A = arith.constant true
      %reduce_sum3A_257 = vector.broadcast %reduce_sum3A : i1 to vector<16xi1>
      %reduce_sum3A_258 = tpu.scan <sum>, %select_n3A masked %reduce_sum3A_257 : vector<16xi32>, vector<16xi1> -> vector<16xi32>
      %reduce_sum3A_259 = vector.extract %reduce_sum3A_258[15] : i32 from vector<16xi32>
      %add3A_260 = arith.addi %scan3A_237, %reduce_sum3A_259 : i32
      scf.yield %add3A_260 : i32
    }
    %scan3A_186 = arith.constant 64 : i32
    %swap3A_187 = arith.constant 0 : i32
    %swap3A_188 = arith.constant 0 : i32
    %swap3A_189 = arith.index_cast %swap3A_188 : i32 to index
    %swap3A_190 = memref.load %arg13[%swap3A_189] : memref<8xi32, #tpu.memory_space<smem>>
    memref.store %swap3A_187, %arg13[%swap3A_189] : memref<8xi32, #tpu.memory_space<smem>>
    %swap3A_191 = arith.constant 0 : i32
    %swap3A_192 = arith.constant 1 : i32
    %swap3A_193 = arith.index_cast %swap3A_192 : i32 to index
    %swap3A_194 = memref.load %arg13[%swap3A_193] : memref<8xi32, #tpu.memory_space<smem>>
    memref.store %swap3A_191, %arg13[%swap3A_193] : memref<8xi32, #tpu.memory_space<smem>>
    %swap3A_195 = arith.constant 0 : i32
    %swap3A_196 = arith.constant 2 : i32
    %swap3A_197 = arith.index_cast %swap3A_196 : i32 to index
    %swap3A_198 = memref.load %arg13[%swap3A_197] : memref<8xi32, #tpu.memory_space<smem>>
    memref.store %swap3A_195, %arg13[%swap3A_197] : memref<8xi32, #tpu.memory_space<smem>>
    %swap3A_199 = arith.constant 3 : i32
    %swap3A_200 = arith.index_cast %swap3A_199 : i32 to index
    %swap3A_201 = memref.load %arg13[%swap3A_200] : memref<8xi32, #tpu.memory_space<smem>>
    memref.store %scan3A_185, %arg13[%swap3A_200] : memref<8xi32, #tpu.memory_space<smem>>
    %mul3A_202 = arith.constant 0 : i32
    %mul3A_203 = arith.constant 4 : i32
    %mul3A_204 = arith.muli %mul3A_202, %mul3A_203 : i32
    %add3A_205 = arith.addi %min3A_3, %mul3A_204 : i32
    %sub3A = arith.constant 4 : i32
    %sub3A_206 = arith.subi %min3A_7, %sub3A : i32
    %min3A_207 = arith.minsi %add3A_205, %sub3A_206 : i32
    %max3A = arith.maxsi %min3A_3, %min3A_207 : i32
    %mul3A_208 = arith.constant 128 : i32
    %mul3A_209 = arith.muli %max3A, %mul3A_208 : i32
    %dma_start3A = arith.constant 0 : i32
    %dma_start3A_210 = arith.constant 0 : i32
    %dma_start3A_211 = arith.constant 0 : i32
    %dma_start3A_212 = tpu.memref_slice %arg8[%dma_start3A, %dma_start3A_210, %dma_start3A_211] : memref<2x64x512xf32, #tpu.memory_space<vmem>> -> memref<1x64x512xf32, #tpu.memory_space<vmem>>
    %dma_start3A_213 = tpu.memref_squeeze %dma_start3A_212 : memref<1x64x512xf32, #tpu.memory_space<vmem>> -> memref<64x512xf32, #tpu.memory_space<vmem>>
    %dma_start3A_214 = arith.constant 0 : i32
    %dma_start3A_215 = tpu.memref_slice %arg2[%dma_start3A_214, %mul3A_209] : memref<64x1000000xf32, #tpu.memory_space<hbm>> -> memref<64x512xf32, #tpu.memory_space<hbm>>
    %dma_start3A_216 = arith.constant 0 : i32
    %dma_start3A_217 = arith.constant 0 : i32
    %dma_start3A_218 = tpu.memref_slice %arg8[%dma_start3A, %dma_start3A_216, %dma_start3A_217] : memref<2x64x512xf32, #tpu.memory_space<vmem>> -> memref<1x64x512xf32, #tpu.memory_space<vmem>>
    %dma_start3A_219 = tpu.memref_squeeze %dma_start3A_218 : memref<1x64x512xf32, #tpu.memory_space<vmem>> -> memref<64x512xf32, #tpu.memory_space<vmem>>
    %dma_start3A_220 = arith.constant 0 : i32
    %dma_start3A_221 = tpu.memref_slice %arg2[%dma_start3A_220, %mul3A_209] : memref<64x1000000xf32, #tpu.memory_space<hbm>> -> memref<64x512xf32, #tpu.memory_space<hbm>>
    tpu.enqueue_dma source(%dma_start3A_221 : memref<64x512xf32, #tpu.memory_space<hbm>>) target(%dma_start3A_219 : memref<64x512xf32, #tpu.memory_space<vmem>>) target_semaphore(%arg15 : memref<!tpu.dma_semaphore, #tpu.memory_space<semaphore_mem>>)
    %scan3A_222 = arith.constant 0 : i32
    %scan3A_223 = arith.constant 0 : i32
    %scan3A_224 = arith.constant 62 : i32
    %scan3A_225 = arith.addi %scan3A_223, %scan3A_224 : i32
    %scan3A_226 = arith.constant 1 : i32
    scf.for %scan3A_236 = %scan3A_223 to %scan3A_225 step %scan3A_226  : i32 {
      %and3A = arith.constant 1 : i32
      %and3A_237 = arith.andi %scan3A_236, %and3A : i32
      %mul3A_238 = arith.constant 4 : i32
      %mul3A_239 = arith.muli %scan3A_236, %mul3A_238 : i32
      %add3A_240 = arith.addi %min3A_3, %mul3A_239 : i32
      %sub3A_241 = arith.constant 4 : i32
      %sub3A_242 = arith.subi %min3A_7, %sub3A_241 : i32
      %min3A_243 = arith.minsi %add3A_240, %sub3A_242 : i32
      %max3A_244 = arith.maxsi %min3A_3, %min3A_243 : i32
      %and3A_245 = arith.constant 1 : i32
      %and3A_246 = arith.andi %scan3A_236, %and3A_245 : i32
      %eq3A = arith.constant 0 : i32
      %eq3A_247 = arith.cmpi eq, %and3A_246, %eq3A : i32
      %lt3A = arith.constant 61 : i32
      %lt3A_248 = arith.cmpi slt, %scan3A_236, %lt3A : i32
      %and3A_249 = arith.andi %eq3A_247, %lt3A_248 : i1
      %convert_element_type3A_250 = arith.extui %and3A_249 : i1 to i32
      %cond3A_251 = arith.constant 0 : i32
      %cond3A_252 = arith.cmpi ne, %convert_element_type3A_250, %cond3A_251 : i32
      scf.if %cond3A_252 {
        %add3A_360 = arith.constant 1 : i32
        %add3A_361 = arith.addi %scan3A_236, %add3A_360 : i32
        %mul3A_362 = arith.constant 4 : i32
        %mul3A_363 = arith.muli %add3A_361, %mul3A_362 : i32
        %add3A_364 = arith.addi %min3A_3, %mul3A_363 : i32
        %sub3A_365 = arith.constant 4 : i32
        %sub3A_366 = arith.subi %min3A_7, %sub3A_365 : i32
        %min3A_367 = arith.minsi %add3A_364, %sub3A_366 : i32
        %max3A_368 = arith.maxsi %min3A_3, %min3A_367 : i32
        %mul3A_369 = arith.constant 128 : i32
        %mul3A_370 = arith.muli %max3A_368, %mul3A_369 : i32
        %dma_start3A_371 = arith.constant 1 : i32
        %dma_start3A_372 = arith.constant 0 : i32
        %dma_start3A_373 = arith.constant 0 : i32
        %dma_start3A_374 = tpu.memref_slice %arg8[%dma_start3A_371, %dma_start3A_372, %dma_start3A_373] : memref<2x64x512xf32, #tpu.memory_space<vmem>> -> memref<1x64x512xf32, #tpu.memory_space<vmem>>
        %dma_start3A_375 = tpu.memref_squeeze %dma_start3A_374 : memref<1x64x512xf32, #tpu.memory_space<vmem>> -> memref<64x512xf32, #tpu.memory_space<vmem>>
        %dma_start3A_376 = arith.constant 0 : i32
        %dma_start3A_377 = tpu.memref_slice %arg2[%dma_start3A_376, %mul3A_370] : memref<64x1000000xf32, #tpu.memory_space<hbm>> -> memref<64x512xf32, #tpu.memory_space<hbm>>
        %dma_start3A_378 = arith.constant 0 : i32
        %dma_start3A_379 = arith.constant 0 : i32
        %dma_start3A_380 = tpu.memref_slice %arg8[%dma_start3A_371, %dma_start3A_378, %dma_start3A_379] : memref<2x64x512xf32, #tpu.memory_space<vmem>> -> memref<1x64x512xf32, #tpu.memory_space<vmem>>
        %dma_start3A_381 = tpu.memref_squeeze %dma_start3A_380 : memref<1x64x512xf32, #tpu.memory_space<vmem>> -> memref<64x512xf32, #tpu.memory_space<vmem>>
        %dma_start3A_382 = arith.constant 0 : i32
        %dma_start3A_383 = tpu.memref_slice %arg2[%dma_start3A_382, %mul3A_370] : memref<64x1000000xf32, #tpu.memory_space<hbm>> -> memref<64x512xf32, #tpu.memory_space<hbm>>
        tpu.enqueue_dma source(%dma_start3A_383 : memref<64x512xf32, #tpu.memory_space<hbm>>) target(%dma_start3A_381 : memref<64x512xf32, #tpu.memory_space<vmem>>) target_semaphore(%arg16 : memref<!tpu.dma_semaphore, #tpu.memory_space<semaphore_mem>>)
      } else {
      }
      %not3A = arith.constant true
      %not3A_253 = arith.xori %eq3A_247, %not3A : i1
      %and3A_254 = arith.andi %not3A_253, %lt3A_248 : i1
      %convert_element_type3A_255 = arith.extui %and3A_254 : i1 to i32
      %cond3A_256 = arith.constant 0 : i32
      %cond3A_257 = arith.cmpi ne, %convert_element_type3A_255, %cond3A_256 : i32
      scf.if %cond3A_257 {
        %add3A_360 = arith.constant 1 : i32
        %add3A_361 = arith.addi %scan3A_236, %add3A_360 : i32
        %mul3A_362 = arith.constant 4 : i32
        %mul3A_363 = arith.muli %add3A_361, %mul3A_362 : i32
        %add3A_364 = arith.addi %min3A_3, %mul3A_363 : i32
        %sub3A_365 = arith.constant 4 : i32
        %sub3A_366 = arith.subi %min3A_7, %sub3A_365 : i32
        %min3A_367 = arith.minsi %add3A_364, %sub3A_366 : i32
        %max3A_368 = arith.maxsi %min3A_3, %min3A_367 : i32
        %mul3A_369 = arith.constant 128 : i32
        %mul3A_370 = arith.muli %max3A_368, %mul3A_369 : i32
        %dma_start3A_371 = arith.constant 0 : i32
        %dma_start3A_372 = arith.constant 0 : i32
        %dma_start3A_373 = arith.constant 0 : i32
        %dma_start3A_374 = tpu.memref_slice %arg8[%dma_start3A_371, %dma_start3A_372, %dma_start3A_373] : memref<2x64x512xf32, #tpu.memory_space<vmem>> -> memref<1x64x512xf32, #tpu.memory_space<vmem>>
        %dma_start3A_375 = tpu.memref_squeeze %dma_start3A_374 : memref<1x64x512xf32, #tpu.memory_space<vmem>> -> memref<64x512xf32, #tpu.memory_space<vmem>>
        %dma_start3A_376 = arith.constant 0 : i32
        %dma_start3A_377 = tpu.memref_slice %arg2[%dma_start3A_376, %mul3A_370] : memref<64x1000000xf32, #tpu.memory_space<hbm>> -> memref<64x512xf32, #tpu.memory_space<hbm>>
        %dma_start3A_378 = arith.constant 0 : i32
        %dma_start3A_379 = arith.constant 0 : i32
        %dma_start3A_380 = tpu.memref_slice %arg8[%dma_start3A_371, %dma_start3A_378, %dma_start3A_379] : memref<2x64x512xf32, #tpu.memory_space<vmem>> -> memref<1x64x512xf32, #tpu.memory_space<vmem>>
        %dma_start3A_381 = tpu.memref_squeeze %dma_start3A_380 : memref<1x64x512xf32, #tpu.memory_space<vmem>> -> memref<64x512xf32, #tpu.memory_space<vmem>>
        %dma_start3A_382 = arith.constant 0 : i32
        %dma_start3A_383 = tpu.memref_slice %arg2[%dma_start3A_382, %mul3A_370] : memref<64x1000000xf32, #tpu.memory_space<hbm>> -> memref<64x512xf32, #tpu.memory_space<hbm>>
        tpu.enqueue_dma source(%dma_start3A_383 : memref<64x512xf32, #tpu.memory_space<hbm>>) target(%dma_start3A_381 : memref<64x512xf32, #tpu.memory_space<vmem>>) target_semaphore(%arg15 : memref<!tpu.dma_semaphore, #tpu.memory_space<semaphore_mem>>)
      } else {
      }
      %convert_element_type3A_258 = arith.extui %eq3A_247 : i1 to i32
      %cond3A_259 = arith.constant 0 : i32
      %cond3A_260 = arith.cmpi ne, %convert_element_type3A_258, %cond3A_259 : i32
      scf.if %cond3A_260 {
        %mul3A_360 = arith.constant 4 : i32
        %mul3A_361 = arith.muli %scan3A_236, %mul3A_360 : i32
        %add3A_362 = arith.addi %min3A_3, %mul3A_361 : i32
        %sub3A_363 = arith.constant 4 : i32
        %sub3A_364 = arith.subi %min3A_7, %sub3A_363 : i32
        %min3A_365 = arith.minsi %add3A_362, %sub3A_364 : i32
        %max3A_366 = arith.maxsi %min3A_3, %min3A_365 : i32
        %mul3A_367 = arith.constant 128 : i32
        %mul3A_368 = arith.muli %max3A_366, %mul3A_367 : i32
        %dma_wait3A = arith.constant 0 : i32
        %dma_wait3A_369 = arith.constant 0 : i32
        %dma_wait3A_370 = arith.constant 0 : i32
        %dma_wait3A_371 = tpu.memref_slice %arg8[%dma_wait3A, %dma_wait3A_369, %dma_wait3A_370] : memref<2x64x512xf32, #tpu.memory_space<vmem>> -> memref<1x64x512xf32, #tpu.memory_space<vmem>>
        %dma_wait3A_372 = tpu.memref_squeeze %dma_wait3A_371 : memref<1x64x512xf32, #tpu.memory_space<vmem>> -> memref<64x512xf32, #tpu.memory_space<vmem>>
        %dma_wait3A_373 = arith.constant 0 : i32
        %dma_wait3A_374 = tpu.memref_slice %arg2[%dma_wait3A_373, %mul3A_368] : memref<64x1000000xf32, #tpu.memory_space<hbm>> -> memref<64x512xf32, #tpu.memory_space<hbm>>
        %dma_wait3A_375 = arith.constant 0 : i32
        %dma_wait3A_376 = arith.constant 0 : i32
        %dma_wait3A_377 = tpu.memref_slice %arg8[%dma_wait3A, %dma_wait3A_375, %dma_wait3A_376] : memref<2x64x512xf32, #tpu.memory_space<vmem>> -> memref<1x64x512xf32, #tpu.memory_space<vmem>>
        %dma_wait3A_378 = tpu.memref_squeeze %dma_wait3A_377 : memref<1x64x512xf32, #tpu.memory_space<vmem>> -> memref<64x512xf32, #tpu.memory_space<vmem>>
        %dma_wait3A_379 = arith.constant 0 : i32
        %dma_wait3A_380 = tpu.memref_slice %arg2[%dma_wait3A_379, %mul3A_368] : memref<64x1000000xf32, #tpu.memory_space<hbm>> -> memref<64x512xf32, #tpu.memory_space<hbm>>
        tpu.wait_dma2 semaphore(%arg15 : memref<!tpu.dma_semaphore, #tpu.memory_space<semaphore_mem>>) src(%dma_wait3A_380 : memref<64x512xf32, #tpu.memory_space<hbm>>) dst(%dma_wait3A_378 : memref<64x512xf32, #tpu.memory_space<vmem>>)
      } else {
      }
      %not3A_261 = arith.constant true
      %not3A_262 = arith.xori %eq3A_247, %not3A_261 : i1
      %convert_element_type3A_263 = arith.extui %not3A_262 : i1 to i32
      %cond3A_264 = arith.constant 0 : i32
      %cond3A_265 = arith.cmpi ne, %convert_element_type3A_263, %cond3A_264 : i32
      scf.if %cond3A_265 {
        %mul3A_360 = arith.constant 4 : i32
        %mul3A_361 = arith.muli %scan3A_236, %mul3A_360 : i32
        %add3A_362 = arith.addi %min3A_3, %mul3A_361 : i32
        %sub3A_363 = arith.constant 4 : i32
        %sub3A_364 = arith.subi %min3A_7, %sub3A_363 : i32
        %min3A_365 = arith.minsi %add3A_362, %sub3A_364 : i32
        %max3A_366 = arith.maxsi %min3A_3, %min3A_365 : i32
        %mul3A_367 = arith.constant 128 : i32
        %mul3A_368 = arith.muli %max3A_366, %mul3A_367 : i32
        %dma_wait3A = arith.constant 1 : i32
        %dma_wait3A_369 = arith.constant 0 : i32
        %dma_wait3A_370 = arith.constant 0 : i32
        %dma_wait3A_371 = tpu.memref_slice %arg8[%dma_wait3A, %dma_wait3A_369, %dma_wait3A_370] : memref<2x64x512xf32, #tpu.memory_space<vmem>> -> memref<1x64x512xf32, #tpu.memory_space<vmem>>
        %dma_wait3A_372 = tpu.memref_squeeze %dma_wait3A_371 : memref<1x64x512xf32, #tpu.memory_space<vmem>> -> memref<64x512xf32, #tpu.memory_space<vmem>>
        %dma_wait3A_373 = arith.constant 0 : i32
        %dma_wait3A_374 = tpu.memref_slice %arg2[%dma_wait3A_373, %mul3A_368] : memref<64x1000000xf32, #tpu.memory_space<hbm>> -> memref<64x512xf32, #tpu.memory_space<hbm>>
        %dma_wait3A_375 = arith.constant 0 : i32
        %dma_wait3A_376 = arith.constant 0 : i32
        %dma_wait3A_377 = tpu.memref_slice %arg8[%dma_wait3A, %dma_wait3A_375, %dma_wait3A_376] : memref<2x64x512xf32, #tpu.memory_space<vmem>> -> memref<1x64x512xf32, #tpu.memory_space<vmem>>
        %dma_wait3A_378 = tpu.memref_squeeze %dma_wait3A_377 : memref<1x64x512xf32, #tpu.memory_space<vmem>> -> memref<64x512xf32, #tpu.memory_space<vmem>>
        %dma_wait3A_379 = arith.constant 0 : i32
        %dma_wait3A_380 = tpu.memref_slice %arg2[%dma_wait3A_379, %mul3A_368] : memref<64x1000000xf32, #tpu.memory_space<hbm>> -> memref<64x512xf32, #tpu.memory_space<hbm>>
        tpu.wait_dma2 semaphore(%arg16 : memref<!tpu.dma_semaphore, #tpu.memory_space<semaphore_mem>>) src(%dma_wait3A_380 : memref<64x512xf32, #tpu.memory_space<hbm>>) dst(%dma_wait3A_378 : memref<64x512xf32, #tpu.memory_space<vmem>>)
      } else {
      }
      %get3A_266 = arith.constant 3 : i32
      %get3A_267 = arith.index_cast %get3A_266 : i32 to index
      %get3A_268 = memref.load %arg13[%get3A_267] : memref<8xi32, #tpu.memory_space<smem>>
      %add3A_269 = arith.constant 15 : i32
      %add3A_270 = arith.addi %get3A_268, %add3A_269 : i32
      %jit3A = arith.constant 16 : i32
      %div3A = arith.divsi %add3A_270, %jit3A : i32
      %sign3A = arith.constant 0 : i32
      %sign3A_271 = arith.cmpi sgt, %add3A_270, %sign3A : i32
      %sign3A_272 = arith.extui %sign3A_271 : i1 to i32
      %sign3A_273 = arith.constant 0 : i32
      %sign3A_274 = arith.cmpi slt, %add3A_270, %sign3A_273 : i32
      %sign3A_275 = arith.extui %sign3A_274 : i1 to i32
      %sign3A_276 = arith.subi %sign3A_272, %sign3A_275 : i32
      %sign3A_277 = arith.constant 0 : i32
      %sign3A_278 = arith.cmpi sgt, %jit3A, %sign3A_277 : i32
      %sign3A_279 = arith.extui %sign3A_278 : i1 to i32
      %sign3A_280 = arith.constant 0 : i32
      %sign3A_281 = arith.cmpi slt, %jit3A, %sign3A_280 : i32
      %sign3A_282 = arith.extui %sign3A_281 : i1 to i32
      %sign3A_283 = arith.subi %sign3A_279, %sign3A_282 : i32
      %ne3A = arith.cmpi ne, %sign3A_276, %sign3A_283 : i32
      %rem3A = arith.remsi %add3A_270, %jit3A : i32
      %ne3A_284 = arith.constant 0 : i32
      %ne3A_285 = arith.cmpi ne, %rem3A, %ne3A_284 : i32
      %and3A_286 = arith.andi %ne3A, %ne3A_285 : i1
      %sub3A_287 = arith.constant 1 : i32
      %sub3A_288 = arith.subi %div3A, %sub3A_287 : i32
      %select_n3A = arith.select %and3A_286, %sub3A_288, %div3A : i32
      %while3A = arith.constant 0 : i32
      %while3A_289 = arith.constant 0 : i32
      %while3A_290 = arith.subi %select_n3A, %while3A_289 : i32
      %while3A_291 = arith.addi %while3A_289, %while3A_290 : i32
      %while3A_292 = arith.constant 1 : i32
      %while3A_293 = arith.divsi %while3A_290, %while3A_292 : i32
      %while3A_294 = arith.muli %while3A_293, %while3A_292 : i32
      %while3A_295 = arith.addi %while3A_289, %while3A_294 : i32
      %while3A_296 = arith.constant 1 : i32
      scf.for %while3A_360 = %while3A_289 to %while3A_295 step %while3A_296  : i32 {
        %get3A_361 = arith.constant 0 : i32
        %get3A_362 = arith.index_cast %get3A_361 : i32 to index
        %get3A_363 = memref.load %arg13[%get3A_362] : memref<8xi32, #tpu.memory_space<smem>>
        %get3A_364 = arith.constant 1 : i32
        %get3A_365 = arith.index_cast %get3A_364 : i32 to index
        %get3A_366 = memref.load %arg13[%get3A_365] : memref<8xi32, #tpu.memory_space<smem>>
        %get3A_367 = arith.constant 2 : i32
        %get3A_368 = arith.index_cast %get3A_367 : i32 to index
        %get3A_369 = memref.load %arg13[%get3A_368] : memref<8xi32, #tpu.memory_space<smem>>
        %mul3A_370 = arith.constant 16 : i32
        %mul3A_371 = arith.muli %while3A_360, %mul3A_370 : i32
        %get3A_372 = arith.index_cast %mul3A_371 : i32 to index
        %get3A_373 = tpu.vector_load %arg6[%get3A_372] {strides = array<i32>} : memref<16400xi32, #tpu.memory_space<vmem>>, vector<16xi32>,
        %mul3A_374 = arith.constant 16 : i32
        %mul3A_375 = arith.muli %while3A_360, %mul3A_374 : i32
        %get3A_376 = arith.index_cast %mul3A_375 : i32 to index
        %get3A_377 = tpu.vector_load %arg7[%get3A_376] {strides = array<i32>} : memref<16400xi32, #tpu.memory_space<vmem>>, vector<16xi32>,
        %mul3A_378 = arith.constant 16 : i32
        %mul3A_379 = arith.muli %while3A_360, %mul3A_378 : i32
        %sub3A_380 = arith.subi %get3A_268, %mul3A_379 : i32
        %lt3A_381 = vector.broadcast %sub3A_380 : i32 to vector<16xi32>
        %lt3A_382 = arith.cmpi slt, %iota3A, %lt3A_381 : vector<16xi32>
        %mul3A_383 = arith.constant 128 : i32
        %mul3A_384 = arith.muli %max3A_244, %mul3A_383 : i32
        %ge3A_385 = vector.broadcast %mul3A_384 : i32 to vector<16xi32>
        %ge3A_386 = arith.cmpi sge, %get3A_373, %ge3A_385 : vector<16xi32>
        %and3A_387 = arith.andi %lt3A_382, %ge3A_386 : vector<16xi1>
        %add3A_388 = arith.constant 4 : i32
        %add3A_389 = arith.addi %max3A_244, %add3A_388 : i32
        %mul3A_390 = arith.constant 128 : i32
        %mul3A_391 = arith.muli %add3A_389, %mul3A_390 : i32
        %lt3A_392 = vector.broadcast %mul3A_391 : i32 to vector<16xi32>
        %lt3A_393 = arith.cmpi slt, %get3A_373, %lt3A_392 : vector<16xi32>
        %and3A_394 = arith.andi %and3A_387, %lt3A_393 : vector<16xi1>
        %jit3A_395 = arith.constant 1 : i32
        %jit3A_396 = arith.constant 0 : i32
        %broadcast_in_dim3A = vector.broadcast %jit3A_395 : i32 to vector<16xi32>
        %broadcast_in_dim3A_397 = vector.broadcast %jit3A_396 : i32 to vector<16xi32>
        %select_n3A_398 = arith.select %and3A_394, %broadcast_in_dim3A, %broadcast_in_dim3A_397 : vector<16xi1>, vector<16xi32>
        %broadcast_in_dim3A_399 = arith.constant true
        %broadcast_in_dim3A_400 = vector.broadcast %broadcast_in_dim3A_399 : i1 to vector<16xi1>
        %masked_cumsum3A = tpu.scan <sum>, %select_n3A_398 masked %broadcast_in_dim3A_400 : vector<16xi32>, vector<16xi1> -> vector<16xi32>
        %add3A_401 = vector.broadcast %get3A_369 : i32 to vector<16xi32>
        %add3A_402 = arith.addi %add3A_401, %masked_cumsum3A : vector<16xi32>
        %sub3A_403 = arith.subi %add3A_402, %select_n3A_398 : vector<16xi32>
        tpu.vector_store_idx %arg11[%sub3A_403], %get3A_373 masked %and3A_394 : memref<32xi32, #tpu.memory_space<vmem>>[vector<16xi32>], vector<16xi32>, vector<16xi1>
        tpu.vector_store_idx %arg12[%sub3A_403], %get3A_377 masked %and3A_394 : memref<32xi32, #tpu.memory_space<vmem>>[vector<16xi32>], vector<16xi32>, vector<16xi1>
        %reduce_sum3A = arith.constant true
        %reduce_sum3A_404 = vector.broadcast %reduce_sum3A : i1 to vector<16xi1>
        %reduce_sum3A_405 = tpu.scan <sum>, %select_n3A_398 masked %reduce_sum3A_404 : vector<16xi32>, vector<16xi1> -> vector<16xi32>
        %reduce_sum3A_406 = vector.extract %reduce_sum3A_405[15] : i32 from vector<16xi32>
        %add3A_407 = arith.addi %get3A_369, %reduce_sum3A_406 : i32
        %swap3A_408 = arith.constant 2 : i32
        %swap3A_409 = arith.index_cast %swap3A_408 : i32 to index
        %swap3A_410 = memref.load %arg13[%swap3A_409] : memref<8xi32, #tpu.memory_space<smem>>
        memref.store %add3A_407, %arg13[%swap3A_409] : memref<8xi32, #tpu.memory_space<smem>>
        %ge3A_411 = arith.constant 16 : i32
        %ge3A_412 = arith.cmpi sge, %add3A_407, %ge3A_411 : i32
        %convert_element_type3A_413 = arith.extui %ge3A_412 : i1 to i32
        %cond3A_414 = arith.constant 0 : i32
        %cond3A_415 = arith.cmpi ne, %convert_element_type3A_413, %cond3A_414 : i32
        scf.if %cond3A_415 {
          %get3A_416 = arith.constant 0 : index
          %get3A_417 = tpu.vector_load %arg11[%get3A_416] {strides = array<i32>} : memref<32xi32, #tpu.memory_space<vmem>>, vector<16xi32>,
          %get3A_418 = arith.constant 0 : index
          %get3A_419 = tpu.vector_load %arg12[%get3A_418] {strides = array<i32>} : memref<32xi32, #tpu.memory_space<vmem>>, vector<16xi32>,
          %lt3A_420 = arith.constant 16 : i32
          %lt3A_421 = vector.broadcast %lt3A_420 : i32 to vector<16xi32>
          %lt3A_422 = arith.cmpi slt, %iota3A, %lt3A_421 : vector<16xi32>
          %shift_right_logical3A_423 = arith.constant 7 : i32
          %shift_right_logical3A_424 = vector.broadcast %shift_right_logical3A_423 : i32 to vector<16xi32>
          %shift_right_logical3A_425 = arith.shrui %get3A_417, %shift_right_logical3A_424 : vector<16xi32>
          %sub3A_426 = vector.broadcast %max3A_244 : i32 to vector<16xi32>
          %sub3A_427 = arith.subi %shift_right_logical3A_425, %sub3A_426 : vector<16xi32>
          %mul3A_428 = arith.constant 128 : i32
          %mul3A_429 = vector.broadcast %mul3A_428 : i32 to vector<16xi32>
          %mul3A_430 = arith.muli %sub3A_427, %mul3A_429 : vector<16xi32>
          %and3A_431 = arith.constant 127 : i32
          %and3A_432 = vector.broadcast %and3A_431 : i32 to vector<16xi32>
          %and3A_433 = arith.andi %get3A_417, %and3A_432 : vector<16xi32>
          %add3A_434 = arith.addi %mul3A_430, %and3A_433 : vector<16xi32>
          %add3A_435 = vector.broadcast %get3A_363 : i32 to vector<16xi32>
          %add3A_436 = arith.addi %add3A_435, %iota3A : vector<16xi32>
          %and3A_437 = arith.constant 127 : i32
          %and3A_438 = vector.broadcast %and3A_437 : i32 to vector<16xi32>
          %and3A_439 = arith.andi %add3A_436, %and3A_438 : vector<16xi32>
          %shift_right_logical3A_440 = arith.constant 6 : i32
          %shift_right_logical3A_441 = vector.broadcast %shift_right_logical3A_440 : i32 to vector<16xi32>
          %shift_right_logical3A_442 = arith.shrui %and3A_439, %shift_right_logical3A_441 : vector<16xi32>
          %and3A_443 = arith.constant 63 : i32
          %and3A_444 = vector.broadcast %and3A_443 : i32 to vector<16xi32>
          %and3A_445 = arith.andi %and3A_439, %and3A_444 : vector<16xi32>
          tpu.vector_store_idx %arg10[%shift_right_logical3A_442, %and3A_445], %get3A_419 masked %lt3A_422 : memref<2x64xi32, #tpu.memory_space<vmem>>[vector<16xi32>, vector<16xi32>], vector<16xi32>, vector<16xi1>
          %mul3A_446 = arith.constant 0 : i32
          %mul3A_447 = vector.broadcast %mul3A_446 : i32 to vector<16xi32>
          %mul3A_448 = arith.muli %iota3A, %mul3A_447 : vector<16xi32>
          %add3A_449 = vector.broadcast %and3A_237 : i32 to vector<16xi32>
          %add3A_450 = arith.addi %mul3A_448, %add3A_449 : vector<16xi32>
          %scan3A_451 = arith.constant 0 : i32
          %scan3A_452 = arith.constant 0 : i32
          %scan3A_453 = arith.constant 16 : i32
          %scan3A_454 = arith.addi %scan3A_452, %scan3A_453 : i32
          %scan3A_455 = arith.constant 1 : i32
          scf.for %scan3A_483 = %scan3A_452 to %scan3A_454 step %scan3A_455  : i32 {
            %mul3A_484 = arith.constant 0 : i32
            %mul3A_485 = vector.broadcast %mul3A_484 : i32 to vector<16xi32>
            %mul3A_486 = arith.muli %iota3A, %mul3A_485 : vector<16xi32>
            %mul3A_487 = arith.constant 4 : i32
            %mul3A_488 = arith.muli %scan3A_483, %mul3A_487 : i32
            %add3A_489 = arith.constant 0 : i32
            %add3A_490 = arith.addi %mul3A_488, %add3A_489 : i32
            %add3A_491 = vector.broadcast %add3A_490 : i32 to vector<16xi32>
            %add3A_492 = arith.addi %mul3A_486, %add3A_491 : vector<16xi32>
            %gather3A = tpu.vector_load_idx %arg8[%add3A_450, %add3A_492, %add3A_434] masked %lt3A_422 : memref<2x64x512xf32, #tpu.memory_space<vmem>>[vector<16xi32>, vector<16xi32>, vector<16xi32>], vector<16xf32>, vector<16xi1>
            tpu.vector_store_idx %arg9[%and3A_439, %add3A_492], %gather3A masked %lt3A_422 : memref<128x128xf32, #tpu.memory_space<vmem>>[vector<16xi32>, vector<16xi32>], vector<16xf32>, vector<16xi1>
            %mul3A_493 = arith.constant 0 : i32
            %mul3A_494 = vector.broadcast %mul3A_493 : i32 to vector<16xi32>
            %mul3A_495 = arith.muli %iota3A, %mul3A_494 : vector<16xi32>
            %mul3A_496 = arith.constant 4 : i32
            %mul3A_497 = arith.muli %scan3A_483, %mul3A_496 : i32
            %add3A_498 = arith.constant 1 : i32
            %add3A_499 = arith.addi %mul3A_497, %add3A_498 : i32
            %add3A_500 = vector.broadcast %add3A_499 : i32 to vector<16xi32>
            %add3A_501 = arith.addi %mul3A_495, %add3A_500 : vector<16xi32>
            %gather3A_502 = tpu.vector_load_idx %arg8[%add3A_450, %add3A_501, %add3A_434] masked %lt3A_422 : memref<2x64x512xf32, #tpu.memory_space<vmem>>[vector<16xi32>, vector<16xi32>, vector<16xi32>], vector<16xf32>, vector<16xi1>
            tpu.vector_store_idx %arg9[%and3A_439, %add3A_501], %gather3A_502 masked %lt3A_422 : memref<128x128xf32, #tpu.memory_space<vmem>>[vector<16xi32>, vector<16xi32>], vector<16xf32>, vector<16xi1>
            %mul3A_503 = arith.constant 0 : i32
            %mul3A_504 = vector.broadcast %mul3A_503 : i32 to vector<16xi32>
            %mul3A_505 = arith.muli %iota3A, %mul3A_504 : vector<16xi32>
            %mul3A_506 = arith.constant 4 : i32
            %mul3A_507 = arith.muli %scan3A_483, %mul3A_506 : i32
            %add3A_508 = arith.constant 2 : i32
            %add3A_509 = arith.addi %mul3A_507, %add3A_508 : i32
            %add3A_510 = vector.broadcast %add3A_509 : i32 to vector<16xi32>
            %add3A_511 = arith.addi %mul3A_505, %add3A_510 : vector<16xi32>
            %gather3A_512 = tpu.vector_load_idx %arg8[%add3A_450, %add3A_511, %add3A_434] masked %lt3A_422 : memref<2x64x512xf32, #tpu.memory_space<vmem>>[vector<16xi32>, vector<16xi32>, vector<16xi32>], vector<16xf32>, vector<16xi1>
            tpu.vector_store_idx %arg9[%and3A_439, %add3A_511], %gather3A_512 masked %lt3A_422 : memref<128x128xf32, #tpu.memory_space<vmem>>[vector<16xi32>, vector<16xi32>], vector<16xf32>, vector<16xi1>
            %mul3A_513 = arith.constant 0 : i32
            %mul3A_514 = vector.broadcast %mul3A_513 : i32 to vector<16xi32>
            %mul3A_515 = arith.muli %iota3A, %mul3A_514 : vector<16xi32>
            %mul3A_516 = arith.constant 4 : i32
            %mul3A_517 = arith.muli %scan3A_483, %mul3A_516 : i32
            %add3A_518 = arith.constant 3 : i32
            %add3A_519 = arith.addi %mul3A_517, %add3A_518 : i32
            %add3A_520 = vector.broadcast %add3A_519 : i32 to vector<16xi32>
            %add3A_521 = arith.addi %mul3A_515, %add3A_520 : vector<16xi32>
            %gather3A_522 = tpu.vector_load_idx %arg8[%add3A_450, %add3A_521, %add3A_434] masked %lt3A_422 : memref<2x64x512xf32, #tpu.memory_space<vmem>>[vector<16xi32>, vector<16xi32>, vector<16xi32>], vector<16xf32>, vector<16xi1>
            tpu.vector_store_idx %arg9[%and3A_439, %add3A_521], %gather3A_522 masked %lt3A_422 : memref<128x128xf32, #tpu.memory_space<vmem>>[vector<16xi32>, vector<16xi32>], vector<16xf32>, vector<16xi1>
          }
          %scan3A_456 = arith.constant 16 : i32
          %get3A_457 = arith.constant 16 : index
          %get3A_458 = tpu.vector_load %arg11[%get3A_457] {strides = array<i32>} : memref<32xi32, #tpu.memory_space<vmem>>, vector<16xi32>,
          %get3A_459 = arith.constant 16 : index
          %get3A_460 = tpu.vector_load %arg12[%get3A_459] {strides = array<i32>} : memref<32xi32, #tpu.memory_space<vmem>>, vector<16xi32>,
          %swap3A_461 = arith.constant 0 : index
          %swap3A_462 = tpu.vector_load %arg11[%swap3A_461] {strides = array<i32>} : memref<32xi32, #tpu.memory_space<vmem>>, vector<16xi32>,
          tpu.vector_store %arg11[%swap3A_461], %get3A_458 {strides = array<i32>} : memref<32xi32, #tpu.memory_space<vmem>>, vector<16xi32>,
          %swap3A_463 = arith.constant 0 : index
          %swap3A_464 = tpu.vector_load %arg12[%swap3A_463] {strides = array<i32>} : memref<32xi32, #tpu.memory_space<vmem>>, vector<16xi32>,
          tpu.vector_store %arg12[%swap3A_463], %get3A_460 {strides = array<i32>} : memref<32xi32, #tpu.memory_space<vmem>>, vector<16xi32>,
          %add3A_465 = arith.constant 16 : i32
          %add3A_466 = arith.addi %get3A_363, %add3A_465 : i32
          %swap3A_467 = arith.constant 0 : i32
          %swap3A_468 = arith.index_cast %swap3A_467 : i32 to index
          %swap3A_469 = memref.load %arg13[%swap3A_468] : memref<8xi32, #tpu.memory_space<smem>>
          memref.store %add3A_466, %arg13[%swap3A_468] : memref<8xi32, #tpu.memory_space<smem>>
          %sub3A_470 = arith.constant 16 : i32
          %sub3A_471 = arith.subi %add3A_407, %sub3A_470 : i32
          %swap3A_472 = arith.constant 2 : i32
          %swap3A_473 = arith.index_cast %swap3A_472 : i32 to index
          %swap3A_474 = memref.load %arg13[%swap3A_473] : memref<8xi32, #tpu.memory_space<smem>>
          memref.store %sub3A_471, %arg13[%swap3A_473] : memref<8xi32, #tpu.memory_space<smem>>
          %add3A_475 = arith.constant 16 : i32
          %add3A_476 = arith.addi %get3A_363, %add3A_475 : i32
          %sub3A_477 = arith.subi %add3A_476, %get3A_366 : i32
          %ge3A_478 = arith.constant 64 : i32
          %ge3A_479 = arith.cmpi sge, %sub3A_477, %ge3A_478 : i32
          %convert_element_type3A_480 = arith.extui %ge3A_479 : i1 to i32
          %cond3A_481 = arith.constant 0 : i32
          %cond3A_482 = arith.cmpi ne, %convert_element_type3A_480, %cond3A_481 : i32
          scf.if %cond3A_482 {
            %shift_right_logical3A_483 = arith.constant 6 : i32
            %shift_right_logical3A_484 = arith.shrui %get3A_366, %shift_right_logical3A_483 : i32
            %and3A_485 = arith.constant 1 : i32
            %and3A_486 = arith.andi %shift_right_logical3A_484, %and3A_485 : i32
            %mul3A_487 = arith.constant 64 : i32
            %mul3A_488 = arith.muli %and3A_486, %mul3A_487 : i32
            %dma_start3A_489 = arith.constant 0 : i32
            %dma_start3A_490 = tpu.memref_slice %arg9[%mul3A_488, %dma_start3A_489] : memref<128x128xf32, #tpu.memory_space<vmem>> -> memref<64x128xf32, #tpu.memory_space<vmem>>
            %dma_start3A_491 = arith.constant 0 : i32
            %dma_start3A_492 = tpu.memref_slice %arg10[%and3A_486, %dma_start3A_491] : memref<2x64xi32, #tpu.memory_space<vmem>> -> memref<1x64xi32, #tpu.memory_space<vmem>>
            %dma_start3A_493 = tpu.memref_squeeze %dma_start3A_492 : memref<1x64xi32, #tpu.memory_space<vmem>> -> memref<64xi32, #tpu.memory_space<vmem>>
            %dma_start3A_494 = arith.constant 0 : i32
            %dma_start3A_495 = arith.constant 0 : i32
            %dma_start3A_496 = tpu.memref_slice %arg4[%dma_start3A_494, %dma_start3A_495] : memref<16448x128xf32, #tpu.memory_space<hbm>> -> memref<16448x128xf32, #tpu.memory_space<hbm>>
            tpu.enqueue_indirect_dma source(%dma_start3A_490 : memref<64x128xf32, #tpu.memory_space<vmem>>) target(%dma_start3A_496 : memref<16448x128xf32, #tpu.memory_space<hbm>>) offsets(%dma_start3A_493 : memref<64xi32, #tpu.memory_space<vmem>>) semaphore(%arg14 : memref<!tpu.dma_semaphore, #tpu.memory_space<semaphore_mem>>)
            %dma_wait3A = arith.constant 0 : i32
            %dma_wait3A_497 = tpu.memref_slice %arg9[%mul3A_488, %dma_wait3A] : memref<128x128xf32, #tpu.memory_space<vmem>> -> memref<64x128xf32, #tpu.memory_space<vmem>>
            %dma_wait3A_498 = arith.constant 0 : i32
            %dma_wait3A_499 = tpu.memref_slice %arg10[%and3A_486, %dma_wait3A_498] : memref<2x64xi32, #tpu.memory_space<vmem>> -> memref<1x64xi32, #tpu.memory_space<vmem>>
            %dma_wait3A_500 = tpu.memref_squeeze %dma_wait3A_499 : memref<1x64xi32, #tpu.memory_space<vmem>> -> memref<64xi32, #tpu.memory_space<vmem>>
            %dma_wait3A_501 = arith.constant 0 : i32
            %dma_wait3A_502 = arith.constant 0 : i32
            %dma_wait3A_503 = tpu.memref_slice %arg4[%dma_wait3A_501, %dma_wait3A_502] : memref<16448x128xf32, #tpu.memory_space<hbm>> -> memref<16448x128xf32, #tpu.memory_space<hbm>>
            tpu.wait_indirect_dma semaphore(%arg14 : memref<!tpu.dma_semaphore, #tpu.memory_space<semaphore_mem>>) src(%dma_wait3A_497 : memref<64x128xf32, #tpu.memory_space<vmem>>) dst(%dma_wait3A_503 : memref<16448x128xf32, #tpu.memory_space<hbm>>)
            %add3A_504 = arith.constant 16384 : i32
            %add3A_505 = vector.broadcast %add3A_504 : i32 to vector<16xi32>
            %add3A_506 = arith.addi %add3A_505, %iota3A : vector<16xi32>
            %add3A_507 = arith.constant 0 : i32
            %add3A_508 = vector.broadcast %add3A_507 : i32 to vector<16xi32>
            %add3A_509 = arith.addi %add3A_506, %add3A_508 : vector<16xi32>
            %swap3A_510 = arith.index_cast %and3A_486 : i32 to index
            %swap3A_511 = arith.constant 0 : index
            %swap3A_512 = tpu.vector_load %arg10[%swap3A_510, %swap3A_511] {strides = array<i32>} : memref<2x64xi32, #tpu.memory_space<vmem>>, vector<16xi32>,
            tpu.vector_store %arg10[%swap3A_510, %swap3A_511], %add3A_509 {strides = array<i32>} : memref<2x64xi32, #tpu.memory_space<vmem>>, vector<16xi32>,
            %add3A_513 = arith.constant 16384 : i32
            %add3A_514 = vector.broadcast %add3A_513 : i32 to vector<16xi32>
            %add3A_515 = arith.addi %add3A_514, %iota3A : vector<16xi32>
            %add3A_516 = arith.constant 16 : i32
            %add3A_517 = vector.broadcast %add3A_516 : i32 to vector<16xi32>
            %add3A_518 = arith.addi %add3A_515, %add3A_517 : vector<16xi32>
            %swap3A_519 = arith.index_cast %and3A_486 : i32 to index
            %swap3A_520 = arith.constant 16 : index
            %swap3A_521 = tpu.vector_load %arg10[%swap3A_519, %swap3A_520] {strides = array<i32>} : memref<2x64xi32, #tpu.memory_space<vmem>>, vector<16xi32>,
            tpu.vector_store %arg10[%swap3A_519, %swap3A_520], %add3A_518 {strides = array<i32>} : memref<2x64xi32, #tpu.memory_space<vmem>>, vector<16xi32>,
            %add3A_522 = arith.constant 16384 : i32
            %add3A_523 = vector.broadcast %add3A_522 : i32 to vector<16xi32>
            %add3A_524 = arith.addi %add3A_523, %iota3A : vector<16xi32>
            %add3A_525 = arith.constant 32 : i32
            %add3A_526 = vector.broadcast %add3A_525 : i32 to vector<16xi32>
            %add3A_527 = arith.addi %add3A_524, %add3A_526 : vector<16xi32>
            %swap3A_528 = arith.index_cast %and3A_486 : i32 to index
            %swap3A_529 = arith.constant 32 : index
            %swap3A_530 = tpu.vector_load %arg10[%swap3A_528, %swap3A_529] {strides = array<i32>} : memref<2x64xi32, #tpu.memory_space<vmem>>, vector<16xi32>,
            tpu.vector_store %arg10[%swap3A_528, %swap3A_529], %add3A_527 {strides = array<i32>} : memref<2x64xi32, #tpu.memory_space<vmem>>, vector<16xi32>,
            %add3A_531 = arith.constant 16384 : i32
            %add3A_532 = vector.broadcast %add3A_531 : i32 to vector<16xi32>
            %add3A_533 = arith.addi %add3A_532, %iota3A : vector<16xi32>
            %add3A_534 = arith.constant 48 : i32
            %add3A_535 = vector.broadcast %add3A_534 : i32 to vector<16xi32>
            %add3A_536 = arith.addi %add3A_533, %add3A_535 : vector<16xi32>
            %swap3A_537 = arith.index_cast %and3A_486 : i32 to index
            %swap3A_538 = arith.constant 48 : index
            %swap3A_539 = tpu.vector_load %arg10[%swap3A_537, %swap3A_538] {strides = array<i32>} : memref<2x64xi32, #tpu.memory_space<vmem>>, vector<16xi32>,
            tpu.vector_store %arg10[%swap3A_537, %swap3A_538], %add3A_536 {strides = array<i32>} : memref<2x64xi32, #tpu.memory_space<vmem>>, vector<16xi32>,
            %add3A_540 = arith.constant 64 : i32
            %add3A_541 = arith.addi %get3A_366, %add3A_540 : i32
            %swap3A_542 = arith.constant 1 : i32
            %swap3A_543 = arith.index_cast %swap3A_542 : i32 to index
            %swap3A_544 = memref.load %arg13[%swap3A_543] : memref<8xi32, #tpu.memory_space<smem>>
            memref.store %add3A_541, %arg13[%swap3A_543] : memref<8xi32, #tpu.memory_space<smem>>
          } else {
          }
        } else {
        }
      }
      %while3A_297 = arith.constant 1 : i32
      scf.for %while3A_360 = %while3A_295 to %while3A_291 step %while3A_297  : i32 {
        %get3A_361 = arith.constant 0 : i32
        %get3A_362 = arith.index_cast %get3A_361 : i32 to index
        %get3A_363 = memref.load %arg13[%get3A_362] : memref<8xi32, #tpu.memory_space<smem>>
        %get3A_364 = arith.constant 1 : i32
        %get3A_365 = arith.index_cast %get3A_364 : i32 to index
        %get3A_366 = memref.load %arg13[%get3A_365] : memref<8xi32, #tpu.memory_space<smem>>
        %get3A_367 = arith.constant 2 : i32
        %get3A_368 = arith.index_cast %get3A_367 : i32 to index
        %get3A_369 = memref.load %arg13[%get3A_368] : memref<8xi32, #tpu.memory_space<smem>>
        %mul3A_370 = arith.constant 16 : i32
        %mul3A_371 = arith.muli %while3A_360, %mul3A_370 : i32
        %get3A_372 = arith.index_cast %mul3A_371 : i32 to index
        %get3A_373 = tpu.vector_load %arg6[%get3A_372] {strides = array<i32>} : memref<16400xi32, #tpu.memory_space<vmem>>, vector<16xi32>,
        %mul3A_374 = arith.constant 16 : i32
        %mul3A_375 = arith.muli %while3A_360, %mul3A_374 : i32
        %get3A_376 = arith.index_cast %mul3A_375 : i32 to index
        %get3A_377 = tpu.vector_load %arg7[%get3A_376] {strides = array<i32>} : memref<16400xi32, #tpu.memory_space<vmem>>, vector<16xi32>,
        %mul3A_378 = arith.constant 16 : i32
        %mul3A_379 = arith.muli %while3A_360, %mul3A_378 : i32
        %sub3A_380 = arith.subi %get3A_268, %mul3A_379 : i32
        %lt3A_381 = vector.broadcast %sub3A_380 : i32 to vector<16xi32>
        %lt3A_382 = arith.cmpi slt, %iota3A, %lt3A_381 : vector<16xi32>
        %mul3A_383 = arith.constant 128 : i32
        %mul3A_384 = arith.muli %max3A_244, %mul3A_383 : i32
        %ge3A_385 = vector.broadcast %mul3A_384 : i32 to vector<16xi32>
        %ge3A_386 = arith.cmpi sge, %get3A_373, %ge3A_385 : vector<16xi32>
        %and3A_387 = arith.andi %lt3A_382, %ge3A_386 : vector<16xi1>
        %add3A_388 = arith.constant 4 : i32
        %add3A_389 = arith.addi %max3A_244, %add3A_388 : i32
        %mul3A_390 = arith.constant 128 : i32
        %mul3A_391 = arith.muli %add3A_389, %mul3A_390 : i32
        %lt3A_392 = vector.broadcast %mul3A_391 : i32 to vector<16xi32>
        %lt3A_393 = arith.cmpi slt, %get3A_373, %lt3A_392 : vector<16xi32>
        %and3A_394 = arith.andi %and3A_387, %lt3A_393 : vector<16xi1>
        %jit3A_395 = arith.constant 1 : i32
        %jit3A_396 = arith.constant 0 : i32
        %broadcast_in_dim3A = vector.broadcast %jit3A_395 : i32 to vector<16xi32>
        %broadcast_in_dim3A_397 = vector.broadcast %jit3A_396 : i32 to vector<16xi32>
        %select_n3A_398 = arith.select %and3A_394, %broadcast_in_dim3A, %broadcast_in_dim3A_397 : vector<16xi1>, vector<16xi32>
        %broadcast_in_dim3A_399 = arith.constant true
        %broadcast_in_dim3A_400 = vector.broadcast %broadcast_in_dim3A_399 : i1 to vector<16xi1>
        %masked_cumsum3A = tpu.scan <sum>, %select_n3A_398 masked %broadcast_in_dim3A_400 : vector<16xi32>, vector<16xi1> -> vector<16xi32>
        %add3A_401 = vector.broadcast %get3A_369 : i32 to vector<16xi32>
        %add3A_402 = arith.addi %add3A_401, %masked_cumsum3A : vector<16xi32>
        %sub3A_403 = arith.subi %add3A_402, %select_n3A_398 : vector<16xi32>
        tpu.vector_store_idx %arg11[%sub3A_403], %get3A_373 masked %and3A_394 : memref<32xi32, #tpu.memory_space<vmem>>[vector<16xi32>], vector<16xi32>, vector<16xi1>
        tpu.vector_store_idx %arg12[%sub3A_403], %get3A_377 masked %and3A_394 : memref<32xi32, #tpu.memory_space<vmem>>[vector<16xi32>], vector<16xi32>, vector<16xi1>
        %reduce_sum3A = arith.constant true
        %reduce_sum3A_404 = vector.broadcast %reduce_sum3A : i1 to vector<16xi1>
        %reduce_sum3A_405 = tpu.scan <sum>, %select_n3A_398 masked %reduce_sum3A_404 : vector<16xi32>, vector<16xi1> -> vector<16xi32>
        %reduce_sum3A_406 = vector.extract %reduce_sum3A_405[15] : i32 from vector<16xi32>
        %add3A_407 = arith.addi %get3A_369, %reduce_sum3A_406 : i32
        %swap3A_408 = arith.constant 2 : i32
        %swap3A_409 = arith.index_cast %swap3A_408 : i32 to index
        %swap3A_410 = memref.load %arg13[%swap3A_409] : memref<8xi32, #tpu.memory_space<smem>>
        memref.store %add3A_407, %arg13[%swap3A_409] : memref<8xi32, #tpu.memory_space<smem>>
        %ge3A_411 = arith.constant 16 : i32
        %ge3A_412 = arith.cmpi sge, %add3A_407, %ge3A_411 : i32
        %convert_element_type3A_413 = arith.extui %ge3A_412 : i1 to i32
        %cond3A_414 = arith.constant 0 : i32
        %cond3A_415 = arith.cmpi ne, %convert_element_type3A_413, %cond3A_414 : i32
        scf.if %cond3A_415 {
          %get3A_416 = arith.constant 0 : index
          %get3A_417 = tpu.vector_load %arg11[%get3A_416] {strides = array<i32>} : memref<32xi32, #tpu.memory_space<vmem>>, vector<16xi32>,
          %get3A_418 = arith.constant 0 : index
          %get3A_419 = tpu.vector_load %arg12[%get3A_418] {strides = array<i32>} : memref<32xi32, #tpu.memory_space<vmem>>, vector<16xi32>,
          %lt3A_420 = arith.constant 16 : i32
          %lt3A_421 = vector.broadcast %lt3A_420 : i32 to vector<16xi32>
          %lt3A_422 = arith.cmpi slt, %iota3A, %lt3A_421 : vector<16xi32>
          %shift_right_logical3A_423 = arith.constant 7 : i32
          %shift_right_logical3A_424 = vector.broadcast %shift_right_logical3A_423 : i32 to vector<16xi32>
          %shift_right_logical3A_425 = arith.shrui %get3A_417, %shift_right_logical3A_424 : vector<16xi32>
          %sub3A_426 = vector.broadcast %max3A_244 : i32 to vector<16xi32>
          %sub3A_427 = arith.subi %shift_right_logical3A_425, %sub3A_426 : vector<16xi32>
          %mul3A_428 = arith.constant 128 : i32
          %mul3A_429 = vector.broadcast %mul3A_428 : i32 to vector<16xi32>
          %mul3A_430 = arith.muli %sub3A_427, %mul3A_429 : vector<16xi32>
          %and3A_431 = arith.constant 127 : i32
          %and3A_432 = vector.broadcast %and3A_431 : i32 to vector<16xi32>
          %and3A_433 = arith.andi %get3A_417, %and3A_432 : vector<16xi32>
          %add3A_434 = arith.addi %mul3A_430, %and3A_433 : vector<16xi32>
          %add3A_435 = vector.broadcast %get3A_363 : i32 to vector<16xi32>
          %add3A_436 = arith.addi %add3A_435, %iota3A : vector<16xi32>
          %and3A_437 = arith.constant 127 : i32
          %and3A_438 = vector.broadcast %and3A_437 : i32 to vector<16xi32>
          %and3A_439 = arith.andi %add3A_436, %and3A_438 : vector<16xi32>
          %shift_right_logical3A_440 = arith.constant 6 : i32
          %shift_right_logical3A_441 = vector.broadcast %shift_right_logical3A_440 : i32 to vector<16xi32>
          %shift_right_logical3A_442 = arith.shrui %and3A_439, %shift_right_logical3A_441 : vector<16xi32>
          %and3A_443 = arith.constant 63 : i32
          %and3A_444 = vector.broadcast %and3A_443 : i32 to vector<16xi32>
          %and3A_445 = arith.andi %and3A_439, %and3A_444 : vector<16xi32>
          tpu.vector_store_idx %arg10[%shift_right_logical3A_442, %and3A_445], %get3A_419 masked %lt3A_422 : memref<2x64xi32, #tpu.memory_space<vmem>>[vector<16xi32>, vector<16xi32>], vector<16xi32>, vector<16xi1>
          %mul3A_446 = arith.constant 0 : i32
          %mul3A_447 = vector.broadcast %mul3A_446 : i32 to vector<16xi32>
          %mul3A_448 = arith.muli %iota3A, %mul3A_447 : vector<16xi32>
          %add3A_449 = vector.broadcast %and3A_237 : i32 to vector<16xi32>
          %add3A_450 = arith.addi %mul3A_448, %add3A_449 : vector<16xi32>
          %scan3A_451 = arith.constant 0 : i32
          %scan3A_452 = arith.constant 0 : i32
          %scan3A_453 = arith.constant 16 : i32
          %scan3A_454 = arith.addi %scan3A_452, %scan3A_453 : i32
          %scan3A_455 = arith.constant 1 : i32
          scf.for %scan3A_483 = %scan3A_452 to %scan3A_454 step %scan3A_455  : i32 {
            %mul3A_484 = arith.constant 0 : i32
            %mul3A_485 = vector.broadcast %mul3A_484 : i32 to vector<16xi32>
            %mul3A_486 = arith.muli %iota3A, %mul3A_485 : vector<16xi32>
            %mul3A_487 = arith.constant 4 : i32
            %mul3A_488 = arith.muli %scan3A_483, %mul3A_487 : i32
            %add3A_489 = arith.constant 0 : i32
            %add3A_490 = arith.addi %mul3A_488, %add3A_489 : i32
            %add3A_491 = vector.broadcast %add3A_490 : i32 to vector<16xi32>
            %add3A_492 = arith.addi %mul3A_486, %add3A_491 : vector<16xi32>
            %gather3A = tpu.vector_load_idx %arg8[%add3A_450, %add3A_492, %add3A_434] masked %lt3A_422 : memref<2x64x512xf32, #tpu.memory_space<vmem>>[vector<16xi32>, vector<16xi32>, vector<16xi32>], vector<16xf32>, vector<16xi1>
            tpu.vector_store_idx %arg9[%and3A_439, %add3A_492], %gather3A masked %lt3A_422 : memref<128x128xf32, #tpu.memory_space<vmem>>[vector<16xi32>, vector<16xi32>], vector<16xf32>, vector<16xi1>
            %mul3A_493 = arith.constant 0 : i32
            %mul3A_494 = vector.broadcast %mul3A_493 : i32 to vector<16xi32>
            %mul3A_495 = arith.muli %iota3A, %mul3A_494 : vector<16xi32>
            %mul3A_496 = arith.constant 4 : i32
            %mul3A_497 = arith.muli %scan3A_483, %mul3A_496 : i32
            %add3A_498 = arith.constant 1 : i32
            %add3A_499 = arith.addi %mul3A_497, %add3A_498 : i32
            %add3A_500 = vector.broadcast %add3A_499 : i32 to vector<16xi32>
            %add3A_501 = arith.addi %mul3A_495, %add3A_500 : vector<16xi32>
            %gather3A_502 = tpu.vector_load_idx %arg8[%add3A_450, %add3A_501, %add3A_434] masked %lt3A_422 : memref<2x64x512xf32, #tpu.memory_space<vmem>>[vector<16xi32>, vector<16xi32>, vector<16xi32>], vector<16xf32>, vector<16xi1>
            tpu.vector_store_idx %arg9[%and3A_439, %add3A_501], %gather3A_502 masked %lt3A_422 : memref<128x128xf32, #tpu.memory_space<vmem>>[vector<16xi32>, vector<16xi32>], vector<16xf32>, vector<16xi1>
            %mul3A_503 = arith.constant 0 : i32
            %mul3A_504 = vector.broadcast %mul3A_503 : i32 to vector<16xi32>
            %mul3A_505 = arith.muli %iota3A, %mul3A_504 : vector<16xi32>
            %mul3A_506 = arith.constant 4 : i32
            %mul3A_507 = arith.muli %scan3A_483, %mul3A_506 : i32
            %add3A_508 = arith.constant 2 : i32
            %add3A_509 = arith.addi %mul3A_507, %add3A_508 : i32
            %add3A_510 = vector.broadcast %add3A_509 : i32 to vector<16xi32>
            %add3A_511 = arith.addi %mul3A_505, %add3A_510 : vector<16xi32>
            %gather3A_512 = tpu.vector_load_idx %arg8[%add3A_450, %add3A_511, %add3A_434] masked %lt3A_422 : memref<2x64x512xf32, #tpu.memory_space<vmem>>[vector<16xi32>, vector<16xi32>, vector<16xi32>], vector<16xf32>, vector<16xi1>
            tpu.vector_store_idx %arg9[%and3A_439, %add3A_511], %gather3A_512 masked %lt3A_422 : memref<128x128xf32, #tpu.memory_space<vmem>>[vector<16xi32>, vector<16xi32>], vector<16xf32>, vector<16xi1>
            %mul3A_513 = arith.constant 0 : i32
            %mul3A_514 = vector.broadcast %mul3A_513 : i32 to vector<16xi32>
            %mul3A_515 = arith.muli %iota3A, %mul3A_514 : vector<16xi32>
            %mul3A_516 = arith.constant 4 : i32
            %mul3A_517 = arith.muli %scan3A_483, %mul3A_516 : i32
            %add3A_518 = arith.constant 3 : i32
            %add3A_519 = arith.addi %mul3A_517, %add3A_518 : i32
            %add3A_520 = vector.broadcast %add3A_519 : i32 to vector<16xi32>
            %add3A_521 = arith.addi %mul3A_515, %add3A_520 : vector<16xi32>
            %gather3A_522 = tpu.vector_load_idx %arg8[%add3A_450, %add3A_521, %add3A_434] masked %lt3A_422 : memref<2x64x512xf32, #tpu.memory_space<vmem>>[vector<16xi32>, vector<16xi32>, vector<16xi32>], vector<16xf32>, vector<16xi1>
            tpu.vector_store_idx %arg9[%and3A_439, %add3A_521], %gather3A_522 masked %lt3A_422 : memref<128x128xf32, #tpu.memory_space<vmem>>[vector<16xi32>, vector<16xi32>], vector<16xf32>, vector<16xi1>
          }
          %scan3A_456 = arith.constant 16 : i32
          %get3A_457 = arith.constant 16 : index
          %get3A_458 = tpu.vector_load %arg11[%get3A_457] {strides = array<i32>} : memref<32xi32, #tpu.memory_space<vmem>>, vector<16xi32>,
          %get3A_459 = arith.constant 16 : index
          %get3A_460 = tpu.vector_load %arg12[%get3A_459] {strides = array<i32>} : memref<32xi32, #tpu.memory_space<vmem>>, vector<16xi32>,
          %swap3A_461 = arith.constant 0 : index
          %swap3A_462 = tpu.vector_load %arg11[%swap3A_461] {strides = array<i32>} : memref<32xi32, #tpu.memory_space<vmem>>, vector<16xi32>,
          tpu.vector_store %arg11[%swap3A_461], %get3A_458 {strides = array<i32>} : memref<32xi32, #tpu.memory_space<vmem>>, vector<16xi32>,
          %swap3A_463 = arith.constant 0 : index
          %swap3A_464 = tpu.vector_load %arg12[%swap3A_463] {strides = array<i32>} : memref<32xi32, #tpu.memory_space<vmem>>, vector<16xi32>,
          tpu.vector_store %arg12[%swap3A_463], %get3A_460 {strides = array<i32>} : memref<32xi32, #tpu.memory_space<vmem>>, vector<16xi32>,
          %add3A_465 = arith.constant 16 : i32
          %add3A_466 = arith.addi %get3A_363, %add3A_465 : i32
          %swap3A_467 = arith.constant 0 : i32
          %swap3A_468 = arith.index_cast %swap3A_467 : i32 to index
          %swap3A_469 = memref.load %arg13[%swap3A_468] : memref<8xi32, #tpu.memory_space<smem>>
          memref.store %add3A_466, %arg13[%swap3A_468] : memref<8xi32, #tpu.memory_space<smem>>
          %sub3A_470 = arith.constant 16 : i32
          %sub3A_471 = arith.subi %add3A_407, %sub3A_470 : i32
          %swap3A_472 = arith.constant 2 : i32
          %swap3A_473 = arith.index_cast %swap3A_472 : i32 to index
          %swap3A_474 = memref.load %arg13[%swap3A_473] : memref<8xi32, #tpu.memory_space<smem>>
          memref.store %sub3A_471, %arg13[%swap3A_473] : memref<8xi32, #tpu.memory_space<smem>>
          %add3A_475 = arith.constant 16 : i32
          %add3A_476 = arith.addi %get3A_363, %add3A_475 : i32
          %sub3A_477 = arith.subi %add3A_476, %get3A_366 : i32
          %ge3A_478 = arith.constant 64 : i32
          %ge3A_479 = arith.cmpi sge, %sub3A_477, %ge3A_478 : i32
          %convert_element_type3A_480 = arith.extui %ge3A_479 : i1 to i32
          %cond3A_481 = arith.constant 0 : i32
          %cond3A_482 = arith.cmpi ne, %convert_element_type3A_480, %cond3A_481 : i32
          scf.if %cond3A_482 {
            %shift_right_logical3A_483 = arith.constant 6 : i32
            %shift_right_logical3A_484 = arith.shrui %get3A_366, %shift_right_logical3A_483 : i32
            %and3A_485 = arith.constant 1 : i32
            %and3A_486 = arith.andi %shift_right_logical3A_484, %and3A_485 : i32
            %mul3A_487 = arith.constant 64 : i32
            %mul3A_488 = arith.muli %and3A_486, %mul3A_487 : i32
            %dma_start3A_489 = arith.constant 0 : i32
            %dma_start3A_490 = tpu.memref_slice %arg9[%mul3A_488, %dma_start3A_489] : memref<128x128xf32, #tpu.memory_space<vmem>> -> memref<64x128xf32, #tpu.memory_space<vmem>>
            %dma_start3A_491 = arith.constant 0 : i32
            %dma_start3A_492 = tpu.memref_slice %arg10[%and3A_486, %dma_start3A_491] : memref<2x64xi32, #tpu.memory_space<vmem>> -> memref<1x64xi32, #tpu.memory_space<vmem>>
            %dma_start3A_493 = tpu.memref_squeeze %dma_start3A_492 : memref<1x64xi32, #tpu.memory_space<vmem>> -> memref<64xi32, #tpu.memory_space<vmem>>
            %dma_start3A_494 = arith.constant 0 : i32
            %dma_start3A_495 = arith.constant 0 : i32
            %dma_start3A_496 = tpu.memref_slice %arg4[%dma_start3A_494, %dma_start3A_495] : memref<16448x128xf32, #tpu.memory_space<hbm>> -> memref<16448x128xf32, #tpu.memory_space<hbm>>
            tpu.enqueue_indirect_dma source(%dma_start3A_490 : memref<64x128xf32, #tpu.memory_space<vmem>>) target(%dma_start3A_496 : memref<16448x128xf32, #tpu.memory_space<hbm>>) offsets(%dma_start3A_493 : memref<64xi32, #tpu.memory_space<vmem>>) semaphore(%arg14 : memref<!tpu.dma_semaphore, #tpu.memory_space<semaphore_mem>>)
            %dma_wait3A = arith.constant 0 : i32
            %dma_wait3A_497 = tpu.memref_slice %arg9[%mul3A_488, %dma_wait3A] : memref<128x128xf32, #tpu.memory_space<vmem>> -> memref<64x128xf32, #tpu.memory_space<vmem>>
            %dma_wait3A_498 = arith.constant 0 : i32
            %dma_wait3A_499 = tpu.memref_slice %arg10[%and3A_486, %dma_wait3A_498] : memref<2x64xi32, #tpu.memory_space<vmem>> -> memref<1x64xi32, #tpu.memory_space<vmem>>
            %dma_wait3A_500 = tpu.memref_squeeze %dma_wait3A_499 : memref<1x64xi32, #tpu.memory_space<vmem>> -> memref<64xi32, #tpu.memory_space<vmem>>
            %dma_wait3A_501 = arith.constant 0 : i32
            %dma_wait3A_502 = arith.constant 0 : i32
            %dma_wait3A_503 = tpu.memref_slice %arg4[%dma_wait3A_501, %dma_wait3A_502] : memref<16448x128xf32, #tpu.memory_space<hbm>> -> memref<16448x128xf32, #tpu.memory_space<hbm>>
            tpu.wait_indirect_dma semaphore(%arg14 : memref<!tpu.dma_semaphore, #tpu.memory_space<semaphore_mem>>) src(%dma_wait3A_497 : memref<64x128xf32, #tpu.memory_space<vmem>>) dst(%dma_wait3A_503 : memref<16448x128xf32, #tpu.memory_space<hbm>>)
            %add3A_504 = arith.constant 16384 : i32
            %add3A_505 = vector.broadcast %add3A_504 : i32 to vector<16xi32>
            %add3A_506 = arith.addi %add3A_505, %iota3A : vector<16xi32>
            %add3A_507 = arith.constant 0 : i32
            %add3A_508 = vector.broadcast %add3A_507 : i32 to vector<16xi32>
            %add3A_509 = arith.addi %add3A_506, %add3A_508 : vector<16xi32>
            %swap3A_510 = arith.index_cast %and3A_486 : i32 to index
            %swap3A_511 = arith.constant 0 : index
            %swap3A_512 = tpu.vector_load %arg10[%swap3A_510, %swap3A_511] {strides = array<i32>} : memref<2x64xi32, #tpu.memory_space<vmem>>, vector<16xi32>,
            tpu.vector_store %arg10[%swap3A_510, %swap3A_511], %add3A_509 {strides = array<i32>} : memref<2x64xi32, #tpu.memory_space<vmem>>, vector<16xi32>,
            %add3A_513 = arith.constant 16384 : i32
            %add3A_514 = vector.broadcast %add3A_513 : i32 to vector<16xi32>
            %add3A_515 = arith.addi %add3A_514, %iota3A : vector<16xi32>
            %add3A_516 = arith.constant 16 : i32
            %add3A_517 = vector.broadcast %add3A_516 : i32 to vector<16xi32>
            %add3A_518 = arith.addi %add3A_515, %add3A_517 : vector<16xi32>
            %swap3A_519 = arith.index_cast %and3A_486 : i32 to index
            %swap3A_520 = arith.constant 16 : index
            %swap3A_521 = tpu.vector_load %arg10[%swap3A_519, %swap3A_520] {strides = array<i32>} : memref<2x64xi32, #tpu.memory_space<vmem>>, vector<16xi32>,
            tpu.vector_store %arg10[%swap3A_519, %swap3A_520], %add3A_518 {strides = array<i32>} : memref<2x64xi32, #tpu.memory_space<vmem>>, vector<16xi32>,
            %add3A_522 = arith.constant 16384 : i32
            %add3A_523 = vector.broadcast %add3A_522 : i32 to vector<16xi32>
            %add3A_524 = arith.addi %add3A_523, %iota3A : vector<16xi32>
            %add3A_525 = arith.constant 32 : i32
            %add3A_526 = vector.broadcast %add3A_525 : i32 to vector<16xi32>
            %add3A_527 = arith.addi %add3A_524, %add3A_526 : vector<16xi32>
            %swap3A_528 = arith.index_cast %and3A_486 : i32 to index
            %swap3A_529 = arith.constant 32 : index
            %swap3A_530 = tpu.vector_load %arg10[%swap3A_528, %swap3A_529] {strides = array<i32>} : memref<2x64xi32, #tpu.memory_space<vmem>>, vector<16xi32>,
            tpu.vector_store %arg10[%swap3A_528, %swap3A_529], %add3A_527 {strides = array<i32>} : memref<2x64xi32, #tpu.memory_space<vmem>>, vector<16xi32>,
            %add3A_531 = arith.constant 16384 : i32
            %add3A_532 = vector.broadcast %add3A_531 : i32 to vector<16xi32>
            %add3A_533 = arith.addi %add3A_532, %iota3A : vector<16xi32>
            %add3A_534 = arith.constant 48 : i32
            %add3A_535 = vector.broadcast %add3A_534 : i32 to vector<16xi32>
            %add3A_536 = arith.addi %add3A_533, %add3A_535 : vector<16xi32>
            %swap3A_537 = arith.index_cast %and3A_486 : i32 to index
            %swap3A_538 = arith.constant 48 : index
            %swap3A_539 = tpu.vector_load %arg10[%swap3A_537, %swap3A_538] {strides = array<i32>} : memref<2x64xi32, #tpu.memory_space<vmem>>, vector<16xi32>,
            tpu.vector_store %arg10[%swap3A_537, %swap3A_538], %add3A_536 {strides = array<i32>} : memref<2x64xi32, #tpu.memory_space<vmem>>, vector<16xi32>,
            %add3A_540 = arith.constant 64 : i32
            %add3A_541 = arith.addi %get3A_366, %add3A_540 : i32
            %swap3A_542 = arith.constant 1 : i32
            %swap3A_543 = arith.index_cast %swap3A_542 : i32 to index
            %swap3A_544 = memref.load %arg13[%swap3A_543] : memref<8xi32, #tpu.memory_space<smem>>
            memref.store %add3A_541, %arg13[%swap3A_543] : memref<8xi32, #tpu.memory_space<smem>>
          } else {
          }
        } else {
        }
      }
      %get3A_298 = arith.constant 0 : i32
      %get3A_299 = arith.index_cast %get3A_298 : i32 to index
      %get3A_300 = memref.load %arg13[%get3A_299] : memref<8xi32, #tpu.memory_space<smem>>
      %get3A_301 = arith.constant 1 : i32
      %get3A_302 = arith.index_cast %get3A_301 : i32 to index
      %get3A_303 = memref.load %arg13[%get3A_302] : memref<8xi32, #tpu.memory_space<smem>>
      %get3A_304 = arith.constant 2 : i32
      %get3A_305 = arith.index_cast %get3A_304 : i32 to index
      %get3A_306 = memref.load %arg13[%get3A_305] : memref<8xi32, #tpu.memory_space<smem>>
      %get3A_307 = arith.constant 0 : index
      %get3A_308 = tpu.vector_load %arg11[%get3A_307] {strides = array<i32>} : memref<32xi32, #tpu.memory_space<vmem>>, vector<16xi32>,
      %get3A_309 = arith.constant 0 : index
      %get3A_310 = tpu.vector_load %arg12[%get3A_309] {strides = array<i32>} : memref<32xi32, #tpu.memory_space<vmem>>, vector<16xi32>,
      %lt3A_311 = vector.broadcast %get3A_306 : i32 to vector<16xi32>
      %lt3A_312 = arith.cmpi slt, %iota3A, %lt3A_311 : vector<16xi32>
      %shift_right_logical3A = arith.constant 7 : i32
      %shift_right_logical3A_313 = vector.broadcast %shift_right_logical3A : i32 to vector<16xi32>
      %shift_right_logical3A_314 = arith.shrui %get3A_308, %shift_right_logical3A_313 : vector<16xi32>
      %sub3A_315 = vector.broadcast %max3A_244 : i32 to vector<16xi32>
      %sub3A_316 = arith.subi %shift_right_logical3A_314, %sub3A_315 : vector<16xi32>
      %mul3A_317 = arith.constant 128 : i32
      %mul3A_318 = vector.broadcast %mul3A_317 : i32 to vector<16xi32>
      %mul3A_319 = arith.muli %sub3A_316, %mul3A_318 : vector<16xi32>
      %and3A_320 = arith.constant 127 : i32
      %and3A_321 = vector.broadcast %and3A_320 : i32 to vector<16xi32>
      %and3A_322 = arith.andi %get3A_308, %and3A_321 : vector<16xi32>
      %add3A_323 = arith.addi %mul3A_319, %and3A_322 : vector<16xi32>
      %add3A_324 = vector.broadcast %get3A_300 : i32 to vector<16xi32>
      %add3A_325 = arith.addi %add3A_324, %iota3A : vector<16xi32>
      %and3A_326 = arith.constant 127 : i32
      %and3A_327 = vector.broadcast %and3A_326 : i32 to vector<16xi32>
      %and3A_328 = arith.andi %add3A_325, %and3A_327 : vector<16xi32>
      %shift_right_logical3A_329 = arith.constant 6 : i32
      %shift_right_logical3A_330 = vector.broadcast %shift_right_logical3A_329 : i32 to vector<16xi32>
      %shift_right_logical3A_331 = arith.shrui %and3A_328, %shift_right_logical3A_330 : vector<16xi32>
      %and3A_332 = arith.constant 63 : i32
      %and3A_333 = vector.broadcast %and3A_332 : i32 to vector<16xi32>
      %and3A_334 = arith.andi %and3A_328, %and3A_333 : vector<16xi32>
      tpu.vector_store_idx %arg10[%shift_right_logical3A_331, %and3A_334], %get3A_310 masked %lt3A_312 : memref<2x64xi32, #tpu.memory_space<vmem>>[vector<16xi32>, vector<16xi32>], vector<16xi32>, vector<16xi1>
      %mul3A_335 = arith.constant 0 : i32
      %mul3A_336 = vector.broadcast %mul3A_335 : i32 to vector<16xi32>
      %mul3A_337 = arith.muli %iota3A, %mul3A_336 : vector<16xi32>
      %add3A_338 = vector.broadcast %and3A_237 : i32 to vector<16xi32>
      %add3A_339 = arith.addi %mul3A_337, %add3A_338 : vector<16xi32>
      %scan3A_340 = arith.constant 0 : i32
      %scan3A_341 = arith.constant 0 : i32
      %scan3A_342 = arith.constant 16 : i32
      %scan3A_343 = arith.addi %scan3A_341, %scan3A_342 : i32
      %scan3A_344 = arith.constant 1 : i32
      scf.for %scan3A_360 = %scan3A_341 to %scan3A_343 step %scan3A_344  : i32 {
        %mul3A_361 = arith.constant 0 : i32
        %mul3A_362 = vector.broadcast %mul3A_361 : i32 to vector<16xi32>
        %mul3A_363 = arith.muli %iota3A, %mul3A_362 : vector<16xi32>
        %mul3A_364 = arith.constant 4 : i32
        %mul3A_365 = arith.muli %scan3A_360, %mul3A_364 : i32
        %add3A_366 = arith.constant 0 : i32
        %add3A_367 = arith.addi %mul3A_365, %add3A_366 : i32
        %add3A_368 = vector.broadcast %add3A_367 : i32 to vector<16xi32>
        %add3A_369 = arith.addi %mul3A_363, %add3A_368 : vector<16xi32>
        %gather3A = tpu.vector_load_idx %arg8[%add3A_339, %add3A_369, %add3A_323] masked %lt3A_312 : memref<2x64x512xf32, #tpu.memory_space<vmem>>[vector<16xi32>, vector<16xi32>, vector<16xi32>], vector<16xf32>, vector<16xi1>
        tpu.vector_store_idx %arg9[%and3A_328, %add3A_369], %gather3A masked %lt3A_312 : memref<128x128xf32, #tpu.memory_space<vmem>>[vector<16xi32>, vector<16xi32>], vector<16xf32>, vector<16xi1>
        %mul3A_370 = arith.constant 0 : i32
        %mul3A_371 = vector.broadcast %mul3A_370 : i32 to vector<16xi32>
        %mul3A_372 = arith.muli %iota3A, %mul3A_371 : vector<16xi32>
        %mul3A_373 = arith.constant 4 : i32
        %mul3A_374 = arith.muli %scan3A_360, %mul3A_373 : i32
        %add3A_375 = arith.constant 1 : i32
        %add3A_376 = arith.addi %mul3A_374, %add3A_375 : i32
        %add3A_377 = vector.broadcast %add3A_376 : i32 to vector<16xi32>
        %add3A_378 = arith.addi %mul3A_372, %add3A_377 : vector<16xi32>
        %gather3A_379 = tpu.vector_load_idx %arg8[%add3A_339, %add3A_378, %add3A_323] masked %lt3A_312 : memref<2x64x512xf32, #tpu.memory_space<vmem>>[vector<16xi32>, vector<16xi32>, vector<16xi32>], vector<16xf32>, vector<16xi1>
        tpu.vector_store_idx %arg9[%and3A_328, %add3A_378], %gather3A_379 masked %lt3A_312 : memref<128x128xf32, #tpu.memory_space<vmem>>[vector<16xi32>, vector<16xi32>], vector<16xf32>, vector<16xi1>
        %mul3A_380 = arith.constant 0 : i32
        %mul3A_381 = vector.broadcast %mul3A_380 : i32 to vector<16xi32>
        %mul3A_382 = arith.muli %iota3A, %mul3A_381 : vector<16xi32>
        %mul3A_383 = arith.constant 4 : i32
        %mul3A_384 = arith.muli %scan3A_360, %mul3A_383 : i32
        %add3A_385 = arith.constant 2 : i32
        %add3A_386 = arith.addi %mul3A_384, %add3A_385 : i32
        %add3A_387 = vector.broadcast %add3A_386 : i32 to vector<16xi32>
        %add3A_388 = arith.addi %mul3A_382, %add3A_387 : vector<16xi32>
        %gather3A_389 = tpu.vector_load_idx %arg8[%add3A_339, %add3A_388, %add3A_323] masked %lt3A_312 : memref<2x64x512xf32, #tpu.memory_space<vmem>>[vector<16xi32>, vector<16xi32>, vector<16xi32>], vector<16xf32>, vector<16xi1>
        tpu.vector_store_idx %arg9[%and3A_328, %add3A_388], %gather3A_389 masked %lt3A_312 : memref<128x128xf32, #tpu.memory_space<vmem>>[vector<16xi32>, vector<16xi32>], vector<16xf32>, vector<16xi1>
        %mul3A_390 = arith.constant 0 : i32
        %mul3A_391 = vector.broadcast %mul3A_390 : i32 to vector<16xi32>
        %mul3A_392 = arith.muli %iota3A, %mul3A_391 : vector<16xi32>
        %mul3A_393 = arith.constant 4 : i32
        %mul3A_394 = arith.muli %scan3A_360, %mul3A_393 : i32
        %add3A_395 = arith.constant 3 : i32
        %add3A_396 = arith.addi %mul3A_394, %add3A_395 : i32
        %add3A_397 = vector.broadcast %add3A_396 : i32 to vector<16xi32>
        %add3A_398 = arith.addi %mul3A_392, %add3A_397 : vector<16xi32>
        %gather3A_399 = tpu.vector_load_idx %arg8[%add3A_339, %add3A_398, %add3A_323] masked %lt3A_312 : memref<2x64x512xf32, #tpu.memory_space<vmem>>[vector<16xi32>, vector<16xi32>, vector<16xi32>], vector<16xf32>, vector<16xi1>
        tpu.vector_store_idx %arg9[%and3A_328, %add3A_398], %gather3A_399 masked %lt3A_312 : memref<128x128xf32, #tpu.memory_space<vmem>>[vector<16xi32>, vector<16xi32>], vector<16xf32>, vector<16xi1>
      }
      %scan3A_345 = arith.constant 16 : i32
      %add3A_346 = arith.addi %get3A_300, %get3A_306 : i32
      %swap3A_347 = arith.constant 0 : i32
      %swap3A_348 = arith.index_cast %swap3A_347 : i32 to index
      %swap3A_349 = memref.load %arg13[%swap3A_348] : memref<8xi32, #tpu.memory_space<smem>>
      memref.store %add3A_346, %arg13[%swap3A_348] : memref<8xi32, #tpu.memory_space<smem>>
      %swap3A_350 = arith.constant 0 : i32
      %swap3A_351 = arith.constant 2 : i32
      %swap3A_352 = arith.index_cast %swap3A_351 : i32 to index
      %swap3A_353 = memref.load %arg13[%swap3A_352] : memref<8xi32, #tpu.memory_space<smem>>
      memref.store %swap3A_350, %arg13[%swap3A_352] : memref<8xi32, #tpu.memory_space<smem>>
      %add3A_354 = arith.addi %get3A_300, %get3A_306 : i32
      %sub3A_355 = arith.subi %add3A_354, %get3A_303 : i32
      %ge3A = arith.constant 64 : i32
      %ge3A_356 = arith.cmpi sge, %sub3A_355, %ge3A : i32
      %convert_element_type3A_357 = arith.extui %ge3A_356 : i1 to i32
      %cond3A_358 = arith.constant 0 : i32
      %cond3A_359 = arith.cmpi ne, %convert_element_type3A_357, %cond3A_358 : i32
      scf.if %cond3A_359 {
        %shift_right_logical3A_360 = arith.constant 6 : i32
        %shift_right_logical3A_361 = arith.shrui %get3A_303, %shift_right_logical3A_360 : i32
        %and3A_362 = arith.constant 1 : i32
        %and3A_363 = arith.andi %shift_right_logical3A_361, %and3A_362 : i32
        %mul3A_364 = arith.constant 64 : i32
        %mul3A_365 = arith.muli %and3A_363, %mul3A_364 : i32
        %dma_start3A_366 = arith.constant 0 : i32
        %dma_start3A_367 = tpu.memref_slice %arg9[%mul3A_365, %dma_start3A_366] : memref<128x128xf32, #tpu.memory_space<vmem>> -> memref<64x128xf32, #tpu.memory_space<vmem>>
        %dma_start3A_368 = arith.constant 0 : i32
        %dma_start3A_369 = tpu.memref_slice %arg10[%and3A_363, %dma_start3A_368] : memref<2x64xi32, #tpu.memory_space<vmem>> -> memref<1x64xi32, #tpu.memory_space<vmem>>
        %dma_start3A_370 = tpu.memref_squeeze %dma_start3A_369 : memref<1x64xi32, #tpu.memory_space<vmem>> -> memref<64xi32, #tpu.memory_space<vmem>>
        %dma_start3A_371 = arith.constant 0 : i32
        %dma_start3A_372 = arith.constant 0 : i32
        %dma_start3A_373 = tpu.memref_slice %arg4[%dma_start3A_371, %dma_start3A_372] : memref<16448x128xf32, #tpu.memory_space<hbm>> -> memref<16448x128xf32, #tpu.memory_space<hbm>>
        tpu.enqueue_indirect_dma source(%dma_start3A_367 : memref<64x128xf32, #tpu.memory_space<vmem>>) target(%dma_start3A_373 : memref<16448x128xf32, #tpu.memory_space<hbm>>) offsets(%dma_start3A_370 : memref<64xi32, #tpu.memory_space<vmem>>) semaphore(%arg14 : memref<!tpu.dma_semaphore, #tpu.memory_space<semaphore_mem>>)
        %dma_wait3A = arith.constant 0 : i32
        %dma_wait3A_374 = tpu.memref_slice %arg9[%mul3A_365, %dma_wait3A] : memref<128x128xf32, #tpu.memory_space<vmem>> -> memref<64x128xf32, #tpu.memory_space<vmem>>
        %dma_wait3A_375 = arith.constant 0 : i32
        %dma_wait3A_376 = tpu.memref_slice %arg10[%and3A_363, %dma_wait3A_375] : memref<2x64xi32, #tpu.memory_space<vmem>> -> memref<1x64xi32, #tpu.memory_space<vmem>>
        %dma_wait3A_377 = tpu.memref_squeeze %dma_wait3A_376 : memref<1x64xi32, #tpu.memory_space<vmem>> -> memref<64xi32, #tpu.memory_space<vmem>>
        %dma_wait3A_378 = arith.constant 0 : i32
        %dma_wait3A_379 = arith.constant 0 : i32
        %dma_wait3A_380 = tpu.memref_slice %arg4[%dma_wait3A_378, %dma_wait3A_379] : memref<16448x128xf32, #tpu.memory_space<hbm>> -> memref<16448x128xf32, #tpu.memory_space<hbm>>
        tpu.wait_indirect_dma semaphore(%arg14 : memref<!tpu.dma_semaphore, #tpu.memory_space<semaphore_mem>>) src(%dma_wait3A_374 : memref<64x128xf32, #tpu.memory_space<vmem>>) dst(%dma_wait3A_380 : memref<16448x128xf32, #tpu.memory_space<hbm>>)
        %add3A_381 = arith.constant 16384 : i32
        %add3A_382 = vector.broadcast %add3A_381 : i32 to vector<16xi32>
        %add3A_383 = arith.addi %add3A_382, %iota3A : vector<16xi32>
        %add3A_384 = arith.constant 0 : i32
        %add3A_385 = vector.broadcast %add3A_384 : i32 to vector<16xi32>
        %add3A_386 = arith.addi %add3A_383, %add3A_385 : vector<16xi32>
        %swap3A_387 = arith.index_cast %and3A_363 : i32 to index
        %swap3A_388 = arith.constant 0 : index
        %swap3A_389 = tpu.vector_load %arg10[%swap3A_387, %swap3A_388] {strides = array<i32>} : memref<2x64xi32, #tpu.memory_space<vmem>>, vector<16xi32>,
        tpu.vector_store %arg10[%swap3A_387, %swap3A_388], %add3A_386 {strides = array<i32>} : memref<2x64xi32, #tpu.memory_space<vmem>>, vector<16xi32>,
        %add3A_390 = arith.constant 16384 : i32
        %add3A_391 = vector.broadcast %add3A_390 : i32 to vector<16xi32>
        %add3A_392 = arith.addi %add3A_391, %iota3A : vector<16xi32>
        %add3A_393 = arith.constant 16 : i32
        %add3A_394 = vector.broadcast %add3A_393 : i32 to vector<16xi32>
        %add3A_395 = arith.addi %add3A_392, %add3A_394 : vector<16xi32>
        %swap3A_396 = arith.index_cast %and3A_363 : i32 to index
        %swap3A_397 = arith.constant 16 : index
        %swap3A_398 = tpu.vector_load %arg10[%swap3A_396, %swap3A_397] {strides = array<i32>} : memref<2x64xi32, #tpu.memory_space<vmem>>, vector<16xi32>,
        tpu.vector_store %arg10[%swap3A_396, %swap3A_397], %add3A_395 {strides = array<i32>} : memref<2x64xi32, #tpu.memory_space<vmem>>, vector<16xi32>,
        %add3A_399 = arith.constant 16384 : i32
        %add3A_400 = vector.broadcast %add3A_399 : i32 to vector<16xi32>
        %add3A_401 = arith.addi %add3A_400, %iota3A : vector<16xi32>
        %add3A_402 = arith.constant 32 : i32
        %add3A_403 = vector.broadcast %add3A_402 : i32 to vector<16xi32>
        %add3A_404 = arith.addi %add3A_401, %add3A_403 : vector<16xi32>
        %swap3A_405 = arith.index_cast %and3A_363 : i32 to index
        %swap3A_406 = arith.constant 32 : index
        %swap3A_407 = tpu.vector_load %arg10[%swap3A_405, %swap3A_406] {strides = array<i32>} : memref<2x64xi32, #tpu.memory_space<vmem>>, vector<16xi32>,
        tpu.vector_store %arg10[%swap3A_405, %swap3A_406], %add3A_404 {strides = array<i32>} : memref<2x64xi32, #tpu.memory_space<vmem>>, vector<16xi32>,
        %add3A_408 = arith.constant 16384 : i32
        %add3A_409 = vector.broadcast %add3A_408 : i32 to vector<16xi32>
        %add3A_410 = arith.addi %add3A_409, %iota3A : vector<16xi32>
        %add3A_411 = arith.constant 48 : i32
        %add3A_412 = vector.broadcast %add3A_411 : i32 to vector<16xi32>
        %add3A_413 = arith.addi %add3A_410, %add3A_412 : vector<16xi32>
        %swap3A_414 = arith.index_cast %and3A_363 : i32 to index
        %swap3A_415 = arith.constant 48 : index
        %swap3A_416 = tpu.vector_load %arg10[%swap3A_414, %swap3A_415] {strides = array<i32>} : memref<2x64xi32, #tpu.memory_space<vmem>>, vector<16xi32>,
        tpu.vector_store %arg10[%swap3A_414, %swap3A_415], %add3A_413 {strides = array<i32>} : memref<2x64xi32, #tpu.memory_space<vmem>>, vector<16xi32>,
        %add3A_417 = arith.constant 64 : i32
        %add3A_418 = arith.addi %get3A_303, %add3A_417 : i32
        %swap3A_419 = arith.constant 1 : i32
        %swap3A_420 = arith.index_cast %swap3A_419 : i32 to index
        %swap3A_421 = memref.load %arg13[%swap3A_420] : memref<8xi32, #tpu.memory_space<smem>>
        memref.store %add3A_418, %arg13[%swap3A_420] : memref<8xi32, #tpu.memory_space<smem>>
      } else {
      }
    }
    %scan3A_227 = arith.constant 62 : i32
    %get3A = arith.constant 0 : i32
    %get3A_228 = arith.index_cast %get3A : i32 to index
    %get3A_229 = memref.load %arg13[%get3A_228] : memref<8xi32, #tpu.memory_space<smem>>
    %get3A_230 = arith.constant 1 : i32
    %get3A_231 = arith.index_cast %get3A_230 : i32 to index
    %get3A_232 = memref.load %arg13[%get3A_231] : memref<8xi32, #tpu.memory_space<smem>>
    %sub3A_233 = arith.subi %get3A_229, %get3A_232 : i32
    %gt3A = arith.constant 0 : i32
    %gt3A_234 = arith.cmpi sgt, %sub3A_233, %gt3A : i32
    %convert_element_type3A = arith.extui %gt3A_234 : i1 to i32
    %cond3A = arith.constant 0 : i32
    %cond3A_235 = arith.cmpi ne, %convert_element_type3A, %cond3A : i32
    scf.if %cond3A_235 {
      %get3A_236 = arith.constant 1 : i32
      %get3A_237 = arith.index_cast %get3A_236 : i32 to index
      %get3A_238 = memref.load %arg13[%get3A_237] : memref<8xi32, #tpu.memory_space<smem>>
      %shift_right_logical3A = arith.constant 6 : i32
      %shift_right_logical3A_239 = arith.shrui %get3A_238, %shift_right_logical3A : i32
      %and3A = arith.constant 1 : i32
      %and3A_240 = arith.andi %shift_right_logical3A_239, %and3A : i32
      %mul3A_241 = arith.constant 64 : i32
      %mul3A_242 = arith.muli %and3A_240, %mul3A_241 : i32
      %dma_start3A_243 = arith.constant 0 : i32
      %dma_start3A_244 = tpu.memref_slice %arg9[%mul3A_242, %dma_start3A_243] : memref<128x128xf32, #tpu.memory_space<vmem>> -> memref<64x128xf32, #tpu.memory_space<vmem>>
      %dma_start3A_245 = arith.constant 0 : i32
      %dma_start3A_246 = tpu.memref_slice %arg10[%and3A_240, %dma_start3A_245] : memref<2x64xi32, #tpu.memory_space<vmem>> -> memref<1x64xi32, #tpu.memory_space<vmem>>
      %dma_start3A_247 = tpu.memref_squeeze %dma_start3A_246 : memref<1x64xi32, #tpu.memory_space<vmem>> -> memref<64xi32, #tpu.memory_space<vmem>>
      %dma_start3A_248 = arith.constant 0 : i32
      %dma_start3A_249 = arith.constant 0 : i32
      %dma_start3A_250 = tpu.memref_slice %arg4[%dma_start3A_248, %dma_start3A_249] : memref<16448x128xf32, #tpu.memory_space<hbm>> -> memref<16448x128xf32, #tpu.memory_space<hbm>>
      tpu.enqueue_indirect_dma source(%dma_start3A_244 : memref<64x128xf32, #tpu.memory_space<vmem>>) target(%dma_start3A_250 : memref<16448x128xf32, #tpu.memory_space<hbm>>) offsets(%dma_start3A_247 : memref<64xi32, #tpu.memory_space<vmem>>) semaphore(%arg14 : memref<!tpu.dma_semaphore, #tpu.memory_space<semaphore_mem>>)
      %dma_wait3A = arith.constant 0 : i32
      %dma_wait3A_251 = tpu.memref_slice %arg9[%mul3A_242, %dma_wait3A] : memref<128x128xf32, #tpu.memory_space<vmem>> -> memref<64x128xf32, #tpu.memory_space<vmem>>
      %dma_wait3A_252 = arith.constant 0 : i32
      %dma_wait3A_253 = tpu.memref_slice %arg10[%and3A_240, %dma_wait3A_252] : memref<2x64xi32, #tpu.memory_space<vmem>> -> memref<1x64xi32, #tpu.memory_space<vmem>>
      %dma_wait3A_254 = tpu.memref_squeeze %dma_wait3A_253 : memref<1x64xi32, #tpu.memory_space<vmem>> -> memref<64xi32, #tpu.memory_space<vmem>>
      %dma_wait3A_255 = arith.constant 0 : i32
      %dma_wait3A_256 = arith.constant 0 : i32
      %dma_wait3A_257 = tpu.memref_slice %arg4[%dma_wait3A_255, %dma_wait3A_256] : memref<16448x128xf32, #tpu.memory_space<hbm>> -> memref<16448x128xf32, #tpu.memory_space<hbm>>
      tpu.wait_indirect_dma semaphore(%arg14 : memref<!tpu.dma_semaphore, #tpu.memory_space<semaphore_mem>>) src(%dma_wait3A_251 : memref<64x128xf32, #tpu.memory_space<vmem>>) dst(%dma_wait3A_257 : memref<16448x128xf32, #tpu.memory_space<hbm>>)
      %add3A_258 = arith.constant 16384 : i32
      %add3A_259 = vector.broadcast %add3A_258 : i32 to vector<16xi32>
      %add3A_260 = arith.addi %add3A_259, %iota3A : vector<16xi32>
      %add3A_261 = arith.constant 0 : i32
      %add3A_262 = vector.broadcast %add3A_261 : i32 to vector<16xi32>
      %add3A_263 = arith.addi %add3A_260, %add3A_262 : vector<16xi32>
      %swap3A_264 = arith.index_cast %and3A_240 : i32 to index
      %swap3A_265 = arith.constant 0 : index
      %swap3A_266 = tpu.vector_load %arg10[%swap3A_264, %swap3A_265] {strides = array<i32>} : memref<2x64xi32, #tpu.memory_space<vmem>>, vector<16xi32>,
      tpu.vector_store %arg10[%swap3A_264, %swap3A_265], %add3A_263 {strides = array<i32>} : memref<2x64xi32, #tpu.memory_space<vmem>>, vector<16xi32>,
      %add3A_267 = arith.constant 16384 : i32
      %add3A_268 = vector.broadcast %add3A_267 : i32 to vector<16xi32>
      %add3A_269 = arith.addi %add3A_268, %iota3A : vector<16xi32>
      %add3A_270 = arith.constant 16 : i32
      %add3A_271 = vector.broadcast %add3A_270 : i32 to vector<16xi32>
      %add3A_272 = arith.addi %add3A_269, %add3A_271 : vector<16xi32>
      %swap3A_273 = arith.index_cast %and3A_240 : i32 to index
      %swap3A_274 = arith.constant 16 : index
      %swap3A_275 = tpu.vector_load %arg10[%swap3A_273, %swap3A_274] {strides = array<i32>} : memref<2x64xi32, #tpu.memory_space<vmem>>, vector<16xi32>,
      tpu.vector_store %arg10[%swap3A_273, %swap3A_274], %add3A_272 {strides = array<i32>} : memref<2x64xi32, #tpu.memory_space<vmem>>, vector<16xi32>,
      %add3A_276 = arith.constant 16384 : i32
      %add3A_277 = vector.broadcast %add3A_276 : i32 to vector<16xi32>
      %add3A_278 = arith.addi %add3A_277, %iota3A : vector<16xi32>
      %add3A_279 = arith.constant 32 : i32
      %add3A_280 = vector.broadcast %add3A_279 : i32 to vector<16xi32>
      %add3A_281 = arith.addi %add3A_278, %add3A_280 : vector<16xi32>
      %swap3A_282 = arith.index_cast %and3A_240 : i32 to index
      %swap3A_283 = arith.constant 32 : index
      %swap3A_284 = tpu.vector_load %arg10[%swap3A_282, %swap3A_283] {strides = array<i32>} : memref<2x64xi32, #tpu.memory_space<vmem>>, vector<16xi32>,
      tpu.vector_store %arg10[%swap3A_282, %swap3A_283], %add3A_281 {strides = array<i32>} : memref<2x64xi32, #tpu.memory_space<vmem>>, vector<16xi32>,
      %add3A_285 = arith.constant 16384 : i32
      %add3A_286 = vector.broadcast %add3A_285 : i32 to vector<16xi32>
      %add3A_287 = arith.addi %add3A_286, %iota3A : vector<16xi32>
      %add3A_288 = arith.constant 48 : i32
      %add3A_289 = vector.broadcast %add3A_288 : i32 to vector<16xi32>
      %add3A_290 = arith.addi %add3A_287, %add3A_289 : vector<16xi32>
      %swap3A_291 = arith.index_cast %and3A_240 : i32 to index
      %swap3A_292 = arith.constant 48 : index
      %swap3A_293 = tpu.vector_load %arg10[%swap3A_291, %swap3A_292] {strides = array<i32>} : memref<2x64xi32, #tpu.memory_space<vmem>>, vector<16xi32>,
      tpu.vector_store %arg10[%swap3A_291, %swap3A_292], %add3A_290 {strides = array<i32>} : memref<2x64xi32, #tpu.memory_space<vmem>>, vector<16xi32>,
    } else {
    }
    return
  }
}

module attributes {stable_mosaic.version = 14 : i64} {
  func.func @_tc_body(%arg0: i32, %arg1: memref<2048x64xf32, #tpu.memory_space<vmem>>, %arg2: memref<2048x128xf32, #tpu.memory_space<vmem>>, %arg3: memref<2048x1xi32, #tpu.memory_space<vmem>>, %arg4: memref<64x64xf32, #tpu.memory_space<vmem>>, %arg5: memref<2048x1xi32, #tpu.memory_space<vmem>>, %arg6: memref<2048x1xi32, #tpu.memory_space<vmem>>, %arg7: memref<3x64xf32, #tpu.memory_space<vmem>>, %arg8: memref<10x64xf32, #tpu.memory_space<vmem>>, %arg9: memref<64x64xf32, #tpu.memory_space<vmem>>, %arg10: memref<1x64xf32, #tpu.memory_space<vmem>>, %arg11: memref<1x64xf32, #tpu.memory_space<vmem>>, %arg12: memref<1x64xf32, #tpu.memory_space<vmem>>, %arg13: memref<2048x64xf32, #tpu.memory_space<vmem>>) attributes {dimension_semantics = [#tpu.dimension_semantics<arbitrary>], iteration_bounds = array<i64: 8>, scalar_prefetch = 0 : i64, scratch_operands = 0 : i64, tpu.core_type = #tpu.core_type<tc>, window_params = [{transform_indices = @transform_0, window_bounds = array<i64: 2048, 64>}, {transform_indices = @transform_1, window_bounds = array<i64: 2048, 128>}, {transform_indices = @transform_2, window_bounds = array<i64: 2048, 1>}, {pipeline_mode = #tpu.pipeline_mode<synchronous>, transform_indices = @transform_3, window_bounds = array<i64: 64, 64>}, {transform_indices = @transform_4, window_bounds = array<i64: 2048, 1>}, {transform_indices = @transform_5, window_bounds = array<i64: 2048, 1>}, {pipeline_mode = #tpu.pipeline_mode<synchronous>, transform_indices = @transform_6, window_bounds = array<i64: 3, 64>}, {pipeline_mode = #tpu.pipeline_mode<synchronous>, transform_indices = @transform_7, window_bounds = array<i64: 10, 64>}, {pipeline_mode = #tpu.pipeline_mode<synchronous>, transform_indices = @transform_8, window_bounds = array<i64: 64, 64>}, {pipeline_mode = #tpu.pipeline_mode<synchronous>, transform_indices = @transform_9, window_bounds = array<i64: 1, 64>}, {pipeline_mode = #tpu.pipeline_mode<synchronous>, transform_indices = @transform_10, window_bounds = array<i64: 1, 64>}, {pipeline_mode = #tpu.pipeline_mode<synchronous>, transform_indices = @transform_11, window_bounds = array<i64: 1, 64>}, {transform_indices = @transform_12, window_bounds = array<i64: 2048, 64>}]} {
    %get3A = arith.constant 0 : index
    %get3A_0 = arith.constant 0 : index
    %get3A_1 = vector.load %arg3[%get3A, %get3A_0] : memref<2048x1xi32, #tpu.memory_space<vmem>>, vector<2048x1xi32>
    %ge3A = arith.constant 999936 : i32
    %ge3A_2 = vector.broadcast %ge3A : i32 to vector<2048x1xi32>
    %ge3A_3 = arith.cmpi sge, %get3A_1, %ge3A_2 : vector<2048x1xi32>
    %iota3A = tpu.iota {dimensions = array<i32: 1>} : vector<1x64xi32>
    %sub3A = arith.constant 999936 : i32
    %sub3A_4 = vector.broadcast %sub3A : i32 to vector<2048x1xi32>
    %sub3A_5 = arith.subi %get3A_1, %sub3A_4 : vector<2048x1xi32>
    %eq3A = vector.broadcast %sub3A_5 : vector<2048x1xi32> to vector<2048x64xi32>
    %eq3A_6 = vector.broadcast %iota3A : vector<1x64xi32> to vector<2048x64xi32>
    %eq3A_7 = arith.cmpi eq, %eq3A, %eq3A_6 : vector<2048x64xi32>
    %and3A = vector.broadcast %ge3A_3 : vector<2048x1xi1> to vector<2048x64xi1>
    %and3A_8 = arith.andi %and3A, %eq3A_7 : vector<2048x64xi1>
    %jit3A = arith.constant 1.000000e+00 : f32
    %jit3A_9 = arith.constant 0.000000e+00 : f32
    %broadcast_in_dim3A = vector.broadcast %jit3A : f32 to vector<2048x64xf32>
    %broadcast_in_dim3A_10 = vector.broadcast %jit3A_9 : f32 to vector<2048x64xf32>
    %select_n3A = arith.select %and3A_8, %broadcast_in_dim3A, %broadcast_in_dim3A_10 : vector<2048x64xi1>, vector<2048x64xf32>
    %get3A_11 = arith.constant 0 : index
    %get3A_12 = arith.constant 0 : index
    %get3A_13 = vector.load %arg4[%get3A_11, %get3A_12] : memref<64x64xf32, #tpu.memory_space<vmem>>, vector<64x64xf32>
    %dot_general3A = arith.constant dense<0.000000e+00> : vector<2048x64xf32>
    %dot_general3A_14 = tpu.matmul %select_n3A, %get3A_13, %dot_general3A {dimension_numbers = #tpu.dot_dimension_numbers<[1], [0], [0], [1], [0, 0, 1, 1], [], []>, transpose_lhs_hint = false} : vector<2048x64xf32>, vector<64x64xf32>, vector<2048x64xf32> -> vector<2048x64xf32>
    %get3A_15 = arith.constant 0 : index
    %get3A_16 = arith.constant 0 : index
    %get3A_17 = vector.load %arg2[%get3A_15, %get3A_16] : memref<2048x128xf32, #tpu.memory_space<vmem>>, vector<2048x64xf32>
    %broadcast_in_dim3A_18 = vector.shape_cast %ge3A_3 : vector<2048x1xi1> to vector<2048x1xi1>
    %broadcast_in_dim3A_19 = vector.broadcast %broadcast_in_dim3A_18 : vector<2048x1xi1> to vector<2048x64xi1>
    %select_n3A_20 = arith.select %broadcast_in_dim3A_19, %dot_general3A_14, %get3A_17 : vector<2048x64xi1>, vector<2048x64xf32>
    %get3A_21 = arith.constant 0 : index
    %get3A_22 = arith.constant 0 : index
    %get3A_23 = vector.load %arg1[%get3A_21, %get3A_22] : memref<2048x64xf32, #tpu.memory_space<vmem>>, vector<2048x64xf32>
    %add3A = arith.addf %get3A_23, %select_n3A_20 : vector<2048x64xf32>
    %get3A_24 = arith.constant 0 : index
    %get3A_25 = arith.constant 0 : index
    %get3A_26 = vector.load %arg5[%get3A_24, %get3A_25] : memref<2048x1xi32, #tpu.memory_space<vmem>>, vector<2048x1xi32>
    %eq3A_27 = arith.constant 0 : i32
    %eq3A_28 = vector.broadcast %eq3A_27 : i32 to vector<2048x1xi32>
    %eq3A_29 = arith.cmpi eq, %get3A_26, %eq3A_28 : vector<2048x1xi32>
    %get3A_30 = arith.constant 0 : index
    %get3A_31 = arith.constant 0 : index
    %get3A_32 = vector.load %arg7[%get3A_30, %get3A_31] : memref<3x64xf32, #tpu.memory_space<vmem>>, vector<1x64xf32>
    %get3A_33 = vector.shape_cast %get3A_32 : vector<1x64xf32> to vector<64xf32>
    %broadcast_in_dim3A_34 = vector.shape_cast %get3A_33 : vector<64xf32> to vector<1x64xf32>
    %jit3A_35 = arith.constant 0.000000e+00 : f32
    %broadcast_in_dim3A_36 = vector.shape_cast %eq3A_29 : vector<2048x1xi1> to vector<2048x1xi1>
    %broadcast_in_dim3A_37 = vector.broadcast %broadcast_in_dim3A_36 : vector<2048x1xi1> to vector<2048x64xi1>
    %broadcast_in_dim3A_38 = vector.shape_cast %broadcast_in_dim3A_34 : vector<1x64xf32> to vector<1x64xf32>
    %broadcast_in_dim3A_39 = vector.broadcast %broadcast_in_dim3A_38 : vector<1x64xf32> to vector<2048x64xf32>
    %broadcast_in_dim3A_40 = vector.broadcast %jit3A_35 : f32 to vector<2048x64xf32>
    %select_n3A_41 = arith.select %broadcast_in_dim3A_37, %broadcast_in_dim3A_39, %broadcast_in_dim3A_40 : vector<2048x64xi1>, vector<2048x64xf32>
    %add3A_42 = arith.addf %add3A, %select_n3A_41 : vector<2048x64xf32>
    %eq3A_43 = arith.constant 1 : i32
    %eq3A_44 = vector.broadcast %eq3A_43 : i32 to vector<2048x1xi32>
    %eq3A_45 = arith.cmpi eq, %get3A_26, %eq3A_44 : vector<2048x1xi32>
    %get3A_46 = arith.constant 1 : index
    %get3A_47 = arith.constant 0 : index
    %get3A_48 = vector.load %arg7[%get3A_46, %get3A_47] : memref<3x64xf32, #tpu.memory_space<vmem>>, vector<1x64xf32>
    %get3A_49 = vector.shape_cast %get3A_48 : vector<1x64xf32> to vector<64xf32>
    %broadcast_in_dim3A_50 = vector.shape_cast %get3A_49 : vector<64xf32> to vector<1x64xf32>
    %jit3A_51 = arith.constant 0.000000e+00 : f32
    %broadcast_in_dim3A_52 = vector.shape_cast %eq3A_45 : vector<2048x1xi1> to vector<2048x1xi1>
    %broadcast_in_dim3A_53 = vector.broadcast %broadcast_in_dim3A_52 : vector<2048x1xi1> to vector<2048x64xi1>
    %broadcast_in_dim3A_54 = vector.shape_cast %broadcast_in_dim3A_50 : vector<1x64xf32> to vector<1x64xf32>
    %broadcast_in_dim3A_55 = vector.broadcast %broadcast_in_dim3A_54 : vector<1x64xf32> to vector<2048x64xf32>
    %broadcast_in_dim3A_56 = vector.broadcast %jit3A_51 : f32 to vector<2048x64xf32>
    %select_n3A_57 = arith.select %broadcast_in_dim3A_53, %broadcast_in_dim3A_55, %broadcast_in_dim3A_56 : vector<2048x64xi1>, vector<2048x64xf32>
    %add3A_58 = arith.addf %add3A_42, %select_n3A_57 : vector<2048x64xf32>
    %eq3A_59 = arith.constant 2 : i32
    %eq3A_60 = vector.broadcast %eq3A_59 : i32 to vector<2048x1xi32>
    %eq3A_61 = arith.cmpi eq, %get3A_26, %eq3A_60 : vector<2048x1xi32>
    %get3A_62 = arith.constant 2 : index
    %get3A_63 = arith.constant 0 : index
    %get3A_64 = vector.load %arg7[%get3A_62, %get3A_63] : memref<3x64xf32, #tpu.memory_space<vmem>>, vector<1x64xf32>
    %get3A_65 = vector.shape_cast %get3A_64 : vector<1x64xf32> to vector<64xf32>
    %broadcast_in_dim3A_66 = vector.shape_cast %get3A_65 : vector<64xf32> to vector<1x64xf32>
    %jit3A_67 = arith.constant 0.000000e+00 : f32
    %broadcast_in_dim3A_68 = vector.shape_cast %eq3A_61 : vector<2048x1xi1> to vector<2048x1xi1>
    %broadcast_in_dim3A_69 = vector.broadcast %broadcast_in_dim3A_68 : vector<2048x1xi1> to vector<2048x64xi1>
    %broadcast_in_dim3A_70 = vector.shape_cast %broadcast_in_dim3A_66 : vector<1x64xf32> to vector<1x64xf32>
    %broadcast_in_dim3A_71 = vector.broadcast %broadcast_in_dim3A_70 : vector<1x64xf32> to vector<2048x64xf32>
    %broadcast_in_dim3A_72 = vector.broadcast %jit3A_67 : f32 to vector<2048x64xf32>
    %select_n3A_73 = arith.select %broadcast_in_dim3A_69, %broadcast_in_dim3A_71, %broadcast_in_dim3A_72 : vector<2048x64xi1>, vector<2048x64xf32>
    %add3A_74 = arith.addf %add3A_58, %select_n3A_73 : vector<2048x64xf32>
    %get3A_75 = arith.constant 0 : index
    %get3A_76 = arith.constant 0 : index
    %get3A_77 = vector.load %arg6[%get3A_75, %get3A_76] : memref<2048x1xi32, #tpu.memory_space<vmem>>, vector<2048x1xi32>
    %eq3A_78 = arith.constant 0 : i32
    %eq3A_79 = vector.broadcast %eq3A_78 : i32 to vector<2048x1xi32>
    %eq3A_80 = arith.cmpi eq, %get3A_77, %eq3A_79 : vector<2048x1xi32>
    %get3A_81 = arith.constant 0 : index
    %get3A_82 = arith.constant 0 : index
    %get3A_83 = vector.load %arg8[%get3A_81, %get3A_82] : memref<10x64xf32, #tpu.memory_space<vmem>>, vector<1x64xf32>
    %get3A_84 = vector.shape_cast %get3A_83 : vector<1x64xf32> to vector<64xf32>
    %broadcast_in_dim3A_85 = vector.shape_cast %get3A_84 : vector<64xf32> to vector<1x64xf32>
    %jit3A_86 = arith.constant 0.000000e+00 : f32
    %broadcast_in_dim3A_87 = vector.shape_cast %eq3A_80 : vector<2048x1xi1> to vector<2048x1xi1>
    %broadcast_in_dim3A_88 = vector.broadcast %broadcast_in_dim3A_87 : vector<2048x1xi1> to vector<2048x64xi1>
    %broadcast_in_dim3A_89 = vector.shape_cast %broadcast_in_dim3A_85 : vector<1x64xf32> to vector<1x64xf32>
    %broadcast_in_dim3A_90 = vector.broadcast %broadcast_in_dim3A_89 : vector<1x64xf32> to vector<2048x64xf32>
    %broadcast_in_dim3A_91 = vector.broadcast %jit3A_86 : f32 to vector<2048x64xf32>
    %select_n3A_92 = arith.select %broadcast_in_dim3A_88, %broadcast_in_dim3A_90, %broadcast_in_dim3A_91 : vector<2048x64xi1>, vector<2048x64xf32>
    %add3A_93 = arith.addf %add3A_74, %select_n3A_92 : vector<2048x64xf32>
    %eq3A_94 = arith.constant 1 : i32
    %eq3A_95 = vector.broadcast %eq3A_94 : i32 to vector<2048x1xi32>
    %eq3A_96 = arith.cmpi eq, %get3A_77, %eq3A_95 : vector<2048x1xi32>
    %get3A_97 = arith.constant 1 : index
    %get3A_98 = arith.constant 0 : index
    %get3A_99 = vector.load %arg8[%get3A_97, %get3A_98] : memref<10x64xf32, #tpu.memory_space<vmem>>, vector<1x64xf32>
    %get3A_100 = vector.shape_cast %get3A_99 : vector<1x64xf32> to vector<64xf32>
    %broadcast_in_dim3A_101 = vector.shape_cast %get3A_100 : vector<64xf32> to vector<1x64xf32>
    %jit3A_102 = arith.constant 0.000000e+00 : f32
    %broadcast_in_dim3A_103 = vector.shape_cast %eq3A_96 : vector<2048x1xi1> to vector<2048x1xi1>
    %broadcast_in_dim3A_104 = vector.broadcast %broadcast_in_dim3A_103 : vector<2048x1xi1> to vector<2048x64xi1>
    %broadcast_in_dim3A_105 = vector.shape_cast %broadcast_in_dim3A_101 : vector<1x64xf32> to vector<1x64xf32>
    %broadcast_in_dim3A_106 = vector.broadcast %broadcast_in_dim3A_105 : vector<1x64xf32> to vector<2048x64xf32>
    %broadcast_in_dim3A_107 = vector.broadcast %jit3A_102 : f32 to vector<2048x64xf32>
    %select_n3A_108 = arith.select %broadcast_in_dim3A_104, %broadcast_in_dim3A_106, %broadcast_in_dim3A_107 : vector<2048x64xi1>, vector<2048x64xf32>
    %add3A_109 = arith.addf %add3A_93, %select_n3A_108 : vector<2048x64xf32>
    %eq3A_110 = arith.constant 2 : i32
    %eq3A_111 = vector.broadcast %eq3A_110 : i32 to vector<2048x1xi32>
    %eq3A_112 = arith.cmpi eq, %get3A_77, %eq3A_111 : vector<2048x1xi32>
    %get3A_113 = arith.constant 2 : index
    %get3A_114 = arith.constant 0 : index
    %get3A_115 = vector.load %arg8[%get3A_113, %get3A_114] : memref<10x64xf32, #tpu.memory_space<vmem>>, vector<1x64xf32>
    %get3A_116 = vector.shape_cast %get3A_115 : vector<1x64xf32> to vector<64xf32>
    %broadcast_in_dim3A_117 = vector.shape_cast %get3A_116 : vector<64xf32> to vector<1x64xf32>
    %jit3A_118 = arith.constant 0.000000e+00 : f32
    %broadcast_in_dim3A_119 = vector.shape_cast %eq3A_112 : vector<2048x1xi1> to vector<2048x1xi1>
    %broadcast_in_dim3A_120 = vector.broadcast %broadcast_in_dim3A_119 : vector<2048x1xi1> to vector<2048x64xi1>
    %broadcast_in_dim3A_121 = vector.shape_cast %broadcast_in_dim3A_117 : vector<1x64xf32> to vector<1x64xf32>
    %broadcast_in_dim3A_122 = vector.broadcast %broadcast_in_dim3A_121 : vector<1x64xf32> to vector<2048x64xf32>
    %broadcast_in_dim3A_123 = vector.broadcast %jit3A_118 : f32 to vector<2048x64xf32>
    %select_n3A_124 = arith.select %broadcast_in_dim3A_120, %broadcast_in_dim3A_122, %broadcast_in_dim3A_123 : vector<2048x64xi1>, vector<2048x64xf32>
    %add3A_125 = arith.addf %add3A_109, %select_n3A_124 : vector<2048x64xf32>
    %eq3A_126 = arith.constant 3 : i32
    %eq3A_127 = vector.broadcast %eq3A_126 : i32 to vector<2048x1xi32>
    %eq3A_128 = arith.cmpi eq, %get3A_77, %eq3A_127 : vector<2048x1xi32>
    %get3A_129 = arith.constant 3 : index
    %get3A_130 = arith.constant 0 : index
    %get3A_131 = vector.load %arg8[%get3A_129, %get3A_130] : memref<10x64xf32, #tpu.memory_space<vmem>>, vector<1x64xf32>
    %get3A_132 = vector.shape_cast %get3A_131 : vector<1x64xf32> to vector<64xf32>
    %broadcast_in_dim3A_133 = vector.shape_cast %get3A_132 : vector<64xf32> to vector<1x64xf32>
    %jit3A_134 = arith.constant 0.000000e+00 : f32
    %broadcast_in_dim3A_135 = vector.shape_cast %eq3A_128 : vector<2048x1xi1> to vector<2048x1xi1>
    %broadcast_in_dim3A_136 = vector.broadcast %broadcast_in_dim3A_135 : vector<2048x1xi1> to vector<2048x64xi1>
    %broadcast_in_dim3A_137 = vector.shape_cast %broadcast_in_dim3A_133 : vector<1x64xf32> to vector<1x64xf32>
    %broadcast_in_dim3A_138 = vector.broadcast %broadcast_in_dim3A_137 : vector<1x64xf32> to vector<2048x64xf32>
    %broadcast_in_dim3A_139 = vector.broadcast %jit3A_134 : f32 to vector<2048x64xf32>
    %select_n3A_140 = arith.select %broadcast_in_dim3A_136, %broadcast_in_dim3A_138, %broadcast_in_dim3A_139 : vector<2048x64xi1>, vector<2048x64xf32>
    %add3A_141 = arith.addf %add3A_125, %select_n3A_140 : vector<2048x64xf32>
    %eq3A_142 = arith.constant 4 : i32
    %eq3A_143 = vector.broadcast %eq3A_142 : i32 to vector<2048x1xi32>
    %eq3A_144 = arith.cmpi eq, %get3A_77, %eq3A_143 : vector<2048x1xi32>
    %get3A_145 = arith.constant 4 : index
    %get3A_146 = arith.constant 0 : index
    %get3A_147 = vector.load %arg8[%get3A_145, %get3A_146] : memref<10x64xf32, #tpu.memory_space<vmem>>, vector<1x64xf32>
    %get3A_148 = vector.shape_cast %get3A_147 : vector<1x64xf32> to vector<64xf32>
    %broadcast_in_dim3A_149 = vector.shape_cast %get3A_148 : vector<64xf32> to vector<1x64xf32>
    %jit3A_150 = arith.constant 0.000000e+00 : f32
    %broadcast_in_dim3A_151 = vector.shape_cast %eq3A_144 : vector<2048x1xi1> to vector<2048x1xi1>
    %broadcast_in_dim3A_152 = vector.broadcast %broadcast_in_dim3A_151 : vector<2048x1xi1> to vector<2048x64xi1>
    %broadcast_in_dim3A_153 = vector.shape_cast %broadcast_in_dim3A_149 : vector<1x64xf32> to vector<1x64xf32>
    %broadcast_in_dim3A_154 = vector.broadcast %broadcast_in_dim3A_153 : vector<1x64xf32> to vector<2048x64xf32>
    %broadcast_in_dim3A_155 = vector.broadcast %jit3A_150 : f32 to vector<2048x64xf32>
    %select_n3A_156 = arith.select %broadcast_in_dim3A_152, %broadcast_in_dim3A_154, %broadcast_in_dim3A_155 : vector<2048x64xi1>, vector<2048x64xf32>
    %add3A_157 = arith.addf %add3A_141, %select_n3A_156 : vector<2048x64xf32>
    %eq3A_158 = arith.constant 5 : i32
    %eq3A_159 = vector.broadcast %eq3A_158 : i32 to vector<2048x1xi32>
    %eq3A_160 = arith.cmpi eq, %get3A_77, %eq3A_159 : vector<2048x1xi32>
    %get3A_161 = arith.constant 5 : index
    %get3A_162 = arith.constant 0 : index
    %get3A_163 = vector.load %arg8[%get3A_161, %get3A_162] : memref<10x64xf32, #tpu.memory_space<vmem>>, vector<1x64xf32>
    %get3A_164 = vector.shape_cast %get3A_163 : vector<1x64xf32> to vector<64xf32>
    %broadcast_in_dim3A_165 = vector.shape_cast %get3A_164 : vector<64xf32> to vector<1x64xf32>
    %jit3A_166 = arith.constant 0.000000e+00 : f32
    %broadcast_in_dim3A_167 = vector.shape_cast %eq3A_160 : vector<2048x1xi1> to vector<2048x1xi1>
    %broadcast_in_dim3A_168 = vector.broadcast %broadcast_in_dim3A_167 : vector<2048x1xi1> to vector<2048x64xi1>
    %broadcast_in_dim3A_169 = vector.shape_cast %broadcast_in_dim3A_165 : vector<1x64xf32> to vector<1x64xf32>
    %broadcast_in_dim3A_170 = vector.broadcast %broadcast_in_dim3A_169 : vector<1x64xf32> to vector<2048x64xf32>
    %broadcast_in_dim3A_171 = vector.broadcast %jit3A_166 : f32 to vector<2048x64xf32>
    %select_n3A_172 = arith.select %broadcast_in_dim3A_168, %broadcast_in_dim3A_170, %broadcast_in_dim3A_171 : vector<2048x64xi1>, vector<2048x64xf32>
    %add3A_173 = arith.addf %add3A_157, %select_n3A_172 : vector<2048x64xf32>
    %eq3A_174 = arith.constant 6 : i32
    %eq3A_175 = vector.broadcast %eq3A_174 : i32 to vector<2048x1xi32>
    %eq3A_176 = arith.cmpi eq, %get3A_77, %eq3A_175 : vector<2048x1xi32>
    %get3A_177 = arith.constant 6 : index
    %get3A_178 = arith.constant 0 : index
    %get3A_179 = vector.load %arg8[%get3A_177, %get3A_178] : memref<10x64xf32, #tpu.memory_space<vmem>>, vector<1x64xf32>
    %get3A_180 = vector.shape_cast %get3A_179 : vector<1x64xf32> to vector<64xf32>
    %broadcast_in_dim3A_181 = vector.shape_cast %get3A_180 : vector<64xf32> to vector<1x64xf32>
    %jit3A_182 = arith.constant 0.000000e+00 : f32
    %broadcast_in_dim3A_183 = vector.shape_cast %eq3A_176 : vector<2048x1xi1> to vector<2048x1xi1>
    %broadcast_in_dim3A_184 = vector.broadcast %broadcast_in_dim3A_183 : vector<2048x1xi1> to vector<2048x64xi1>
    %broadcast_in_dim3A_185 = vector.shape_cast %broadcast_in_dim3A_181 : vector<1x64xf32> to vector<1x64xf32>
    %broadcast_in_dim3A_186 = vector.broadcast %broadcast_in_dim3A_185 : vector<1x64xf32> to vector<2048x64xf32>
    %broadcast_in_dim3A_187 = vector.broadcast %jit3A_182 : f32 to vector<2048x64xf32>
    %select_n3A_188 = arith.select %broadcast_in_dim3A_184, %broadcast_in_dim3A_186, %broadcast_in_dim3A_187 : vector<2048x64xi1>, vector<2048x64xf32>
    %add3A_189 = arith.addf %add3A_173, %select_n3A_188 : vector<2048x64xf32>
    %eq3A_190 = arith.constant 7 : i32
    %eq3A_191 = vector.broadcast %eq3A_190 : i32 to vector<2048x1xi32>
    %eq3A_192 = arith.cmpi eq, %get3A_77, %eq3A_191 : vector<2048x1xi32>
    %get3A_193 = arith.constant 7 : index
    %get3A_194 = arith.constant 0 : index
    %get3A_195 = vector.load %arg8[%get3A_193, %get3A_194] : memref<10x64xf32, #tpu.memory_space<vmem>>, vector<1x64xf32>
    %get3A_196 = vector.shape_cast %get3A_195 : vector<1x64xf32> to vector<64xf32>
    %broadcast_in_dim3A_197 = vector.shape_cast %get3A_196 : vector<64xf32> to vector<1x64xf32>
    %jit3A_198 = arith.constant 0.000000e+00 : f32
    %broadcast_in_dim3A_199 = vector.shape_cast %eq3A_192 : vector<2048x1xi1> to vector<2048x1xi1>
    %broadcast_in_dim3A_200 = vector.broadcast %broadcast_in_dim3A_199 : vector<2048x1xi1> to vector<2048x64xi1>
    %broadcast_in_dim3A_201 = vector.shape_cast %broadcast_in_dim3A_197 : vector<1x64xf32> to vector<1x64xf32>
    %broadcast_in_dim3A_202 = vector.broadcast %broadcast_in_dim3A_201 : vector<1x64xf32> to vector<2048x64xf32>
    %broadcast_in_dim3A_203 = vector.broadcast %jit3A_198 : f32 to vector<2048x64xf32>
    %select_n3A_204 = arith.select %broadcast_in_dim3A_200, %broadcast_in_dim3A_202, %broadcast_in_dim3A_203 : vector<2048x64xi1>, vector<2048x64xf32>
    %add3A_205 = arith.addf %add3A_189, %select_n3A_204 : vector<2048x64xf32>
    %eq3A_206 = arith.constant 8 : i32
    %eq3A_207 = vector.broadcast %eq3A_206 : i32 to vector<2048x1xi32>
    %eq3A_208 = arith.cmpi eq, %get3A_77, %eq3A_207 : vector<2048x1xi32>
    %get3A_209 = arith.constant 8 : index
    %get3A_210 = arith.constant 0 : index
    %get3A_211 = vector.load %arg8[%get3A_209, %get3A_210] : memref<10x64xf32, #tpu.memory_space<vmem>>, vector<1x64xf32>
    %get3A_212 = vector.shape_cast %get3A_211 : vector<1x64xf32> to vector<64xf32>
    %broadcast_in_dim3A_213 = vector.shape_cast %get3A_212 : vector<64xf32> to vector<1x64xf32>
    %jit3A_214 = arith.constant 0.000000e+00 : f32
    %broadcast_in_dim3A_215 = vector.shape_cast %eq3A_208 : vector<2048x1xi1> to vector<2048x1xi1>
    %broadcast_in_dim3A_216 = vector.broadcast %broadcast_in_dim3A_215 : vector<2048x1xi1> to vector<2048x64xi1>
    %broadcast_in_dim3A_217 = vector.shape_cast %broadcast_in_dim3A_213 : vector<1x64xf32> to vector<1x64xf32>
    %broadcast_in_dim3A_218 = vector.broadcast %broadcast_in_dim3A_217 : vector<1x64xf32> to vector<2048x64xf32>
    %broadcast_in_dim3A_219 = vector.broadcast %jit3A_214 : f32 to vector<2048x64xf32>
    %select_n3A_220 = arith.select %broadcast_in_dim3A_216, %broadcast_in_dim3A_218, %broadcast_in_dim3A_219 : vector<2048x64xi1>, vector<2048x64xf32>
    %add3A_221 = arith.addf %add3A_205, %select_n3A_220 : vector<2048x64xf32>
    %eq3A_222 = arith.constant 9 : i32
    %eq3A_223 = vector.broadcast %eq3A_222 : i32 to vector<2048x1xi32>
    %eq3A_224 = arith.cmpi eq, %get3A_77, %eq3A_223 : vector<2048x1xi32>
    %get3A_225 = arith.constant 9 : index
    %get3A_226 = arith.constant 0 : index
    %get3A_227 = vector.load %arg8[%get3A_225, %get3A_226] : memref<10x64xf32, #tpu.memory_space<vmem>>, vector<1x64xf32>
    %get3A_228 = vector.shape_cast %get3A_227 : vector<1x64xf32> to vector<64xf32>
    %broadcast_in_dim3A_229 = vector.shape_cast %get3A_228 : vector<64xf32> to vector<1x64xf32>
    %jit3A_230 = arith.constant 0.000000e+00 : f32
    %broadcast_in_dim3A_231 = vector.shape_cast %eq3A_224 : vector<2048x1xi1> to vector<2048x1xi1>
    %broadcast_in_dim3A_232 = vector.broadcast %broadcast_in_dim3A_231 : vector<2048x1xi1> to vector<2048x64xi1>
    %broadcast_in_dim3A_233 = vector.shape_cast %broadcast_in_dim3A_229 : vector<1x64xf32> to vector<1x64xf32>
    %broadcast_in_dim3A_234 = vector.broadcast %broadcast_in_dim3A_233 : vector<1x64xf32> to vector<2048x64xf32>
    %broadcast_in_dim3A_235 = vector.broadcast %jit3A_230 : f32 to vector<2048x64xf32>
    %select_n3A_236 = arith.select %broadcast_in_dim3A_232, %broadcast_in_dim3A_234, %broadcast_in_dim3A_235 : vector<2048x64xi1>, vector<2048x64xf32>
    %add3A_237 = arith.addf %add3A_221, %select_n3A_236 : vector<2048x64xf32>
    %get3A_238 = arith.constant 0 : index
    %get3A_239 = arith.constant 0 : index
    %get3A_240 = vector.load %arg9[%get3A_238, %get3A_239] : memref<64x64xf32, #tpu.memory_space<vmem>>, vector<64x64xf32>
    %dot_general3A_241 = arith.constant dense<0.000000e+00> : vector<2048x64xf32>
    %dot_general3A_242 = tpu.matmul %add3A_237, %get3A_240, %dot_general3A_241 {dimension_numbers = #tpu.dot_dimension_numbers<[1], [1], [0], [0], [0, 0, 1, 0], [], []>, transpose_lhs_hint = false} : vector<2048x64xf32>, vector<64x64xf32>, vector<2048x64xf32> -> vector<2048x64xf32>
    %get3A_243 = arith.constant 0 : index
    %get3A_244 = arith.constant 0 : index
    %get3A_245 = vector.load %arg10[%get3A_243, %get3A_244] : memref<1x64xf32, #tpu.memory_space<vmem>>, vector<1x64xf32>
    %add3A_246 = vector.broadcast %get3A_245 : vector<1x64xf32> to vector<2048x64xf32>
    %add3A_247 = arith.addf %dot_general3A_242, %add3A_246 : vector<2048x64xf32>
    %reduce_sum3A = arith.constant dense<0.000000e+00> : vector<2048xf32>
    %reduce_sum3A_248 = vector.multi_reduction <add>, %add3A_247, %reduce_sum3A [1] : vector<2048x64xf32> to vector<2048xf32>
    %broadcast_in_dim3A_249 = vector.shape_cast %reduce_sum3A_248 : vector<2048xf32> to vector<2048x1xf32>
    %div3A = arith.constant 6.400000e+01 : f32
    %div3A_250 = vector.broadcast %div3A : f32 to vector<2048x1xf32>
    %div3A_251 = arith.divf %broadcast_in_dim3A_249, %div3A_250 : vector<2048x1xf32>
    %sub3A_252 = vector.broadcast %div3A_251 : vector<2048x1xf32> to vector<2048x64xf32>
    %sub3A_253 = arith.subf %add3A_247, %sub3A_252 : vector<2048x64xf32>
    %mul3A = arith.mulf %sub3A_253, %sub3A_253 : vector<2048x64xf32>
    %reduce_sum3A_254 = arith.constant dense<0.000000e+00> : vector<2048xf32>
    %reduce_sum3A_255 = vector.multi_reduction <add>, %mul3A, %reduce_sum3A_254 [1] : vector<2048x64xf32> to vector<2048xf32>
    %broadcast_in_dim3A_256 = vector.shape_cast %reduce_sum3A_255 : vector<2048xf32> to vector<2048x1xf32>
    %div3A_257 = arith.constant 6.400000e+01 : f32
    %div3A_258 = vector.broadcast %div3A_257 : f32 to vector<2048x1xf32>
    %div3A_259 = arith.divf %broadcast_in_dim3A_256, %div3A_258 : vector<2048x1xf32>
    %add3A_260 = arith.constant 9.99999974E-6 : f32
    %add3A_261 = vector.broadcast %add3A_260 : f32 to vector<2048x1xf32>
    %add3A_262 = arith.addf %div3A_259, %add3A_261 : vector<2048x1xf32>
    %rsqrt3A = math.rsqrt %add3A_262 : vector<2048x1xf32>
    %mul3A_263 = vector.broadcast %rsqrt3A : vector<2048x1xf32> to vector<2048x64xf32>
    %mul3A_264 = arith.mulf %sub3A_253, %mul3A_263 : vector<2048x64xf32>
    %get3A_265 = arith.constant 0 : index
    %get3A_266 = arith.constant 0 : index
    %get3A_267 = vector.load %arg11[%get3A_265, %get3A_266] : memref<1x64xf32, #tpu.memory_space<vmem>>, vector<1x64xf32>
    %mul3A_268 = vector.broadcast %get3A_267 : vector<1x64xf32> to vector<2048x64xf32>
    %mul3A_269 = arith.mulf %mul3A_264, %mul3A_268 : vector<2048x64xf32>
    %get3A_270 = arith.constant 0 : index
    %get3A_271 = arith.constant 0 : index
    %get3A_272 = vector.load %arg12[%get3A_270, %get3A_271] : memref<1x64xf32, #tpu.memory_space<vmem>>, vector<1x64xf32>
    %add3A_273 = vector.broadcast %get3A_272 : vector<1x64xf32> to vector<2048x64xf32>
    %add3A_274 = arith.addf %mul3A_269, %add3A_273 : vector<2048x64xf32>
    %swap3A = arith.constant 0 : index
    %swap3A_275 = arith.constant 0 : index
    %swap3A_276 = vector.load %arg13[%swap3A, %swap3A_275] : memref<2048x64xf32, #tpu.memory_space<vmem>>, vector<2048x64xf32>
    tpu.vector_store %arg13[%swap3A, %swap3A_275], %add3A_274 {strides = array<i32>} : memref<2048x64xf32, #tpu.memory_space<vmem>>, vector<2048x64xf32>,
    return
  }
  func.func @transform_0(%arg0: i32) -> (i32, i32) {
    %c0_i32 = arith.constant 0 : i32
    %c0_i32_0 = arith.constant 0 : i32
    return %arg0, %c0_i32 : i32, i32
  }
  func.func @transform_1(%arg0: i32) -> (i32, i32) {
    %c0_i32 = arith.constant 0 : i32
    %c0_i32_0 = arith.constant 0 : i32
    return %arg0, %c0_i32 : i32, i32
  }
  func.func @transform_2(%arg0: i32) -> (i32, i32) {
    %c0_i32 = arith.constant 0 : i32
    %c0_i32_0 = arith.constant 0 : i32
    return %arg0, %c0_i32 : i32, i32
  }
  func.func @transform_3(%arg0: i32) -> (i32, i32) {
    %c0_i32 = arith.constant 0 : i32
    %c0_i32_0 = arith.constant 0 : i32
    %c0_i32_1 = arith.constant 0 : i32
    return %c0_i32, %c0_i32_0 : i32, i32
  }
  func.func @transform_4(%arg0: i32) -> (i32, i32) {
    %c0_i32 = arith.constant 0 : i32
    %c0_i32_0 = arith.constant 0 : i32
    return %arg0, %c0_i32 : i32, i32
  }
  func.func @transform_5(%arg0: i32) -> (i32, i32) {
    %c0_i32 = arith.constant 0 : i32
    %c0_i32_0 = arith.constant 0 : i32
    return %arg0, %c0_i32 : i32, i32
  }
  func.func @transform_6(%arg0: i32) -> (i32, i32) {
    %c0_i32 = arith.constant 0 : i32
    %c0_i32_0 = arith.constant 0 : i32
    %c0_i32_1 = arith.constant 0 : i32
    return %c0_i32, %c0_i32_0 : i32, i32
  }
  func.func @transform_7(%arg0: i32) -> (i32, i32) {
    %c0_i32 = arith.constant 0 : i32
    %c0_i32_0 = arith.constant 0 : i32
    %c0_i32_1 = arith.constant 0 : i32
    return %c0_i32, %c0_i32_0 : i32, i32
  }
  func.func @transform_8(%arg0: i32) -> (i32, i32) {
    %c0_i32 = arith.constant 0 : i32
    %c0_i32_0 = arith.constant 0 : i32
    %c0_i32_1 = arith.constant 0 : i32
    return %c0_i32, %c0_i32_0 : i32, i32
  }
  func.func @transform_9(%arg0: i32) -> (i32, i32) {
    %c0_i32 = arith.constant 0 : i32
    %c0_i32_0 = arith.constant 0 : i32
    %c0_i32_1 = arith.constant 0 : i32
    return %c0_i32, %c0_i32_0 : i32, i32
  }
  func.func @transform_10(%arg0: i32) -> (i32, i32) {
    %c0_i32 = arith.constant 0 : i32
    %c0_i32_0 = arith.constant 0 : i32
    %c0_i32_1 = arith.constant 0 : i32
    return %c0_i32, %c0_i32_0 : i32, i32
  }
  func.func @transform_11(%arg0: i32) -> (i32, i32) {
    %c0_i32 = arith.constant 0 : i32
    %c0_i32_0 = arith.constant 0 : i32
    %c0_i32_1 = arith.constant 0 : i32
    return %c0_i32, %c0_i32_0 : i32, i32
  }
  func.func @transform_12(%arg0: i32) -> (i32, i32) {
    %c0_i32 = arith.constant 0 : i32
    %c0_i32_0 = arith.constant 0 : i32
    return %arg0, %c0_i32 : i32, i32
  }
}

</mosaic_0001>

<sc_bundles>
// kernel: kernel.4.cloned.1.call-start
scs
__scs_entry_jumppad:
0x0: {  	(pc) =	sbr.rel $0x88, $3  }
0x1: {  	(tag) =	ssettag $0x0;
	lr =	simm.s32 $0x1  }
0x2: {  	[smem:$0x3F96] =	sst lr;
	_ =	strace $0xD0000000  }
0x3: {  	_ = 	snop  }
0x4: {  	_ = 	snop  }
0x5: {  	_ = 	snop  }
0x6: {  	_ = 	snop  }
0x7: {  	_ = 	snop  }
__scs_overlays_trampoline_lowered:
0x8: {  	[smem:$0x3FA5] =	sst s0  }
0x9: {  	[smem:$0x3FA6] =	sst s1  }
0xa: {  	[smem:$0x3FA7] =	sst s2  }
0xb: {  	[smem:$0x3FA8] =	sst s3  }
0xc: {  	[smem:$0x3FA9] =	sst s4  }
0xd: {  	[smem:$0x3FAA] =	sst s5  }
0xe: {  	[smem:$0x3FAB] =	sst s6  }
0xf: {  	[smem:$0x3FAC] =	sst s7  }
0x10: {  	[smem:$0x3FAD] =	sst s8  }
0x11: {  	[smem:$0x3FAE] =	sst s9;
	s0 =	simm.s32 @!p0 $0x0  }
0x12: {  	s1 =	sld [smem:$0x3F94];
	s0 =	simm.s32 @p0 $0x1  }
0x13: {  	[smem:$0x3FAF] =	sst s0;
	s0 =	simm.s32 @!p1 $0x0  }
0x14: {  	s2 =	sld [smem:$0x3F93];
	s0 =	simm.s32 @p1 $0x1  }
0x15: {  	[smem:$0x3FB0] =	sst s0;
	s0 =	simm.s32 @!p2 $0x0  }
0x16: {  	s3 =	sld [smem:$0x3FDB];
	s0 =	simm.s32 @p2 $0x1  }
0x17: {  	s4 =	simm.s32 $0x1BF5;
	[smem:$0x3FB2] =	sst s0  }
0x18: {  	s0 =	sld [smem:$0x3F95];
	_ =	swait.ge [sflag:s4], $0x0  }
0x19: {  	s7 =	sld [smem:$0x3F96]  }
0x1a: {  	s8 =	sadd.s32 $0xFFFFE003, lr  }
0x1b: {  	s9 =	sadd.s32 $0xFFFFFEF7, lr;
	s5 =	simm.s32 $0xFFFFFFFF;
	p2 =	slt.u32 s8, $0xFFFFF086  }
0x1c: {  	p1 =	slt.u32 s9, $0xF7A;
	s5 =	simm.s32 @!p2 $0x0  }
0x1d: {  	s5 =	simm.s32 @p1 $0x1;
	p0 =	seq.s32 s7, s2  }
0x1e: {  	s7 =	smul.u32 @!p0 $0xF7A, s2;
	p2 =	seq.s32 @!p0 s5, $0x0  }
0x1f: {  	s9 =	smul.u32 $0xF7A, s1;
	s8 =	simm.s32 @!p0 $0x1BF5;
	p2 =	por !p2, p0  }
0x20: {  	[sflag:s8] =	ssyncset.s32 @!p0 $0xFFFFF086;
	s6 =	sadd.s32 @!p0 s3, s7;
	s7 =	simm.s32 @!p0 $0x108  }
0x21: {  	s3 =	sadd.s32 s3, s9;
	s6 =	sadd.s32 @!p0 $0x88, s6;
	s7 =	simm.s32 @p2 $0x1082  }
0x22: {  	[simem:s7], [sflag:s8] =	dma.local @!p0 [hbm:s6], $0xF7A  }
0x23: {  	s9 =	sor.u32 $0xD0000000, s2;
	s6 =	simm.s32 $0x108;
	_ =	swait.ge @!p0 [sflag:s8], $0x0  }
0x24: {  	s3 =	sadd.s32 $0x88, s3;
	s6 =	simm.s32 @!p1 $0x1082;
	[sflag:s4] =	ssyncset.s32 $0xFFFFF086  }
0x25: {  	[simem:s6], [sflag:s4] =	dma.local [hbm:s3], $0xF7A  }
0x26: {  	[smem:$0x3F96] =	sst s1;
	(tag) =	ssettag s2;
	_ =	strace s9  }
0x27: {  	s1 =	sld [smem:$0x3FA6]  }
0x28: {  	s2 =	sld [smem:$0x3FA7]  }
0x29: {  	s4 =	sld [smem:$0x3FA9]  }
0x2a: {  	p0 =	seq.s32 s5, $0x0;
	s5 =	sld [smem:$0x3FAA]  }
0x2b: {  	s6 =	sld [smem:$0x3FAB]  }
0x2c: {  	s7 =	sld [smem:$0x3FAC]  }
0x2d: {  	s3 =	simm.s32 $0x108;
	s8 =	sld [smem:$0x3FAD]  }
0x2e: {  	s3 =	simm.s32 @!p0 $0x1082;
	s9 =	sld [smem:$0x3FAE]  }
0x2f: {  	lr =	sadd.s32 s0, s3;
	s0 =	sld [smem:$0x3FA5]  }
0x30: {  	s3 =	sld [smem:$0x3FA8]  }
0x31: {  	[smem:$0x3FB1] =	sst s10  }
0x32: {  	s10 =	sld [smem:$0x3FAF];
	_ =	sdelay $0x3  }
0x33: {  	p0 =	seq.s32 s10, $0x1;
	s10 =	sld [smem:$0x3FB1];
	_ =	sdelay $0x3  }
0x34: {  	[smem:$0x3FB1] =	sst s10  }
0x35: {  	s10 =	sld [smem:$0x3FB0];
	_ =	sdelay $0x3  }
0x36: {  	p1 =	seq.s32 s10, $0x1;
	s10 =	sld [smem:$0x3FB1];
	_ =	sdelay $0x3  }
0x37: {  	[smem:$0x3FB1] =	sst s10  }
0x38: {  	s10 =	sld [smem:$0x3FB2]  }
0x39: {  	_ = 	snop;
	(pc) =	sbr.ind lr, $3  }
0x3a: {  	_ = 	snop  }
0x3b: {  	_ = 	snop  }
0x3c: {  	p2 =	seq.s32 s10, $0x1;
	s10 =	sld [smem:$0x3FB1]  }
0x3d: {  	_ =	shalt  }
0x3e: {  	_ =	shalt  }
0x3f: {  	_ =	shalt  }
0x40: {  	_ =	shalt  }
0x41: {  	_ =	shalt  }
0x42: {  	_ =	shalt  }
0x43: {  	_ =	shalt  }
0x44: {  	_ =	shalt  }
0x45: {  	_ =	shalt  }
0x46: {  	_ =	shalt  }
0x47: {  	_ =	shalt  }
0x48: {  	_ =	shalt  }
0x49: {  	_ =	shalt  }
0x4a: {  	_ =	shalt  }
0x4b: {  	_ =	shalt  }
0x4c: {  	_ =	shalt  }
0x4d: {  	_ =	shalt  }
0x4e: {  	_ =	shalt  }
0x4f: {  	_ =	shalt  }
0x50: {  	_ =	shalt  }
0x51: {  	_ =	shalt  }
0x52: {  	_ =	shalt  }
0x53: {  	_ =	shalt  }
0x54: {  	_ =	shalt  }
0x55: {  	_ =	shalt  }
0x56: {  	_ =	shalt  }
0x57: {  	_ =	shalt  }
0x58: {  	_ =	shalt  }
0x59: {  	_ =	shalt  }
0x5a: {  	_ =	shalt  }
0x5b: {  	_ =	shalt  }
0x5c: {  	_ =	shalt  }
0x5d: {  	_ =	shalt  }
0x5e: {  	_ =	shalt  }
0x5f: {  	_ =	shalt  }
0x60: {  	_ =	shalt  }
0x61: {  	_ =	shalt  }
0x62: {  	_ =	shalt  }
0x63: {  	_ =	shalt  }
0x64: {  	_ =	shalt  }
0x65: {  	_ =	shalt  }
0x66: {  	_ =	shalt  }
0x67: {  	_ =	shalt  }
0x68: {  	_ =	shalt  }
0x69: {  	_ =	shalt  }
0x6a: {  	_ =	shalt  }
0x6b: {  	_ =	shalt  }
0x6c: {  	_ =	shalt  }
0x6d: {  	_ =	shalt  }
0x6e: {  	_ =	shalt  }
0x6f: {  	_ =	shalt  }
0x70: {  	_ =	shalt  }
0x71: {  	_ =	shalt  }
0x72: {  	_ =	shalt  }
0x73: {  	_ =	shalt  }
0x74: {  	_ =	shalt  }
0x75: {  	_ =	shalt  }
0x76: {  	_ =	shalt  }
0x77: {  	_ =	shalt  }
0x78: {  	_ =	shalt  }
0x79: {  	_ =	shalt  }
0x7a: {  	_ =	shalt  }
0x7b: {  	_ =	shalt  }
0x7c: {  	_ =	shalt  }
0x7d: {  	_ =	shalt  }
0x7e: {  	_ =	shalt  }
0x7f: {  	_ =	shalt  }
0x80: {  	_ =	shalt  }
0x81: {  	_ =	shalt  }
0x82: {  	_ =	shalt  }
0x83: {  	_ =	shalt  }
0x84: {  	_ =	shalt  }
0x85: {  	_ =	shalt  }
0x86: {  	_ =	shalt  }
0x87: {  	_ =	shalt  }
.Lfunc_end0:
.L_simem_size_0:
called_computation_lowered:
.L_overlay_start_0:
0x88: {  	s2 =	sld [smem:$0x3FD9]  }
0x89: {  	s3 =	sld [smem:$0x3FFE];
	_ =	sdelay $0x1  }
0x8a: {  	s1 =	srdreg.scid  }
0x8b: {  	s0 =	sand.u32 $0x1, s1  }
0x8c: {  	s17 =	sshll.u32 s0, $0xA;
	s2 =	sadd.s32 s3, s2  }
0x8d: {  	s2 =	sadd.s32 s2, s17  }
0x8e: {  	[smem:$0x3FBD] =	sst s2  }
0x8f: {  	_ = 	snop  }
0x90: {  	s2 =	sld [smem:$0x3FC8]  }
0x91: {  	s18 =	sld [smem:$0x3FC5];
	(tm) =	ssettm $0x1  }
0x92: {  	s4 =	sld [smem:$0x3FFB];
	_ =	sdelay $0x3  }
0x93: {  	_ =	strace s4  }
0x94: {  	s4 =	sld [smem:$0x3FFC];
	_ =	sdelay $0x3  }
0x95: {  	_ =	strace s4  }
0x96: {  	s4 =	sld [smem:$0x3FFD];
	_ =	sdelay $0x3  }
0x97: {  	_ =	strace s4  }
0x98: {  	_ =	strace $0x8FFFFFFF  }
0x99: {  	s19 =	sld [smem:$0x3FDB];
	_ =	sdelay $0x1  }
0x9a: {  	s5 =	simm.s32 $_scs_section_size  }
0x9b: {  	s6 =	simm.s32 $_size__tile_overlayer_lowered;
	s7 =	simm.s32 $_tile_overlayer_lowered  }
0x9c: {  	s22 =	simm.s32 $0x1BFF;
	s21 =	sshll.u32 s7, $0x1;
	s4 =	sadd.s32 s5, s19  }
0x9d: {  	s8 =	simm.s32 $0x0;
	s20 =	sshll.u32 s6, $0x1;
	s6 =	sadd.s32 s21, s4  }
0x9e: {  	[timem:s8], [sflag:s22] =	dma.local [hbm:s6], s20  }
0x9f: {  	_ =	swait.ge [sflag:s22], s20  }
0xa0: {  	s5 =	ssub.s32 $0x0, s20;
	[sflag:s22] =	ssyncset.done $0x0  }
0xa1: {  	[sflag:s22] =	ssyncadd.s32 s5;
	_ =	sdelay $0x1  }
0xa2: {  	s23 =	simm.s32 $0x1B8B  }
0xa3: {  	_ =	swait.ge [sflag:s23], $0x1  }
0xa4: {  	[sflag:s23] =	ssyncset.done $0x0  }
0xa5: {  	s25 =	simm.s32 $0x1B8E;
	s24 =	sld [smem:$0x3FFE];
	[sflag:s23] =	ssyncadd.s32 $0xFFFFFFFF  }
0xa6: {  	s26 =	simm.s32 $execute0_lowered;
	[smem:$0x3FD2] =	sst s25  }
0xa7: {  	s6 =	sshll.u32 s26, $0x1;
	_ =	strace $0x80000046;
	[dreg:$0x1] =	wrdreg $0xFFFFFFFF  }
0xa8: {  	s28 =	simm.s32 $_size_execute0_lowered;
	s4 =	sadd.s32 s4, s6;
	[dreg:$0x0] =	wrdreg $0x0  }
0xa9: {  	s6 =	sshll.u32 s28, $0x1;
	[dreg:$0x2] =	wrdreg s4  }
0xaa: {  	[dreg:$0x3] =	wrdreg s6  }
0xab: {  	[dreg:$0x4] =	wrdreg $0xC0  }
0xac: {  	_ =	task [dreg:s8], $0x5FFFF  }
0xad: {  	[dreg:$0x1] =	wrdreg $0xFFFFFFFF  }
0xae: {  	[dreg:$0x0] =	wrdreg $0x60  }
0xaf: {  	[dreg:$0x2] =	wrdreg s18  }
0xb0: {  	[dreg:$0x3] =	wrdreg s2  }
0xb1: {  	[dreg:$0x4] =	wrdreg s24  }
0xb2: {  	[dreg:$0x5] =	wrdreg $0x9  }
0xb3: {  	_ =	task.clear_ibuf [dreg:s8], $0x6FFFF;
	_ =	strace $0x90000046  }
0xb4: {  	s29 =	simm.s32 $0x9;
	_ =	strace $0x80000048  }
0xb5: {  	_ =	swait.ge [sflag:s29], $0x1  }
0xb6: {  	[sflag:s29] =	ssyncadd.s32 $0xFFFFFFFF  }
0xb7: {  	_ =	strace $0x90000048  }
0xb8: {  	_ =	sfence  }
0xb9: {  	s30 =	sld [smem:$0x0];
	_ =	sdelay $0x2  }
0xba: {  	s31 =	sshll.u32 s1, $0xD;
	s1 =	sshrl.u32 s1, $0x2  }
0xbb: {  	s3 =	sand.u32 $0x4000, s31;
	s1 =	sadd.s32 s1, s30  }
0xbc: {  	s0 =	sor.u32 s3, s0;
	s1 =	sshll.u32 s1, $0x11  }
0xbd: {  	s0 =	sor.u32 s1, s0  }
0xbe: {  	s0 =	sadd.s32 $0x8F2B, s0  }
0xbf: {  	[sflag:s0] =	ssyncadd.remote.s32 $0x1  }
0xc0: {  	_ =	sfence.sel $0xFFFF  }
0xc1: {  	[dreg:$0x0] =	wrdreg $0xFFFFFFFF;
	(pc) =	sbr.abs _section_cstart, $3  }
0xc2: {  	[dreg:$0x1] =	wrdreg $0xFFFFFFFF  }
0xc3: {  	_ =	task.clear_ibuf [dreg:s8], $0x2FFFF;
	_ =	strace $0x9FFFFFFF  }
0xc4: {  	(tm) =	ssettm $0x7FFFFFFF  }
0xc5: {  	_ =	shalt  }
tec
execute0_lowered:
.L_overlay_start_1:
0x0: {  	(tag) =	ssettag $0x1  }
0x1: {  	s1 =	rddreg [dreg:$0x0]  }
0x2: {  	s9 =	rddreg [dreg:$0x1]  }
0x3: {  	s3 =	rddreg [dreg:$0x2];
	s4 =	simm.s32 $0x0  }
0x4: {  	s0 =	srdreg.scid;
	[smem:$0x7FF] =	sst s4;
	s14 =	sadd.s32 $0x80, s9  }
0x5: {  	s15 =	sadd.s32 $0x100, s9;
	_ =	strace $0x80000047;
	[dreg:$0x4] =	wrdreg s14  }
0x6: {  	s2 =	stileid.u32;
	s16 =	sadd.s32 $0x180, s9;
	[dreg:$0x5] =	wrdreg s15  }
0x7: {  	s28 =	simm.s32 $0x400;
	s17 =	sadd.s32 $0x200, s9;
	[dreg:$0x6] =	wrdreg s16  }
0x8: {  	s29 =	simm.s32 $0x4480;
	s18 =	sadd.s32 $0x280, s9;
	[dreg:$0x7] =	wrdreg s17  }
0x9: {  	s30 =	simm.s32 $0x1C680;
	s19 =	sadd.s32 $0x300, s9;
	[dreg:$0x8] =	wrdreg s18  }
0xa: {  	s31 =	simm.s32 $0x1C500;
	s20 =	sadd.s32 $0x380, s9;
	[dreg:$0x9] =	wrdreg s19  }
0xb: {  	s0 =	sand.u32 $0x1, s0;
	s21 =	sadd.s32 $0x400, s9;
	[dreg:$0xa] =	wrdreg s20  }
0xc: {  	s2 =	sshll.u32 s2, $0x1;
	s22 =	sadd.s32 $0x480, s9;
	[dreg:$0xb] =	wrdreg s21  }
0xd: {  	s6 =	sadd.s32 $0x1800, s3;
	s23 =	sadd.s32 $0x500, s9;
	[dreg:$0xc] =	wrdreg s22  }
0xe: {  	s24 =	sadd.s32 $0x580, s9;
	s25 =	sadd.s32 $0x600, s9;
	[dreg:$0xd] =	wrdreg s23  }
0xf: {  	s26 =	sadd.s32 $0x680, s9;
	s3 =	simm.s32 $0x18500;
	[dreg:$0xe] =	wrdreg s24  }
0x10: {  	s2 =	sor.u32 s0, s2;
	s0 =	ssub.s32 $0x2, s0;
	[dreg:$0xf] =	wrdreg s25  }
0x11: {  	[dreg:$0x10] =	wrdreg s26;
	s20 =	sadd.s32 $0x700, s9;
	s5 =	smul.u32 $0xF5, s2  }
0x12: {  	s21 =	sadd.s32 $0x780, s9;
	s12 =	sshrl.u32 s0, $0x1;
	s2 =	smul.u32 $0x7A80, s2  }
0x13: {  	s26 =	simm.s32 $0x4;
	s0 =	ssub.s32 s0, s12;
	s7 =	smin.u32 s5, $0x1D8F  }
0x14: {  	v1 =	vlaneseq.u32;
	v7 =	vimm.s32 $0x0;
	s23 =	smax.u32 s0, $0x1;
	s24 =	sadd.s32 s1, s2;
	s8 =	sshll.u32 s7, $0x7  }
0x15: {  	v3 =	vor.u32 $0x4000, v1;
	v4 =	vor.u32 $0x4010, v1;
	s25 =	sadd.s32 $0x4, s5;
	v0 =	vmov s2;
	s2 =	simm.s32 $0x8500;
	s13 =	sadd.s32 $0x7A80, s8  }
0x16: {  	v5 =	vor.u32 $0x4020, v1;
	v6 =	vor.u32 $0x4030, v1;
	s0 =	simm.s32 $0x1C600;
	s22 =	sadd.s32 $0xF1, s7;
	s7 =	simm.s32 $0x0;
	v2 =	vmov s13  }
.LBB2_1:
0x17: {  	[tilespmem:$0x1C500] =	vst v3  }
0x18: {  	[tilespmem:$0x1C510] =	vst v4  }
0x19: {  	[tilespmem:$0x1C520] =	vst v5  }
0x1a: {  	[tilespmem:$0x1C530] =	vst v6  }
0x1b: {  	[tilespmem:$0x1C580] =	vst v3  }
0x1c: {  	[tilespmem:$0x1C590] =	vst v4  }
0x1d: {  	[tilespmem:$0x1C5A0] =	vst v5  }
0x1e: {  	[tilespmem:$0x1C5B0] =	vst v6;
	s8 =	rddreg [dreg:$0x1]  }
0x1f: {  	[tilespmem:s4], [sflag:$0x4] =	stream.linear.gather [hbm4b:s8+s4], $0x400, $0x38;
	[tilespmem:$0x1C700] =	vst v63  }
0x20: {  	_ =	swait.ge [sflag:s26], $0x400  }
0x21: {  	[sflag:s26] =	ssyncset.done $0x0  }
0x22: {  	[sflag:s26] =	ssyncadd.s32 $0xFFFFFC00  }
0x23: {  	v8 =	vld [tilespmem:s4+$0x0];
	_ =	sdelay $0x4  }
0x24: {  	vm0 =	vge.s32 v8, v0;
	vm1 =	vlt.s32 v8, v2  }
0x25: {  	vm0 =	vmand vm0, vm1  }
0x26: {  	v9 =	vsel vm0, $0x1, v7  }
0x27: {  	(xrf0) =	vadd.scan.msk.s32 $0xffff, v9;
	_ =	sdelay $0x4  }
0x28: {  	v9 =	vsel vm0, $0xFFFFFFFF, v7  }
0x29: {  	v9 =	vadd.s32 s4, v9;
	v10, _, _ =	vpop (xrf0)  }
0x2a: {  	v9 =	vadd.s32 v10, v9;
	(v2sf) =	vpush v10, $0xF;
	_ =	sdelay $0x4  }
0x2b: {  	[tilespmem:v9+s28+$0x0] =	vst.idx.msk vm0, v8;
	v8 =	vor.u32 s4, v1  }
0x2c: {  	s8 =	simm.s32 $0x10;
	[tilespmem:v9+s29+$0x0] =	vst.idx.msk vm0, v8  }
0x2d: {  	s10 =	simm.s32 $0x20;
	s9 =	simm.s32 $0x0;
	s11 =	simm.s32 $0x10;
	v8 =	vld [tilespmem:s8+$0x0]  }
.LBB2_2:
0x2e: {  	p0 =	sne.s32 s10, $0x3F0;
	_ =	sdelay $0x3  }
0x2f: {  	vm0 =	vge.s32 v8, v0;
	vm1 =	vlt.s32 v8, v2  }
0x30: {  	vm0 =	vmand vm0, vm1  }
0x31: {  	v9 =	vsel vm0, $0xFFFFFFFF, v7;
	v10 =	vsel vm0, $0x1, v7  }
0x32: {  	(xrf0) =	vadd.scan.msk.s32 $0xffff, v10;
	s12 =	spop (v2sf)  }
0x33: {  	s9 =	sadd.s32 s9, s12  }
0x34: {  	v9 =	vadd.s32 s9, v9;
	_ =	sdelay $0x3  }
0x35: {  	v10, _, _ =	vpop (xrf0)  }
0x36: {  	v9 =	vadd.s32 v10, v9;
	(v2sf) =	vpush v10, $0xF;
	_ =	sdelay $0x2  }
.Ltmp0:
0x37: {  	(pc) =	sbr.rel @p0 .LBB2_2-.Ltmp0, $4  }
0x38: {  	_ = 	snop  }
0x39: {  	v10 =	vor.u32 s8, v1;
	s8 =	smov.u32 s10;
	[tilespmem:v9+s28+$0x0] =	vst.idx.msk vm0, v8  }
0x3a: {  	s11 =	sadd.s32 $0x10, s11;
	[tilespmem:v9+s29+$0x0] =	vst.idx.msk vm0, v10  }
0x3b: {  	s10 =	sadd.s32 $0x10, s10;
	v8 =	vld [tilespmem:s11+$0x0]  }
0x3c: {  	_ =	sdelay $0x3  }
0x3d: {  	vm0 =	vge.s32 v8, v0;
	vm1 =	vlt.s32 v8, v2  }
0x3e: {  	vm0 =	vmand vm0, vm1  }
0x3f: {  	v9 =	vsel vm0, $0x1, v7  }
0x40: {  	(xrf0) =	vadd.scan.msk.s32 $0xffff, v9;
	_ =	sdelay $0x5  }
0x41: {  	v9, _, _ =	vpop (xrf0)  }
0x42: {  	(v2sf) =	vpush v9, $0xF;
	_ =	sdelay $0x3  }
0x43: {  	s10 =	spop (v2sf)  }
0x44: {  	v10 =	vsel vm0, $0xFFFFFFFF, v7;
	s9 =	sadd.s32 s9, s10  }
0x45: {  	v10 =	vadd.s32 s9, v10  }
0x46: {  	v9 =	vadd.s32 v9, v10;
	_ =	sdelay $0x4  }
0x47: {  	v10 =	vor.u32 s8, v1;
	[tilespmem:v9+s28+$0x0] =	vst.idx.msk vm0, v8  }
0x48: {  	s18 =	simm.s32 $0x0;
	s11 =	rddreg [dreg:$0x4];
	[tilespmem:v9+s29+$0x0] =	vst.idx.msk vm0, v10  }
0x49: {  	[tilespmem:s18], [sflag:$0x4] =	stream.linear.gather [hbm4b:s11+s18], $0x400, $0x38;
	[tilespmem:$0x1C700] =	vst v63  }
0x4a: {  	s17 =	spop (v2sf)  }
0x4b: {  	_ =	swait.ge [sflag:s26], $0x400  }
0x4c: {  	[sflag:s26] =	ssyncset.done $0x0  }
0x4d: {  	[sflag:s26] =	ssyncadd.s32 $0xFFFFFC00  }
0x4e: {  	v8 =	vld [tilespmem:s18+$0x0];
	_ =	sdelay $0x4  }
0x4f: {  	vm14 =	vge.s32 v8, v0;
	vm15 =	vlt.s32 v8, v2  }
0x50: {  	vm0 =	vmand vm14, vm15  }
0x51: {  	v9 =	vsel vm0, $0x1, v7  }
0x52: {  	(xrf0) =	vadd.scan.msk.s32 $0xffff, v9;
	_ =	sdelay $0x4  }
0x53: {  	s8 =	sadd.s32 s9, s17;
	v9 =	vsel vm0, $0xFFFFFFFF, v7  }
0x54: {  	v9 =	vadd.s32 s8, v9;
	v10, _, _ =	vpop (xrf0)  }
0x55: {  	v9 =	vadd.s32 v10, v9;
	(v2sf) =	vpush v10, $0xF;
	_ =	sdelay $0x3  }
0x56: {  	s19 =	simm.s32 $0x400  }
0x57: {  	[tilespmem:v9+s28+$0x0] =	vst.idx.msk vm0, v8;
	v8 =	vor.u32 s19, v1  }
0x58: {  	s10 =	simm.s32 $0x10;
	[tilespmem:v9+s29+$0x0] =	vst.idx.msk vm0, v8  }
0x59: {  	s11 =	simm.s32 $0x420;
	s9 =	simm.s32 $0x410;
	v8 =	vld [tilespmem:s10+$0x0]  }
.LBB2_4:
0x5a: {  	p0 =	sne.s32 s11, $0x7F0;
	_ =	sdelay $0x3  }
0x5b: {  	vm0 =	vge.s32 v8, v0;
	vm1 =	vlt.s32 v8, v2  }
0x5c: {  	vm0 =	vmand vm0, vm1  }
0x5d: {  	v9 =	vsel vm0, $0xFFFFFFFF, v7;
	v10 =	vsel vm0, $0x1, v7  }
0x5e: {  	(xrf0) =	vadd.scan.msk.s32 $0xffff, v10;
	s12 =	spop (v2sf)  }
0x5f: {  	s8 =	sadd.s32 s8, s12  }
0x60: {  	v9 =	vadd.s32 s8, v9;
	_ =	sdelay $0x3  }
0x61: {  	v10, _, _ =	vpop (xrf0)  }
0x62: {  	v9 =	vadd.s32 v10, v9;
	(v2sf) =	vpush v10, $0xF;
	_ =	sdelay $0x2  }
.Ltmp1:
0x63: {  	(pc) =	sbr.rel @p0 .LBB2_4-.Ltmp1, $4  }
0x64: {  	_ = 	snop  }
0x65: {  	v10 =	vor.u32 s9, v1;
	s9 =	smov.u32 s11;
	[tilespmem:v9+s28+$0x0] =	vst.idx.msk vm0, v8  }
0x66: {  	s10 =	sadd.s32 $0x10, s10;
	[tilespmem:v9+s29+$0x0] =	vst.idx.msk vm0, v10  }
0x67: {  	s11 =	sadd.s32 $0x10, s11;
	v8 =	vld [tilespmem:s10+$0x0]  }
0x68: {  	_ =	sdelay $0x3  }
0x69: {  	vm0 =	vge.s32 v8, v0;
	vm1 =	vlt.s32 v8, v2  }
0x6a: {  	vm0 =	vmand vm0, vm1  }
0x6b: {  	v9 =	vsel vm0, $0x1, v7  }
0x6c: {  	(xrf0) =	vadd.scan.msk.s32 $0xffff, v9;
	_ =	sdelay $0x5  }
0x6d: {  	v9, _, _ =	vpop (xrf0)  }
0x6e: {  	(v2sf) =	vpush v9, $0xF;
	_ =	sdelay $0x3  }
0x6f: {  	s10 =	spop (v2sf)  }
0x70: {  	v10 =	vsel vm0, $0xFFFFFFFF, v7;
	s8 =	sadd.s32 s8, s10  }
0x71: {  	v10 =	vadd.s32 s8, v10  }
0x72: {  	v9 =	vadd.s32 v9, v10;
	_ =	sdelay $0x4  }
0x73: {  	v10 =	vor.u32 s9, v1;
	[tilespmem:v9+s28+$0x0] =	vst.idx.msk vm0, v8  }
0x74: {  	s18 =	simm.s32 $0x0;
	s11 =	rddreg [dreg:$0x5];
	[tilespmem:v9+s29+$0x0] =	vst.idx.msk vm0, v10  }
0x75: {  	[tilespmem:s18], [sflag:$0x4] =	stream.linear.gather [hbm4b:s11+s18], $0x400, $0x38;
	[tilespmem:$0x1C700] =	vst v63  }
0x76: {  	s17 =	spop (v2sf)  }
0x77: {  	_ =	swait.ge [sflag:s26], $0x400  }
0x78: {  	[sflag:s26] =	ssyncset.done $0x0  }
0x79: {  	[sflag:s26] =	ssyncadd.s32 $0xFFFFFC00  }
0x7a: {  	v8 =	vld [tilespmem:s18+$0x0];
	_ =	sdelay $0x4  }
0x7b: {  	vm14 =	vge.s32 v8, v0;
	vm15 =	vlt.s32 v8, v2  }
0x7c: {  	vm0 =	vmand vm14, vm15  }
0x7d: {  	v9 =	vsel vm0, $0x1, v7  }
0x7e: {  	(xrf0) =	vadd.scan.msk.s32 $0xffff, v9;
	_ =	sdelay $0x4  }
0x7f: {  	s8 =	sadd.s32 s8, s17;
	v9 =	vsel vm0, $0xFFFFFFFF, v7  }
0x80: {  	v9 =	vadd.s32 s8, v9;
	v10, _, _ =	vpop (xrf0)  }
0x81: {  	v9 =	vadd.s32 v10, v9;
	(v2sf) =	vpush v10, $0xF;
	_ =	sdelay $0x3  }
0x82: {  	s19 =	simm.s32 $0x800  }
0x83: {  	[tilespmem:v9+s28+$0x0] =	vst.idx.msk vm0, v8;
	v8 =	vor.u32 s19, v1  }
0x84: {  	s10 =	simm.s32 $0x10;
	[tilespmem:v9+s29+$0x0] =	vst.idx.msk vm0, v8  }
0x85: {  	s9 =	simm.s32 $0x810;
	s11 =	simm.s32 $0x820;
	v8 =	vld [tilespmem:s10+$0x0]  }
.LBB2_6:
0x86: {  	p0 =	sne.s32 s11, $0xBF0;
	_ =	sdelay $0x3  }
0x87: {  	vm0 =	vge.s32 v8, v0;
	vm1 =	vlt.s32 v8, v2  }
0x88: {  	vm0 =	vmand vm0, vm1  }
0x89: {  	v9 =	vsel vm0, $0xFFFFFFFF, v7;
	v10 =	vsel vm0, $0x1, v7  }
0x8a: {  	(xrf0) =	vadd.scan.msk.s32 $0xffff, v10;
	s12 =	spop (v2sf)  }
0x8b: {  	s8 =	sadd.s32 s8, s12  }
0x8c: {  	v9 =	vadd.s32 s8, v9;
	_ =	sdelay $0x3  }
0x8d: {  	v10, _, _ =	vpop (xrf0)  }
0x8e: {  	v9 =	vadd.s32 v10, v9;
	(v2sf) =	vpush v10, $0xF;
	_ =	sdelay $0x2  }
.Ltmp2:
0x8f: {  	(pc) =	sbr.rel @p0 .LBB2_6-.Ltmp2, $4  }
0x90: {  	_ = 	snop  }
0x91: {  	v10 =	vor.u32 s9, v1;
	s9 =	smov.u32 s11;
	[tilespmem:v9+s28+$0x0] =	vst.idx.msk vm0, v8  }
0x92: {  	s10 =	sadd.s32 $0x10, s10;
	[tilespmem:v9+s29+$0x0] =	vst.idx.msk vm0, v10  }
0x93: {  	s11 =	sadd.s32 $0x10, s11;
	v8 =	vld [tilespmem:s10+$0x0]  }
0x94: {  	_ =	sdelay $0x3  }
0x95: {  	vm0 =	vge.s32 v8, v0;
	vm1 =	vlt.s32 v8, v2  }
0x96: {  	vm0 =	vmand vm0, vm1  }
0x97: {  	v9 =	vsel vm0, $0x1, v7  }
0x98: {  	(xrf0) =	vadd.scan.msk.s32 $0xffff, v9;
	_ =	sdelay $0x5  }
0x99: {  	v9, _, _ =	vpop (xrf0)  }
0x9a: {  	(v2sf) =	vpush v9, $0xF;
	_ =	sdelay $0x3  }
0x9b: {  	s10 =	spop (v2sf)  }
0x9c: {  	v10 =	vsel vm0, $0xFFFFFFFF, v7;
	s8 =	sadd.s32 s8, s10  }
0x9d: {  	v10 =	vadd.s32 s8, v10  }
0x9e: {  	v9 =	vadd.s32 v9, v10;
	_ =	sdelay $0x4  }
0x9f: {  	v10 =	vor.u32 s9, v1;
	[tilespmem:v9+s28+$0x0] =	vst.idx.msk vm0, v8  }
0xa0: {  	s18 =	simm.s32 $0x0;
	s11 =	rddreg [dreg:$0x6];
	[tilespmem:v9+s29+$0x0] =	vst.idx.msk vm0, v10  }
0xa1: {  	[tilespmem:s18], [sflag:$0x4] =	stream.linear.gather [hbm4b:s11+s18], $0x400, $0x38;
	[tilespmem:$0x1C700] =	vst v63  }
0xa2: {  	s17 =	spop (v2sf)  }
0xa3: {  	_ =	swait.ge [sflag:s26], $0x400  }
0xa4: {  	[sflag:s26] =	ssyncset.done $0x0  }
0xa5: {  	[sflag:s26] =	ssyncadd.s32 $0xFFFFFC00  }
0xa6: {  	v8 =	vld [tilespmem:s18+$0x0];
	_ =	sdelay $0x4  }
0xa7: {  	vm14 =	vge.s32 v8, v0;
	vm15 =	vlt.s32 v8, v2  }
0xa8: {  	vm0 =	vmand vm14, vm15  }
0xa9: {  	v9 =	vsel vm0, $0x1, v7  }
0xaa: {  	(xrf0) =	vadd.scan.msk.s32 $0xffff, v9;
	_ =	sdelay $0x4  }
0xab: {  	s8 =	sadd.s32 s8, s17;
	v9 =	vsel vm0, $0xFFFFFFFF, v7  }
0xac: {  	v9 =	vadd.s32 s8, v9;
	v10, _, _ =	vpop (xrf0)  }
0xad: {  	v9 =	vadd.s32 v10, v9;
	(v2sf) =	vpush v10, $0xF;
	_ =	sdelay $0x3  }
0xae: {  	s19 =	simm.s32 $0xC00  }
0xaf: {  	[tilespmem:v9+s28+$0x0] =	vst.idx.msk vm0, v8;
	v8 =	vor.u32 s19, v1  }
0xb0: {  	s10 =	simm.s32 $0x10;
	[tilespmem:v9+s29+$0x0] =	vst.idx.msk vm0, v8  }
0xb1: {  	s9 =	simm.s32 $0xC10;
	s11 =	simm.s32 $0xC20;
	v8 =	vld [tilespmem:s10+$0x0]  }
.LBB2_8:
0xb2: {  	p0 =	sne.s32 s11, $0xFF0;
	_ =	sdelay $0x3  }
0xb3: {  	vm0 =	vge.s32 v8, v0;
	vm1 =	vlt.s32 v8, v2  }
0xb4: {  	vm0 =	vmand vm0, vm1  }
0xb5: {  	v9 =	vsel vm0, $0xFFFFFFFF, v7;
	v10 =	vsel vm0, $0x1, v7  }
0xb6: {  	(xrf0) =	vadd.scan.msk.s32 $0xffff, v10;
	s12 =	spop (v2sf)  }
0xb7: {  	s8 =	sadd.s32 s8, s12  }
0xb8: {  	v9 =	vadd.s32 s8, v9;
	_ =	sdelay $0x3  }
0xb9: {  	v10, _, _ =	vpop (xrf0)  }
0xba: {  	v9 =	vadd.s32 v10, v9;
	(v2sf) =	vpush v10, $0xF;
	_ =	sdelay $0x2  }
.Ltmp3:
0xbb: {  	(pc) =	sbr.rel @p0 .LBB2_8-.Ltmp3, $4  }
0xbc: {  	_ = 	snop  }
0xbd: {  	v10 =	vor.u32 s9, v1;
	s9 =	smov.u32 s11;
	[tilespmem:v9+s28+$0x0] =	vst.idx.msk vm0, v8  }
0xbe: {  	s10 =	sadd.s32 $0x10, s10;
	[tilespmem:v9+s29+$0x0] =	vst.idx.msk vm0, v10  }
0xbf: {  	s11 =	sadd.s32 $0x10, s11;
	v8 =	vld [tilespmem:s10+$0x0]  }
0xc0: {  	_ =	sdelay $0x3  }
0xc1: {  	vm0 =	vge.s32 v8, v0;
	vm1 =	vlt.s32 v8, v2  }
0xc2: {  	vm0 =	vmand vm0, vm1  }
0xc3: {  	v9 =	vsel vm0, $0x1, v7  }
0xc4: {  	(xrf0) =	vadd.scan.msk.s32 $0xffff, v9;
	_ =	sdelay $0x5  }
0xc5: {  	v9, _, _ =	vpop (xrf0)  }
0xc6: {  	(v2sf) =	vpush v9, $0xF;
	_ =	sdelay $0x3  }
0xc7: {  	s10 =	spop (v2sf)  }
0xc8: {  	v10 =	vsel vm0, $0xFFFFFFFF, v7;
	s8 =	sadd.s32 s8, s10  }
0xc9: {  	v10 =	vadd.s32 s8, v10  }
0xca: {  	v9 =	vadd.s32 v9, v10;
	_ =	sdelay $0x4  }
0xcb: {  	v10 =	vor.u32 s9, v1;
	[tilespmem:v9+s28+$0x0] =	vst.idx.msk vm0, v8  }
0xcc: {  	s18 =	simm.s32 $0x0;
	s11 =	rddreg [dreg:$0x7];
	[tilespmem:v9+s29+$0x0] =	vst.idx.msk vm0, v10  }
0xcd: {  	[tilespmem:s18], [sflag:$0x4] =	stream.linear.gather [hbm4b:s11+s18], $0x400, $0x38;
	[tilespmem:$0x1C700] =	vst v63  }
0xce: {  	s17 =	spop (v2sf)  }
0xcf: {  	_ =	swait.ge [sflag:s26], $0x400  }
0xd0: {  	[sflag:s26] =	ssyncset.done $0x0  }
0xd1: {  	[sflag:s26] =	ssyncadd.s32 $0xFFFFFC00  }
0xd2: {  	v8 =	vld [tilespmem:s18+$0x0];
	_ =	sdelay $0x4  }
0xd3: {  	vm14 =	vge.s32 v8, v0;
	vm15 =	vlt.s32 v8, v2  }
0xd4: {  	vm0 =	vmand vm14, vm15  }
0xd5: {  	v9 =	vsel vm0, $0x1, v7  }
0xd6: {  	(xrf0) =	vadd.scan.msk.s32 $0xffff, v9;
	_ =	sdelay $0x4  }
0xd7: {  	s8 =	sadd.s32 s8, s17;
	v9 =	vsel vm0, $0xFFFFFFFF, v7  }
0xd8: {  	v9 =	vadd.s32 s8, v9;
	v10, _, _ =	vpop (xrf0)  }
0xd9: {  	v9 =	vadd.s32 v10, v9;
	(v2sf) =	vpush v10, $0xF;
	_ =	sdelay $0x3  }
0xda: {  	s19 =	simm.s32 $0x1000  }
0xdb: {  	[tilespmem:v9+s28+$0x0] =	vst.idx.msk vm0, v8;
	v8 =	vor.u32 s19, v1  }
0xdc: {  	s10 =	simm.s32 $0x10;
	[tilespmem:v9+s29+$0x0] =	vst.idx.msk vm0, v8  }
0xdd: {  	s9 =	simm.s32 $0x1010;
	s11 =	simm.s32 $0x1020;
	v8 =	vld [tilespmem:s10+$0x0]  }
.LBB2_10:
0xde: {  	p0 =	sne.s32 s11, $0x13F0;
	_ =	sdelay $0x3  }
0xdf: {  	vm0 =	vge.s32 v8, v0;
	vm1 =	vlt.s32 v8, v2  }
0xe0: {  	vm0 =	vmand vm0, vm1  }
0xe1: {  	v9 =	vsel vm0, $0xFFFFFFFF, v7;
	v10 =	vsel vm0, $0x1, v7  }
0xe2: {  	(xrf0) =	vadd.scan.msk.s32 $0xffff, v10;
	s12 =	spop (v2sf)  }
0xe3: {  	s8 =	sadd.s32 s8, s12  }
0xe4: {  	v9 =	vadd.s32 s8, v9;
	_ =	sdelay $0x3  }
0xe5: {  	v10, _, _ =	vpop (xrf0)  }
0xe6: {  	v9 =	vadd.s32 v10, v9;
	(v2sf) =	vpush v10, $0xF;
	_ =	sdelay $0x2  }
.Ltmp4:
0xe7: {  	(pc) =	sbr.rel @p0 .LBB2_10-.Ltmp4, $4  }
0xe8: {  	_ = 	snop  }
0xe9: {  	v10 =	vor.u32 s9, v1;
	s9 =	smov.u32 s11;
	[tilespmem:v9+s28+$0x0] =	vst.idx.msk vm0, v8  }
0xea: {  	s10 =	sadd.s32 $0x10, s10;
	[tilespmem:v9+s29+$0x0] =	vst.idx.msk vm0, v10  }
0xeb: {  	s11 =	sadd.s32 $0x10, s11;
	v8 =	vld [tilespmem:s10+$0x0]  }
0xec: {  	_ =	sdelay $0x3  }
0xed: {  	vm0 =	vge.s32 v8, v0;
	vm1 =	vlt.s32 v8, v2  }
0xee: {  	vm0 =	vmand vm0, vm1  }
0xef: {  	v9 =	vsel vm0, $0x1, v7  }
0xf0: {  	(xrf0) =	vadd.scan.msk.s32 $0xffff, v9;
	_ =	sdelay $0x5  }
0xf1: {  	v9, _, _ =	vpop (xrf0)  }
0xf2: {  	(v2sf) =	vpush v9, $0xF;
	_ =	sdelay $0x3  }
0xf3: {  	s10 =	spop (v2sf)  }
0xf4: {  	v10 =	vsel vm0, $0xFFFFFFFF, v7;
	s8 =	sadd.s32 s8, s10  }
0xf5: {  	v10 =	vadd.s32 s8, v10  }
0xf6: {  	v9 =	vadd.s32 v9, v10;
	_ =	sdelay $0x4  }
0xf7: {  	v10 =	vor.u32 s9, v1;
	[tilespmem:v9+s28+$0x0] =	vst.idx.msk vm0, v8  }
0xf8: {  	s18 =	simm.s32 $0x0;
	s11 =	rddreg [dreg:$0x8];
	[tilespmem:v9+s29+$0x0] =	vst.idx.msk vm0, v10  }
0xf9: {  	[tilespmem:s18], [sflag:$0x4] =	stream.linear.gather [hbm4b:s11+s18], $0x400, $0x38;
	[tilespmem:$0x1C700] =	vst v63  }
0xfa: {  	s17 =	spop (v2sf)  }
0xfb: {  	_ =	swait.ge [sflag:s26], $0x400  }
0xfc: {  	[sflag:s26] =	ssyncset.done $0x0  }
0xfd: {  	[sflag:s26] =	ssyncadd.s32 $0xFFFFFC00  }
0xfe: {  	v8 =	vld [tilespmem:s18+$0x0];
	_ =	sdelay $0x4  }
0xff: {  	vm14 =	vge.s32 v8, v0;
	vm15 =	vlt.s32 v8, v2  }
0x100: {  	vm0 =	vmand vm14, vm15  }
0x101: {  	v9 =	vsel vm0, $0x1, v7  }
0x102: {  	(xrf0) =	vadd.scan.msk.s32 $0xffff, v9;
	_ =	sdelay $0x4  }
0x103: {  	s8 =	sadd.s32 s8, s17;
	v9 =	vsel vm0, $0xFFFFFFFF, v7  }
0x104: {  	v9 =	vadd.s32 s8, v9;
	v10, _, _ =	vpop (xrf0)  }
0x105: {  	v9 =	vadd.s32 v10, v9;
	(v2sf) =	vpush v10, $0xF;
	_ =	sdelay $0x3  }
0x106: {  	s19 =	simm.s32 $0x1400  }
0x107: {  	[tilespmem:v9+s28+$0x0] =	vst.idx.msk vm0, v8;
	v8 =	vor.u32 s19, v1  }
0x108: {  	s10 =	simm.s32 $0x10;
	[tilespmem:v9+s29+$0x0] =	vst.idx.msk vm0, v8  }
0x109: {  	s9 =	simm.s32 $0x1410;
	s11 =	simm.s32 $0x1420;
	v8 =	vld [tilespmem:s10+$0x0]  }
.LBB2_12:
0x10a: {  	p0 =	sne.s32 s11, $0x17F0;
	_ =	sdelay $0x3  }
0x10b: {  	vm0 =	vge.s32 v8, v0;
	vm1 =	vlt.s32 v8, v2  }
0x10c: {  	vm0 =	vmand vm0, vm1  }
0x10d: {  	v9 =	vsel vm0, $0xFFFFFFFF, v7;
	v10 =	vsel vm0, $0x1, v7  }
0x10e: {  	(xrf0) =	vadd.scan.msk.s32 $0xffff, v10;
	s12 =	spop (v2sf)  }
0x10f: {  	s8 =	sadd.s32 s8, s12  }
0x110: {  	v9 =	vadd.s32 s8, v9;
	_ =	sdelay $0x3  }
0x111: {  	v10, _, _ =	vpop (xrf0)  }
0x112: {  	v9 =	vadd.s32 v10, v9;
	(v2sf) =	vpush v10, $0xF;
	_ =	sdelay $0x2  }
.Ltmp5:
0x113: {  	(pc) =	sbr.rel @p0 .LBB2_12-.Ltmp5, $4  }
0x114: {  	_ = 	snop  }
0x115: {  	v10 =	vor.u32 s9, v1;
	s9 =	smov.u32 s11;
	[tilespmem:v9+s28+$0x0] =	vst.idx.msk vm0, v8  }
0x116: {  	s10 =	sadd.s32 $0x10, s10;
	[tilespmem:v9+s29+$0x0] =	vst.idx.msk vm0, v10  }
0x117: {  	s11 =	sadd.s32 $0x10, s11;
	v8 =	vld [tilespmem:s10+$0x0]  }
0x118: {  	_ =	sdelay $0x3  }
0x119: {  	vm0 =	vge.s32 v8, v0;
	vm1 =	vlt.s32 v8, v2  }
0x11a: {  	vm0 =	vmand vm0, vm1  }
0x11b: {  	v9 =	vsel vm0, $0x1, v7  }
0x11c: {  	(xrf0) =	vadd.scan.msk.s32 $0xffff, v9;
	_ =	sdelay $0x5  }
0x11d: {  	v9, _, _ =	vpop (xrf0)  }
0x11e: {  	(v2sf) =	vpush v9, $0xF;
	_ =	sdelay $0x3  }
0x11f: {  	s10 =	spop (v2sf)  }
0x120: {  	v10 =	vsel vm0, $0xFFFFFFFF, v7;
	s8 =	sadd.s32 s8, s10  }
0x121: {  	v10 =	vadd.s32 s8, v10  }
0x122: {  	v9 =	vadd.s32 v9, v10;
	_ =	sdelay $0x4  }
0x123: {  	v10 =	vor.u32 s9, v1;
	[tilespmem:v9+s28+$0x0] =	vst.idx.msk vm0, v8  }
0x124: {  	s18 =	simm.s32 $0x0;
	s11 =	rddreg [dreg:$0x9];
	[tilespmem:v9+s29+$0x0] =	vst.idx.msk vm0, v10  }
0x125: {  	[tilespmem:s18], [sflag:$0x4] =	stream.linear.gather [hbm4b:s11+s18], $0x400, $0x38;
	[tilespmem:$0x1C700] =	vst v63  }
0x126: {  	s17 =	spop (v2sf)  }
0x127: {  	_ =	swait.ge [sflag:s26], $0x400  }
0x128: {  	[sflag:s26] =	ssyncset.done $0x0  }
0x129: {  	[sflag:s26] =	ssyncadd.s32 $0xFFFFFC00  }
0x12a: {  	v8 =	vld [tilespmem:s18+$0x0];
	_ =	sdelay $0x4  }
0x12b: {  	vm14 =	vge.s32 v8, v0;
	vm15 =	vlt.s32 v8, v2  }
0x12c: {  	vm0 =	vmand vm14, vm15  }
0x12d: {  	v9 =	vsel vm0, $0x1, v7  }
0x12e: {  	(xrf0) =	vadd.scan.msk.s32 $0xffff, v9;
	_ =	sdelay $0x4  }
0x12f: {  	s8 =	sadd.s32 s8, s17;
	v9 =	vsel vm0, $0xFFFFFFFF, v7  }
0x130: {  	v9 =	vadd.s32 s8, v9;
	v10, _, _ =	vpop (xrf0)  }
0x131: {  	v9 =	vadd.s32 v10, v9;
	(v2sf) =	vpush v10, $0xF;
	_ =	sdelay $0x3  }
0x132: {  	s19 =	simm.s32 $0x1800  }
0x133: {  	[tilespmem:v9+s28+$0x0] =	vst.idx.msk vm0, v8;
	v8 =	vor.u32 s19, v1  }
0x134: {  	s10 =	simm.s32 $0x10;
	[tilespmem:v9+s29+$0x0] =	vst.idx.msk vm0, v8  }
0x135: {  	s9 =	simm.s32 $0x1810;
	s11 =	simm.s32 $0x1820;
	v8 =	vld [tilespmem:s10+$0x0]  }
.LBB2_14:
0x136: {  	p0 =	sne.s32 s11, $0x1BF0;
	_ =	sdelay $0x3  }
0x137: {  	vm0 =	vge.s32 v8, v0;
	vm1 =	vlt.s32 v8, v2  }
0x138: {  	vm0 =	vmand vm0, vm1  }
0x139: {  	v9 =	vsel vm0, $0xFFFFFFFF, v7;
	v10 =	vsel vm0, $0x1, v7  }
0x13a: {  	(xrf0) =	vadd.scan.msk.s32 $0xffff, v10;
	s12 =	spop (v2sf)  }
0x13b: {  	s8 =	sadd.s32 s8, s12  }
0x13c: {  	v9 =	vadd.s32 s8, v9;
	_ =	sdelay $0x3  }
0x13d: {  	v10, _, _ =	vpop (xrf0)  }
0x13e: {  	v9 =	vadd.s32 v10, v9;
	(v2sf) =	vpush v10, $0xF;
	_ =	sdelay $0x2  }
.Ltmp6:
0x13f: {  	(pc) =	sbr.rel @p0 .LBB2_14-.Ltmp6, $4  }
0x140: {  	_ = 	snop  }
0x141: {  	v10 =	vor.u32 s9, v1;
	s9 =	smov.u32 s11;
	[tilespmem:v9+s28+$0x0] =	vst.idx.msk vm0, v8  }
0x142: {  	s10 =	sadd.s32 $0x10, s10;
	[tilespmem:v9+s29+$0x0] =	vst.idx.msk vm0, v10  }
0x143: {  	s11 =	sadd.s32 $0x10, s11;
	v8 =	vld [tilespmem:s10+$0x0]  }
0x144: {  	_ =	sdelay $0x3  }
0x145: {  	vm0 =	vge.s32 v8, v0;
	vm1 =	vlt.s32 v8, v2  }
0x146: {  	vm0 =	vmand vm0, vm1  }
0x147: {  	v9 =	vsel vm0, $0x1, v7  }
0x148: {  	(xrf0) =	vadd.scan.msk.s32 $0xffff, v9;
	_ =	sdelay $0x5  }
0x149: {  	v9, _, _ =	vpop (xrf0)  }
0x14a: {  	(v2sf) =	vpush v9, $0xF;
	_ =	sdelay $0x3  }
0x14b: {  	s10 =	spop (v2sf)  }
0x14c: {  	v10 =	vsel vm0, $0xFFFFFFFF, v7;
	s8 =	sadd.s32 s8, s10  }
0x14d: {  	v10 =	vadd.s32 s8, v10  }
0x14e: {  	v9 =	vadd.s32 v9, v10;
	_ =	sdelay $0x4  }
0x14f: {  	v10 =	vor.u32 s9, v1;
	[tilespmem:v9+s28+$0x0] =	vst.idx.msk vm0, v8  }
0x150: {  	s18 =	simm.s32 $0x0;
	s11 =	rddreg [dreg:$0xa];
	[tilespmem:v9+s29+$0x0] =	vst.idx.msk vm0, v10  }
0x151: {  	[tilespmem:s18], [sflag:$0x4] =	stream.linear.gather [hbm4b:s11+s18], $0x400, $0x38;
	[tilespmem:$0x1C700] =	vst v63  }
0x152: {  	s17 =	spop (v2sf)  }
0x153: {  	_ =	swait.ge [sflag:s26], $0x400  }
0x154: {  	[sflag:s26] =	ssyncset.done $0x0  }
0x155: {  	[sflag:s26] =	ssyncadd.s32 $0xFFFFFC00  }
0x156: {  	v8 =	vld [tilespmem:s18+$0x0];
	_ =	sdelay $0x4  }
0x157: {  	vm14 =	vge.s32 v8, v0;
	vm15 =	vlt.s32 v8, v2  }
0x158: {  	vm0 =	vmand vm14, vm15  }
0x159: {  	v9 =	vsel vm0, $0x1, v7  }
0x15a: {  	(xrf0) =	vadd.scan.msk.s32 $0xffff, v9;
	_ =	sdelay $0x4  }
0x15b: {  	s8 =	sadd.s32 s8, s17;
	v9 =	vsel vm0, $0xFFFFFFFF, v7  }
0x15c: {  	v9 =	vadd.s32 s8, v9;
	v10, _, _ =	vpop (xrf0)  }
0x15d: {  	v9 =	vadd.s32 v10, v9;
	(v2sf) =	vpush v10, $0xF;
	_ =	sdelay $0x3  }
0x15e: {  	s19 =	simm.s32 $0x1C00  }
0x15f: {  	[tilespmem:v9+s28+$0x0] =	vst.idx.msk vm0, v8;
	v8 =	vor.u32 s19, v1  }
0x160: {  	s10 =	simm.s32 $0x10;
	[tilespmem:v9+s29+$0x0] =	vst.idx.msk vm0, v8  }
0x161: {  	s9 =	simm.s32 $0x1C10;
	s11 =	simm.s32 $0x1C20;
	v8 =	vld [tilespmem:s10+$0x0]  }
.LBB2_16:
0x162: {  	p0 =	sne.s32 s11, $0x1FF0;
	_ =	sdelay $0x3  }
0x163: {  	vm0 =	vge.s32 v8, v0;
	vm1 =	vlt.s32 v8, v2  }
0x164: {  	vm0 =	vmand vm0, vm1  }
0x165: {  	v9 =	vsel vm0, $0xFFFFFFFF, v7;
	v10 =	vsel vm0, $0x1, v7  }
0x166: {  	(xrf0) =	vadd.scan.msk.s32 $0xffff, v10;
	s12 =	spop (v2sf)  }
0x167: {  	s8 =	sadd.s32 s8, s12  }
0x168: {  	v9 =	vadd.s32 s8, v9;
	_ =	sdelay $0x3  }
0x169: {  	v10, _, _ =	vpop (xrf0)  }
0x16a: {  	v9 =	vadd.s32 v10, v9;
	(v2sf) =	vpush v10, $0xF;
	_ =	sdelay $0x2  }
.Ltmp7:
0x16b: {  	(pc) =	sbr.rel @p0 .LBB2_16-.Ltmp7, $4  }
0x16c: {  	_ = 	snop  }
0x16d: {  	v10 =	vor.u32 s9, v1;
	s9 =	smov.u32 s11;
	[tilespmem:v9+s28+$0x0] =	vst.idx.msk vm0, v8  }
0x16e: {  	s10 =	sadd.s32 $0x10, s10;
	[tilespmem:v9+s29+$0x0] =	vst.idx.msk vm0, v10  }
0x16f: {  	s11 =	sadd.s32 $0x10, s11;
	v8 =	vld [tilespmem:s10+$0x0]  }
0x170: {  	_ =	sdelay $0x3  }
0x171: {  	vm0 =	vge.s32 v8, v0;
	vm1 =	vlt.s32 v8, v2  }
0x172: {  	vm0 =	vmand vm0, vm1  }
0x173: {  	v9 =	vsel vm0, $0x1, v7  }
0x174: {  	(xrf0) =	vadd.scan.msk.s32 $0xffff, v9;
	_ =	sdelay $0x5  }
0x175: {  	v9, _, _ =	vpop (xrf0)  }
0x176: {  	(v2sf) =	vpush v9, $0xF;
	_ =	sdelay $0x3  }
0x177: {  	s10 =	spop (v2sf)  }
0x178: {  	v10 =	vsel vm0, $0xFFFFFFFF, v7;
	s8 =	sadd.s32 s8, s10  }
0x179: {  	v10 =	vadd.s32 s8, v10  }
0x17a: {  	v9 =	vadd.s32 v9, v10;
	_ =	sdelay $0x4  }
0x17b: {  	v10 =	vor.u32 s9, v1;
	[tilespmem:v9+s28+$0x0] =	vst.idx.msk vm0, v8  }
0x17c: {  	s18 =	simm.s32 $0x0;
	s11 =	rddreg [dreg:$0xb];
	[tilespmem:v9+s29+$0x0] =	vst.idx.msk vm0, v10  }
0x17d: {  	[tilespmem:s18], [sflag:$0x4] =	stream.linear.gather [hbm4b:s11+s18], $0x400, $0x38;
	[tilespmem:$0x1C700] =	vst v63  }
0x17e: {  	s17 =	spop (v2sf)  }
0x17f: {  	_ =	swait.ge [sflag:s26], $0x400  }
0x180: {  	[sflag:s26] =	ssyncset.done $0x0  }
0x181: {  	[sflag:s26] =	ssyncadd.s32 $0xFFFFFC00  }
0x182: {  	v8 =	vld [tilespmem:s18+$0x0];
	_ =	sdelay $0x4  }
0x183: {  	vm14 =	vge.s32 v8, v0;
	vm15 =	vlt.s32 v8, v2  }
0x184: {  	vm0 =	vmand vm14, vm15  }
0x185: {  	v9 =	vsel vm0, $0x1, v7  }
0x186: {  	(xrf0) =	vadd.scan.msk.s32 $0xffff, v9;
	_ =	sdelay $0x4  }
0x187: {  	s8 =	sadd.s32 s8, s17;
	v9 =	vsel vm0, $0xFFFFFFFF, v7  }
0x188: {  	v9 =	vadd.s32 s8, v9;
	v10, _, _ =	vpop (xrf0)  }
0x189: {  	v9 =	vadd.s32 v10, v9;
	(v2sf) =	vpush v10, $0xF;
	_ =	sdelay $0x3  }
0x18a: {  	s19 =	simm.s32 $0x2000  }
0x18b: {  	[tilespmem:v9+s28+$0x0] =	vst.idx.msk vm0, v8;
	v8 =	vor.u32 s19, v1  }
0x18c: {  	s10 =	simm.s32 $0x10;
	[tilespmem:v9+s29+$0x0] =	vst.idx.msk vm0, v8  }
0x18d: {  	s9 =	simm.s32 $0x2010;
	s11 =	simm.s32 $0x2020;
	v8 =	vld [tilespmem:s10+$0x0]  }
.LBB2_18:
0x18e: {  	p0 =	sne.s32 s11, $0x23F0;
	_ =	sdelay $0x3  }
0x18f: {  	vm0 =	vge.s32 v8, v0;
	vm1 =	vlt.s32 v8, v2  }
0x190: {  	vm0 =	vmand vm0, vm1  }
0x191: {  	v9 =	vsel vm0, $0xFFFFFFFF, v7;
	v10 =	vsel vm0, $0x1, v7  }
0x192: {  	(xrf0) =	vadd.scan.msk.s32 $0xffff, v10;
	s12 =	spop (v2sf)  }
0x193: {  	s8 =	sadd.s32 s8, s12  }
0x194: {  	v9 =	vadd.s32 s8, v9;
	_ =	sdelay $0x3  }
0x195: {  	v10, _, _ =	vpop (xrf0)  }
0x196: {  	v9 =	vadd.s32 v10, v9;
	(v2sf) =	vpush v10, $0xF;
	_ =	sdelay $0x2  }
.Ltmp8:
0x197: {  	(pc) =	sbr.rel @p0 .LBB2_18-.Ltmp8, $4  }
0x198: {  	_ = 	snop  }
0x199: {  	v10 =	vor.u32 s9, v1;
	s9 =	smov.u32 s11;
	[tilespmem:v9+s28+$0x0] =	vst.idx.msk vm0, v8  }
0x19a: {  	s10 =	sadd.s32 $0x10, s10;
	[tilespmem:v9+s29+$0x0] =	vst.idx.msk vm0, v10  }
0x19b: {  	s11 =	sadd.s32 $0x10, s11;
	v8 =	vld [tilespmem:s10+$0x0]  }
0x19c: {  	_ =	sdelay $0x3  }
0x19d: {  	vm0 =	vge.s32 v8, v0;
	vm1 =	vlt.s32 v8, v2  }
0x19e: {  	vm0 =	vmand vm0, vm1  }
0x19f: {  	v9 =	vsel vm0, $0x1, v7  }
0x1a0: {  	(xrf0) =	vadd.scan.msk.s32 $0xffff, v9;
	_ =	sdelay $0x5  }
0x1a1: {  	v9, _, _ =	vpop (xrf0)  }
0x1a2: {  	(v2sf) =	vpush v9, $0xF;
	_ =	sdelay $0x3  }
0x1a3: {  	s10 =	spop (v2sf)  }
0x1a4: {  	v10 =	vsel vm0, $0xFFFFFFFF, v7;
	s8 =	sadd.s32 s8, s10  }
0x1a5: {  	v10 =	vadd.s32 s8, v10  }
0x1a6: {  	v9 =	vadd.s32 v9, v10;
	_ =	sdelay $0x4  }
0x1a7: {  	v10 =	vor.u32 s9, v1;
	[tilespmem:v9+s28+$0x0] =	vst.idx.msk vm0, v8  }
0x1a8: {  	s18 =	simm.s32 $0x0;
	s11 =	rddreg [dreg:$0xc];
	[tilespmem:v9+s29+$0x0] =	vst.idx.msk vm0, v10  }
0x1a9: {  	[tilespmem:s18], [sflag:$0x4] =	stream.linear.gather [hbm4b:s11+s18], $0x400, $0x38;
	[tilespmem:$0x1C700] =	vst v63  }
0x1aa: {  	s17 =	spop (v2sf)  }
0x1ab: {  	_ =	swait.ge [sflag:s26], $0x400  }
0x1ac: {  	[sflag:s26] =	ssyncset.done $0x0  }
0x1ad: {  	[sflag:s26] =	ssyncadd.s32 $0xFFFFFC00  }
0x1ae: {  	v8 =	vld [tilespmem:s18+$0x0];
	_ =	sdelay $0x4  }
0x1af: {  	vm14 =	vge.s32 v8, v0;
	vm15 =	vlt.s32 v8, v2  }
0x1b0: {  	vm0 =	vmand vm14, vm15  }
0x1b1: {  	v9 =	vsel vm0, $0x1, v7  }
0x1b2: {  	(xrf0) =	vadd.scan.msk.s32 $0xffff, v9;
	_ =	sdelay $0x4  }
0x1b3: {  	s8 =	sadd.s32 s8, s17;
	v9 =	vsel vm0, $0xFFFFFFFF, v7  }
0x1b4: {  	v9 =	vadd.s32 s8, v9;
	v10, _, _ =	vpop (xrf0)  }
0x1b5: {  	v9 =	vadd.s32 v10, v9;
	(v2sf) =	vpush v10, $0xF;
	_ =	sdelay $0x3  }
0x1b6: {  	s19 =	simm.s32 $0x2400  }
0x1b7: {  	[tilespmem:v9+s28+$0x0] =	vst.idx.msk vm0, v8;
	v8 =	vor.u32 s19, v1  }
0x1b8: {  	s10 =	simm.s32 $0x10;
	[tilespmem:v9+s29+$0x0] =	vst.idx.msk vm0, v8  }
0x1b9: {  	s9 =	simm.s32 $0x2410;
	s11 =	simm.s32 $0x2420;
	v8 =	vld [tilespmem:s10+$0x0]  }
.LBB2_20:
0x1ba: {  	p0 =	sne.s32 s11, $0x27F0;
	_ =	sdelay $0x3  }
0x1bb: {  	vm0 =	vge.s32 v8, v0;
	vm1 =	vlt.s32 v8, v2  }
0x1bc: {  	vm0 =	vmand vm0, vm1  }
0x1bd: {  	v9 =	vsel vm0, $0xFFFFFFFF, v7;
	v10 =	vsel vm0, $0x1, v7  }
0x1be: {  	(xrf0) =	vadd.scan.msk.s32 $0xffff, v10;
	s12 =	spop (v2sf)  }
0x1bf: {  	s8 =	sadd.s32 s8, s12  }
0x1c0: {  	v9 =	vadd.s32 s8, v9;
	_ =	sdelay $0x3  }
0x1c1: {  	v10, _, _ =	vpop (xrf0)  }
0x1c2: {  	v9 =	vadd.s32 v10, v9;
	(v2sf) =	vpush v10, $0xF;
	_ =	sdelay $0x2  }
.Ltmp9:
0x1c3: {  	(pc) =	sbr.rel @p0 .LBB2_20-.Ltmp9, $4  }
0x1c4: {  	_ = 	snop  }
0x1c5: {  	v10 =	vor.u32 s9, v1;
	s9 =	smov.u32 s11;
	[tilespmem:v9+s28+$0x0] =	vst.idx.msk vm0, v8  }
0x1c6: {  	s10 =	sadd.s32 $0x10, s10;
	[tilespmem:v9+s29+$0x0] =	vst.idx.msk vm0, v10  }
0x1c7: {  	s11 =	sadd.s32 $0x10, s11;
	v8 =	vld [tilespmem:s10+$0x0]  }
0x1c8: {  	_ =	sdelay $0x3  }
0x1c9: {  	vm0 =	vge.s32 v8, v0;
	vm1 =	vlt.s32 v8, v2  }
0x1ca: {  	vm0 =	vmand vm0, vm1  }
0x1cb: {  	v9 =	vsel vm0, $0x1, v7  }
0x1cc: {  	(xrf0) =	vadd.scan.msk.s32 $0xffff, v9;
	_ =	sdelay $0x5  }
0x1cd: {  	v9, _, _ =	vpop (xrf0)  }
0x1ce: {  	(v2sf) =	vpush v9, $0xF;
	_ =	sdelay $0x3  }
0x1cf: {  	s10 =	spop (v2sf)  }
0x1d0: {  	v10 =	vsel vm0, $0xFFFFFFFF, v7;
	s8 =	sadd.s32 s8, s10  }
0x1d1: {  	v10 =	vadd.s32 s8, v10  }
0x1d2: {  	v9 =	vadd.s32 v9, v10;
	_ =	sdelay $0x4  }
0x1d3: {  	v10 =	vor.u32 s9, v1;
	[tilespmem:v9+s28+$0x0] =	vst.idx.msk vm0, v8  }
0x1d4: {  	s18 =	simm.s32 $0x0;
	s11 =	rddreg [dreg:$0xd];
	[tilespmem:v9+s29+$0x0] =	vst.idx.msk vm0, v10  }
0x1d5: {  	[tilespmem:s18], [sflag:$0x4] =	stream.linear.gather [hbm4b:s11+s18], $0x400, $0x38;
	[tilespmem:$0x1C700] =	vst v63  }
0x1d6: {  	s17 =	spop (v2sf)  }
0x1d7: {  	_ =	swait.ge [sflag:s26], $0x400  }
0x1d8: {  	[sflag:s26] =	ssyncset.done $0x0  }
0x1d9: {  	[sflag:s26] =	ssyncadd.s32 $0xFFFFFC00  }
0x1da: {  	v8 =	vld [tilespmem:s18+$0x0];
	_ =	sdelay $0x4  }
0x1db: {  	vm14 =	vge.s32 v8, v0;
	vm15 =	vlt.s32 v8, v2  }
0x1dc: {  	vm0 =	vmand vm14, vm15  }
0x1dd: {  	v9 =	vsel vm0, $0x1, v7  }
0x1de: {  	(xrf0) =	vadd.scan.msk.s32 $0xffff, v9;
	_ =	sdelay $0x4  }
0x1df: {  	s8 =	sadd.s32 s8, s17;
	v9 =	vsel vm0, $0xFFFFFFFF, v7  }
0x1e0: {  	v9 =	vadd.s32 s8, v9;
	v10, _, _ =	vpop (xrf0)  }
0x1e1: {  	v9 =	vadd.s32 v10, v9;
	(v2sf) =	vpush v10, $0xF;
	_ =	sdelay $0x3  }
0x1e2: {  	s19 =	simm.s32 $0x2800  }
0x1e3: {  	[tilespmem:v9+s28+$0x0] =	vst.idx.msk vm0, v8;
	v8 =	vor.u32 s19, v1  }
0x1e4: {  	s10 =	simm.s32 $0x10;
	[tilespmem:v9+s29+$0x0] =	vst.idx.msk vm0, v8  }
0x1e5: {  	s9 =	simm.s32 $0x2810;
	s11 =	simm.s32 $0x2820;
	v8 =	vld [tilespmem:s10+$0x0]  }
.LBB2_22:
0x1e6: {  	p0 =	sne.s32 s11, $0x2BF0;
	_ =	sdelay $0x3  }
0x1e7: {  	vm0 =	vge.s32 v8, v0;
	vm1 =	vlt.s32 v8, v2  }
0x1e8: {  	vm0 =	vmand vm0, vm1  }
0x1e9: {  	v9 =	vsel vm0, $0xFFFFFFFF, v7;
	v10 =	vsel vm0, $0x1, v7  }
0x1ea: {  	(xrf0) =	vadd.scan.msk.s32 $0xffff, v10;
	s12 =	spop (v2sf)  }
0x1eb: {  	s8 =	sadd.s32 s8, s12  }
0x1ec: {  	v9 =	vadd.s32 s8, v9;
	_ =	sdelay $0x3  }
0x1ed: {  	v10, _, _ =	vpop (xrf0)  }
0x1ee: {  	v9 =	vadd.s32 v10, v9;
	(v2sf) =	vpush v10, $0xF;
	_ =	sdelay $0x2  }
.Ltmp10:
0x1ef: {  	(pc) =	sbr.rel @p0 .LBB2_22-.Ltmp10, $4  }
0x1f0: {  	_ = 	snop  }
0x1f1: {  	v10 =	vor.u32 s9, v1;
	s9 =	smov.u32 s11;
	[tilespmem:v9+s28+$0x0] =	vst.idx.msk vm0, v8  }
0x1f2: {  	s10 =	sadd.s32 $0x10, s10;
	[tilespmem:v9+s29+$0x0] =	vst.idx.msk vm0, v10  }
0x1f3: {  	s11 =	sadd.s32 $0x10, s11;
	v8 =	vld [tilespmem:s10+$0x0]  }
0x1f4: {  	_ =	sdelay $0x3  }
0x1f5: {  	vm0 =	vge.s32 v8, v0;
	vm1 =	vlt.s32 v8, v2  }
0x1f6: {  	vm0 =	vmand vm0, vm1  }
0x1f7: {  	v9 =	vsel vm0, $0x1, v7  }
0x1f8: {  	(xrf0) =	vadd.scan.msk.s32 $0xffff, v9;
	_ =	sdelay $0x5  }
0x1f9: {  	v9, _, _ =	vpop (xrf0)  }
0x1fa: {  	(v2sf) =	vpush v9, $0xF;
	_ =	sdelay $0x3  }
0x1fb: {  	s10 =	spop (v2sf)  }
0x1fc: {  	v10 =	vsel vm0, $0xFFFFFFFF, v7;
	s8 =	sadd.s32 s8, s10  }
0x1fd: {  	v10 =	vadd.s32 s8, v10  }
0x1fe: {  	v9 =	vadd.s32 v9, v10;
	_ =	sdelay $0x4  }
0x1ff: {  	v10 =	vor.u32 s9, v1;
	[tilespmem:v9+s28+$0x0] =	vst.idx.msk vm0, v8  }
0x200: {  	s18 =	simm.s32 $0x0;
	s11 =	rddreg [dreg:$0xe];
	[tilespmem:v9+s29+$0x0] =	vst.idx.msk vm0, v10  }
0x201: {  	[tilespmem:s18], [sflag:$0x4] =	stream.linear.gather [hbm4b:s11+s18], $0x400, $0x38;
	[tilespmem:$0x1C700] =	vst v63  }
0x202: {  	s17 =	spop (v2sf)  }
0x203: {  	_ =	swait.ge [sflag:s26], $0x400  }
0x204: {  	[sflag:s26] =	ssyncset.done $0x0  }
0x205: {  	[sflag:s26] =	ssyncadd.s32 $0xFFFFFC00  }
0x206: {  	v8 =	vld [tilespmem:s18+$0x0];
	_ =	sdelay $0x4  }
0x207: {  	vm14 =	vge.s32 v8, v0;
	vm15 =	vlt.s32 v8, v2  }
0x208: {  	vm0 =	vmand vm14, vm15  }
0x209: {  	v9 =	vsel vm0, $0x1, v7  }
0x20a: {  	(xrf0) =	vadd.scan.msk.s32 $0xffff, v9;
	_ =	sdelay $0x4  }
0x20b: {  	s8 =	sadd.s32 s8, s17;
	v9 =	vsel vm0, $0xFFFFFFFF, v7  }
0x20c: {  	v9 =	vadd.s32 s8, v9;
	v10, _, _ =	vpop (xrf0)  }
0x20d: {  	v9 =	vadd.s32 v10, v9;
	(v2sf) =	vpush v10, $0xF;
	_ =	sdelay $0x3  }
0x20e: {  	s19 =	simm.s32 $0x2C00  }
0x20f: {  	[tilespmem:v9+s28+$0x0] =	vst.idx.msk vm0, v8;
	v8 =	vor.u32 s19, v1  }
0x210: {  	s10 =	simm.s32 $0x10;
	[tilespmem:v9+s29+$0x0] =	vst.idx.msk vm0, v8  }
0x211: {  	s9 =	simm.s32 $0x2C10;
	s11 =	simm.s32 $0x2C20;
	v8 =	vld [tilespmem:s10+$0x0]  }
.LBB2_24:
0x212: {  	p0 =	sne.s32 s11, $0x2FF0;
	_ =	sdelay $0x3  }
0x213: {  	vm0 =	vge.s32 v8, v0;
	vm1 =	vlt.s32 v8, v2  }
0x214: {  	vm0 =	vmand vm0, vm1  }
0x215: {  	v9 =	vsel vm0, $0xFFFFFFFF, v7;
	v10 =	vsel vm0, $0x1, v7  }
0x216: {  	(xrf0) =	vadd.scan.msk.s32 $0xffff, v10;
	s12 =	spop (v2sf)  }
0x217: {  	s8 =	sadd.s32 s8, s12  }
0x218: {  	v9 =	vadd.s32 s8, v9;
	_ =	sdelay $0x3  }
0x219: {  	v10, _, _ =	vpop (xrf0)  }
0x21a: {  	v9 =	vadd.s32 v10, v9;
	(v2sf) =	vpush v10, $0xF;
	_ =	sdelay $0x2  }
.Ltmp11:
0x21b: {  	(pc) =	sbr.rel @p0 .LBB2_24-.Ltmp11, $4  }
0x21c: {  	_ = 	snop  }
0x21d: {  	v10 =	vor.u32 s9, v1;
	s9 =	smov.u32 s11;
	[tilespmem:v9+s28+$0x0] =	vst.idx.msk vm0, v8  }
0x21e: {  	s10 =	sadd.s32 $0x10, s10;
	[tilespmem:v9+s29+$0x0] =	vst.idx.msk vm0, v10  }
0x21f: {  	s11 =	sadd.s32 $0x10, s11;
	v8 =	vld [tilespmem:s10+$0x0]  }
0x220: {  	_ =	sdelay $0x3  }
0x221: {  	vm0 =	vge.s32 v8, v0;
	vm1 =	vlt.s32 v8, v2  }
0x222: {  	vm0 =	vmand vm0, vm1  }
0x223: {  	v9 =	vsel vm0, $0x1, v7  }
0x224: {  	(xrf0) =	vadd.scan.msk.s32 $0xffff, v9;
	_ =	sdelay $0x5  }
0x225: {  	v9, _, _ =	vpop (xrf0)  }
0x226: {  	(v2sf) =	vpush v9, $0xF;
	_ =	sdelay $0x3  }
0x227: {  	s10 =	spop (v2sf)  }
0x228: {  	v10 =	vsel vm0, $0xFFFFFFFF, v7;
	s8 =	sadd.s32 s8, s10  }
0x229: {  	v10 =	vadd.s32 s8, v10  }
0x22a: {  	v9 =	vadd.s32 v9, v10;
	_ =	sdelay $0x4  }
0x22b: {  	v10 =	vor.u32 s9, v1;
	[tilespmem:v9+s28+$0x0] =	vst.idx.msk vm0, v8  }
0x22c: {  	s18 =	simm.s32 $0x0;
	s11 =	rddreg [dreg:$0xf];
	[tilespmem:v9+s29+$0x0] =	vst.idx.msk vm0, v10  }
0x22d: {  	[tilespmem:s18], [sflag:$0x4] =	stream.linear.gather [hbm4b:s11+s18], $0x400, $0x38;
	[tilespmem:$0x1C700] =	vst v63  }
0x22e: {  	s17 =	spop (v2sf)  }
0x22f: {  	_ =	swait.ge [sflag:s26], $0x400  }
0x230: {  	[sflag:s26] =	ssyncset.done $0x0  }
0x231: {  	[sflag:s26] =	ssyncadd.s32 $0xFFFFFC00  }
0x232: {  	v8 =	vld [tilespmem:s18+$0x0];
	_ =	sdelay $0x4  }
0x233: {  	vm14 =	vge.s32 v8, v0;
	vm15 =	vlt.s32 v8, v2  }
0x234: {  	vm0 =	vmand vm14, vm15  }
0x235: {  	v9 =	vsel vm0, $0x1, v7  }
0x236: {  	(xrf0) =	vadd.scan.msk.s32 $0xffff, v9;
	_ =	sdelay $0x4  }
0x237: {  	s8 =	sadd.s32 s8, s17;
	v9 =	vsel vm0, $0xFFFFFFFF, v7  }
0x238: {  	v9 =	vadd.s32 s8, v9;
	v10, _, _ =	vpop (xrf0)  }
0x239: {  	v9 =	vadd.s32 v10, v9;
	(v2sf) =	vpush v10, $0xF;
	_ =	sdelay $0x3  }
0x23a: {  	s19 =	simm.s32 $0x3000  }
0x23b: {  	[tilespmem:v9+s28+$0x0] =	vst.idx.msk vm0, v8;
	v8 =	vor.u32 s19, v1  }
0x23c: {  	s10 =	simm.s32 $0x10;
	[tilespmem:v9+s29+$0x0] =	vst.idx.msk vm0, v8  }
0x23d: {  	s9 =	simm.s32 $0x3010;
	s11 =	simm.s32 $0x3020;
	v8 =	vld [tilespmem:s10+$0x0]  }
.LBB2_26:
0x23e: {  	p0 =	sne.s32 s11, $0x33F0;
	_ =	sdelay $0x3  }
0x23f: {  	vm0 =	vge.s32 v8, v0;
	vm1 =	vlt.s32 v8, v2  }
0x240: {  	vm0 =	vmand vm0, vm1  }
0x241: {  	v9 =	vsel vm0, $0xFFFFFFFF, v7;
	v10 =	vsel vm0, $0x1, v7  }
0x242: {  	(xrf0) =	vadd.scan.msk.s32 $0xffff, v10;
	s12 =	spop (v2sf)  }
0x243: {  	s8 =	sadd.s32 s8, s12  }
0x244: {  	v9 =	vadd.s32 s8, v9;
	_ =	sdelay $0x3  }
0x245: {  	v10, _, _ =	vpop (xrf0)  }
0x246: {  	v9 =	vadd.s32 v10, v9;
	(v2sf) =	vpush v10, $0xF;
	_ =	sdelay $0x2  }
.Ltmp12:
0x247: {  	(pc) =	sbr.rel @p0 .LBB2_26-.Ltmp12, $4  }
0x248: {  	_ = 	snop  }
0x249: {  	v10 =	vor.u32 s9, v1;
	s9 =	smov.u32 s11;
	[tilespmem:v9+s28+$0x0] =	vst.idx.msk vm0, v8  }
0x24a: {  	s10 =	sadd.s32 $0x10, s10;
	[tilespmem:v9+s29+$0x0] =	vst.idx.msk vm0, v10  }
0x24b: {  	s11 =	sadd.s32 $0x10, s11;
	v8 =	vld [tilespmem:s10+$0x0]  }
0x24c: {  	_ =	sdelay $0x3  }
0x24d: {  	vm0 =	vge.s32 v8, v0;
	vm1 =	vlt.s32 v8, v2  }
0x24e: {  	vm0 =	vmand vm0, vm1  }
0x24f: {  	v9 =	vsel vm0, $0x1, v7  }
0x250: {  	(xrf0) =	vadd.scan.msk.s32 $0xffff, v9;
	_ =	sdelay $0x5  }
0x251: {  	v9, _, _ =	vpop (xrf0)  }
0x252: {  	(v2sf) =	vpush v9, $0xF;
	_ =	sdelay $0x3  }
0x253: {  	s10 =	spop (v2sf)  }
0x254: {  	v10 =	vsel vm0, $0xFFFFFFFF, v7;
	s8 =	sadd.s32 s8, s10  }
0x255: {  	v10 =	vadd.s32 s8, v10  }
0x256: {  	v9 =	vadd.s32 v9, v10;
	_ =	sdelay $0x4  }
0x257: {  	v10 =	vor.u32 s9, v1;
	[tilespmem:v9+s28+$0x0] =	vst.idx.msk vm0, v8  }
0x258: {  	s18 =	simm.s32 $0x0;
	s11 =	rddreg [dreg:$0x10];
	[tilespmem:v9+s29+$0x0] =	vst.idx.msk vm0, v10  }
0x259: {  	[tilespmem:s18], [sflag:$0x4] =	stream.linear.gather [hbm4b:s11+s18], $0x400, $0x38;
	[tilespmem:$0x1C700] =	vst v63  }
0x25a: {  	s17 =	spop (v2sf)  }
0x25b: {  	_ =	swait.ge [sflag:s26], $0x400  }
0x25c: {  	[sflag:s26] =	ssyncset.done $0x0  }
0x25d: {  	[sflag:s26] =	ssyncadd.s32 $0xFFFFFC00  }
0x25e: {  	v8 =	vld [tilespmem:s18+$0x0];
	_ =	sdelay $0x4  }
0x25f: {  	vm14 =	vge.s32 v8, v0;
	vm15 =	vlt.s32 v8, v2  }
0x260: {  	vm0 =	vmand vm14, vm15  }
0x261: {  	v9 =	vsel vm0, $0x1, v7  }
0x262: {  	(xrf0) =	vadd.scan.msk.s32 $0xffff, v9;
	_ =	sdelay $0x4  }
0x263: {  	s8 =	sadd.s32 s8, s17;
	v9 =	vsel vm0, $0xFFFFFFFF, v7  }
0x264: {  	v9 =	vadd.s32 s8, v9;
	v10, _, _ =	vpop (xrf0)  }
0x265: {  	v9 =	vadd.s32 v10, v9;
	(v2sf) =	vpush v10, $0xF;
	_ =	sdelay $0x3  }
0x266: {  	s19 =	simm.s32 $0x3400  }
0x267: {  	[tilespmem:v9+s28+$0x0] =	vst.idx.msk vm0, v8;
	v8 =	vor.u32 s19, v1  }
0x268: {  	s10 =	simm.s32 $0x10;
	[tilespmem:v9+s29+$0x0] =	vst.idx.msk vm0, v8  }
0x269: {  	s9 =	simm.s32 $0x3410;
	s11 =	simm.s32 $0x3420;
	v8 =	vld [tilespmem:s10+$0x0]  }
.LBB2_28:
0x26a: {  	p0 =	sne.s32 s11, $0x37F0;
	_ =	sdelay $0x3  }
0x26b: {  	vm0 =	vge.s32 v8, v0;
	vm1 =	vlt.s32 v8, v2  }
0x26c: {  	vm0 =	vmand vm0, vm1  }
0x26d: {  	v9 =	vsel vm0, $0xFFFFFFFF, v7;
	v10 =	vsel vm0, $0x1, v7  }
0x26e: {  	(xrf0) =	vadd.scan.msk.s32 $0xffff, v10;
	s12 =	spop (v2sf)  }
0x26f: {  	s8 =	sadd.s32 s8, s12  }
0x270: {  	v9 =	vadd.s32 s8, v9;
	_ =	sdelay $0x3  }
0x271: {  	v10, _, _ =	vpop (xrf0)  }
0x272: {  	v9 =	vadd.s32 v10, v9;
	(v2sf) =	vpush v10, $0xF;
	_ =	sdelay $0x2  }
.Ltmp13:
0x273: {  	(pc) =	sbr.rel @p0 .LBB2_28-.Ltmp13, $4  }
0x274: {  	_ = 	snop  }
0x275: {  	v10 =	vor.u32 s9, v1;
	s9 =	smov.u32 s11;
	[tilespmem:v9+s28+$0x0] =	vst.idx.msk vm0, v8  }
0x276: {  	s10 =	sadd.s32 $0x10, s10;
	[tilespmem:v9+s29+$0x0] =	vst.idx.msk vm0, v10  }
0x277: {  	s11 =	sadd.s32 $0x10, s11;
	v8 =	vld [tilespmem:s10+$0x0]  }
0x278: {  	_ =	sdelay $0x3  }
0x279: {  	vm0 =	vge.s32 v8, v0;
	vm1 =	vlt.s32 v8, v2  }
0x27a: {  	vm0 =	vmand vm0, vm1  }
0x27b: {  	v9 =	vsel vm0, $0x1, v7  }
0x27c: {  	(xrf0) =	vadd.scan.msk.s32 $0xffff, v9;
	_ =	sdelay $0x5  }
0x27d: {  	v9, _, _ =	vpop (xrf0)  }
0x27e: {  	(v2sf) =	vpush v9, $0xF;
	_ =	sdelay $0x3  }
0x27f: {  	s10 =	spop (v2sf)  }
0x280: {  	v10 =	vsel vm0, $0xFFFFFFFF, v7;
	s8 =	sadd.s32 s8, s10  }
0x281: {  	v10 =	vadd.s32 s8, v10  }
0x282: {  	v9 =	vadd.s32 v9, v10;
	_ =	sdelay $0x4  }
0x283: {  	v10 =	vor.u32 s9, v1;
	[tilespmem:v9+s28+$0x0] =	vst.idx.msk vm0, v8  }
0x284: {  	s18 =	simm.s32 $0x0;
	[tilespmem:v9+s29+$0x0] =	vst.idx.msk vm0, v10  }
0x285: {  	[tilespmem:s18], [sflag:$0x4] =	stream.linear.gather [hbm4b:s20+s18], $0x400, $0x38;
	[tilespmem:$0x1C700] =	vst v63  }
0x286: {  	s17 =	spop (v2sf)  }
0x287: {  	_ =	swait.ge [sflag:s26], $0x400  }
0x288: {  	[sflag:s26] =	ssyncset.done $0x0  }
0x289: {  	[sflag:s26] =	ssyncadd.s32 $0xFFFFFC00  }
0x28a: {  	v8 =	vld [tilespmem:s18+$0x0];
	_ =	sdelay $0x4  }
0x28b: {  	vm14 =	vge.s32 v8, v0;
	vm15 =	vlt.s32 v8, v2  }
0x28c: {  	vm0 =	vmand vm14, vm15  }
0x28d: {  	v9 =	vsel vm0, $0x1, v7  }
0x28e: {  	(xrf0) =	vadd.scan.msk.s32 $0xffff, v9;
	_ =	sdelay $0x4  }
0x28f: {  	s8 =	sadd.s32 s8, s17;
	v9 =	vsel vm0, $0xFFFFFFFF, v7  }
0x290: {  	v9 =	vadd.s32 s8, v9;
	v10, _, _ =	vpop (xrf0)  }
0x291: {  	v9 =	vadd.s32 v10, v9;
	(v2sf) =	vpush v10, $0xF;
	_ =	sdelay $0x3  }
0x292: {  	s19 =	simm.s32 $0x3800  }
0x293: {  	[tilespmem:v9+s28+$0x0] =	vst.idx.msk vm0, v8;
	v8 =	vor.u32 s19, v1  }
0x294: {  	s10 =	simm.s32 $0x10;
	[tilespmem:v9+s29+$0x0] =	vst.idx.msk vm0, v8  }
0x295: {  	s11 =	simm.s32 $0x3820;
	s9 =	simm.s32 $0x3810;
	v8 =	vld [tilespmem:s10+$0x0]  }
.LBB2_30:
0x296: {  	p0 =	sne.s32 s11, $0x3BF0;
	_ =	sdelay $0x3  }
0x297: {  	vm0 =	vge.s32 v8, v0;
	vm1 =	vlt.s32 v8, v2  }
0x298: {  	vm0 =	vmand vm0, vm1  }
0x299: {  	v9 =	vsel vm0, $0xFFFFFFFF, v7;
	v10 =	vsel vm0, $0x1, v7  }
0x29a: {  	(xrf0) =	vadd.scan.msk.s32 $0xffff, v10;
	s12 =	spop (v2sf)  }
0x29b: {  	s8 =	sadd.s32 s8, s12  }
0x29c: {  	v9 =	vadd.s32 s8, v9;
	_ =	sdelay $0x3  }
0x29d: {  	v10, _, _ =	vpop (xrf0)  }
0x29e: {  	v9 =	vadd.s32 v10, v9;
	(v2sf) =	vpush v10, $0xF;
	_ =	sdelay $0x2  }
.Ltmp14:
0x29f: {  	(pc) =	sbr.rel @p0 .LBB2_30-.Ltmp14, $4  }
0x2a0: {  	_ = 	snop  }
0x2a1: {  	v10 =	vor.u32 s9, v1;
	s9 =	smov.u32 s11;
	[tilespmem:v9+s28+$0x0] =	vst.idx.msk vm0, v8  }
0x2a2: {  	s10 =	sadd.s32 $0x10, s10;
	[tilespmem:v9+s29+$0x0] =	vst.idx.msk vm0, v10  }
0x2a3: {  	s11 =	sadd.s32 $0x10, s11;
	v8 =	vld [tilespmem:s10+$0x0]  }
0x2a4: {  	_ =	sdelay $0x3  }
0x2a5: {  	vm0 =	vge.s32 v8, v0;
	vm1 =	vlt.s32 v8, v2  }
0x2a6: {  	vm0 =	vmand vm0, vm1  }
0x2a7: {  	v9 =	vsel vm0, $0x1, v7  }
0x2a8: {  	(xrf0) =	vadd.scan.msk.s32 $0xffff, v9;
	_ =	sdelay $0x5  }
0x2a9: {  	v9, _, _ =	vpop (xrf0)  }
0x2aa: {  	(v2sf) =	vpush v9, $0xF;
	_ =	sdelay $0x3  }
0x2ab: {  	s10 =	spop (v2sf)  }
0x2ac: {  	v10 =	vsel vm0, $0xFFFFFFFF, v7;
	s8 =	sadd.s32 s8, s10  }
0x2ad: {  	v10 =	vadd.s32 s8, v10  }
0x2ae: {  	v9 =	vadd.s32 v9, v10;
	_ =	sdelay $0x4  }
0x2af: {  	v10 =	vor.u32 s9, v1;
	[tilespmem:v9+s28+$0x0] =	vst.idx.msk vm0, v8  }
0x2b0: {  	s18 =	simm.s32 $0x0;
	[tilespmem:v9+s29+$0x0] =	vst.idx.msk vm0, v10  }
0x2b1: {  	[tilespmem:s18], [sflag:$0x4] =	stream.linear.gather [hbm4b:s21+s18], $0x400, $0x38;
	[tilespmem:$0x1C700] =	vst v63  }
0x2b2: {  	s17 =	spop (v2sf)  }
0x2b3: {  	_ =	swait.ge [sflag:s26], $0x400  }
0x2b4: {  	[sflag:s26] =	ssyncset.done $0x0  }
0x2b5: {  	[sflag:s26] =	ssyncadd.s32 $0xFFFFFC00  }
0x2b6: {  	v8 =	vld [tilespmem:s18+$0x0];
	_ =	sdelay $0x4  }
0x2b7: {  	vm14 =	vge.s32 v8, v0;
	vm15 =	vlt.s32 v8, v2  }
0x2b8: {  	vm0 =	vmand vm14, vm15  }
0x2b9: {  	v9 =	vsel vm0, $0x1, v7  }
0x2ba: {  	(xrf0) =	vadd.scan.msk.s32 $0xffff, v9;
	_ =	sdelay $0x4  }
0x2bb: {  	s8 =	sadd.s32 s8, s17;
	v9 =	vsel vm0, $0xFFFFFFFF, v7  }
0x2bc: {  	v9 =	vadd.s32 s8, v9;
	v10, _, _ =	vpop (xrf0)  }
0x2bd: {  	v9 =	vadd.s32 v10, v9;
	(v2sf) =	vpush v10, $0xF;
	_ =	sdelay $0x3  }
0x2be: {  	s19 =	simm.s32 $0x3C00  }
0x2bf: {  	[tilespmem:v9+s28+$0x0] =	vst.idx.msk vm0, v8;
	v8 =	vor.u32 s19, v1  }
0x2c0: {  	s10 =	simm.s32 $0x10;
	[tilespmem:v9+s29+$0x0] =	vst.idx.msk vm0, v8  }
0x2c1: {  	s11 =	simm.s32 $0x3C20;
	s9 =	simm.s32 $0x3C10;
	v8 =	vld [tilespmem:s10+$0x0]  }
.LBB2_32:
0x2c2: {  	p0 =	sne.s32 s11, $0x3FF0;
	_ =	sdelay $0x3  }
0x2c3: {  	vm0 =	vge.s32 v8, v0;
	vm1 =	vlt.s32 v8, v2  }
0x2c4: {  	vm0 =	vmand vm0, vm1  }
0x2c5: {  	v9 =	vsel vm0, $0xFFFFFFFF, v7;
	v10 =	vsel vm0, $0x1, v7  }
0x2c6: {  	(xrf0) =	vadd.scan.msk.s32 $0xffff, v10;
	s12 =	spop (v2sf)  }
0x2c7: {  	s8 =	sadd.s32 s8, s12  }
0x2c8: {  	v9 =	vadd.s32 s8, v9;
	_ =	sdelay $0x3  }
0x2c9: {  	v10, _, _ =	vpop (xrf0)  }
0x2ca: {  	v9 =	vadd.s32 v10, v9;
	(v2sf) =	vpush v10, $0xF;
	_ =	sdelay $0x2  }
.Ltmp15:
0x2cb: {  	(pc) =	sbr.rel @p0 .LBB2_32-.Ltmp15, $4  }
0x2cc: {  	_ = 	snop  }
0x2cd: {  	v10 =	vor.u32 s9, v1;
	s9 =	smov.u32 s11;
	[tilespmem:v9+s28+$0x0] =	vst.idx.msk vm0, v8  }
0x2ce: {  	s10 =	sadd.s32 $0x10, s10;
	[tilespmem:v9+s29+$0x0] =	vst.idx.msk vm0, v10  }
0x2cf: {  	s11 =	sadd.s32 $0x10, s11;
	v8 =	vld [tilespmem:s10+$0x0]  }
0x2d0: {  	_ =	sdelay $0x3  }
0x2d1: {  	vm0 =	vge.s32 v8, v0;
	vm1 =	vlt.s32 v8, v2  }
0x2d2: {  	vm0 =	vmand vm0, vm1  }
0x2d3: {  	v9 =	vsel vm0, $0x1, v7  }
0x2d4: {  	(xrf0) =	vadd.scan.msk.s32 $0xffff, v9;
	_ =	sdelay $0x5  }
0x2d5: {  	v9, _, _ =	vpop (xrf0)  }
0x2d6: {  	(v2sf) =	vpush v9, $0xF;
	_ =	sdelay $0x3  }
0x2d7: {  	s10 =	spop (v2sf)  }
0x2d8: {  	v10 =	vsel vm0, $0xFFFFFFFF, v7;
	s8 =	sadd.s32 s8, s10  }
0x2d9: {  	v10 =	vadd.s32 s8, v10  }
0x2da: {  	v9 =	vadd.s32 v9, v10;
	_ =	sdelay $0x4  }
0x2db: {  	v63 =	vor.u32 s9, v1;
	[tilespmem:v9+s28+$0x0] =	vst.idx.msk vm0, v8  }
0x2dc: {  	s15 =	simm.s32 $0x1000;
	s16 =	simm.s32 $0x7A1400;
	[tilespmem:v9+s29+$0x0] =	vst.idx.msk vm0, v63  }
0x2dd: {  	[tilespmem:s2], [sflag:$0x2] =	stream.strided.gather [hbm4b:s24+s15], $0x8000, s16, s15, $0x38;
	[tilespmem:$0x1C700] =	vst v63  }
0x2de: {  	s14 =	spop (v2sf)  }
0x2df: {  	s8 =	sadd.s32 s8, s14  }
0x2e0: {  	s17 =	sadd.s32 $0xF, s8  }
0x2e1: {  	s10 =	simm.s32 $0x1;
	s15 =	simm.s32 $0x0;
	s18 =	sand.u32 $0xF, s17  }
0x2e2: {  	s11 =	sshra.s32 s17, $0x1F;
	p0 =	slt.s32 s17, $0x1;
	p1 =	sne.s32 s18, $0x0  }
0x2e3: {  	[smem:$0x0] =	sst s15;
	s19 =	sshrl.u32 s11, $0x1C;
	p0 =	por !p0, !p1  }
0x2e4: {  	[smem:$0x1] =	sst s15;
	s9 =	sadd.s32 s19, s17;
	p0 =	por !p0, !p0  }
0x2e5: {  	[smem:$0x2] =	sst s15;
	s9 =	sshra.s32 s9, $0x4;
	s10 =	simm.s32 @!p0 $0x0  }
0x2e6: {  	[smem:$0x3] =	sst s8;
	s9 =	ssub.s32 s9, s10  }
0x2e7: {  	s11 =	simm.s32 $0x0;
	s10 =	simm.s32 $0x0;
	p0 =	sgt.s32 s9, $0x0  }
.LBB2_34:
0x2e8: {  	s12 =	sand.u32 $0x1, s11  }
0x2e9: {  	s13 =	sshll.u32 s11, $0x2;
	p1 =	seq.s32 s12, $0x1  }
0x2ea: {  	s14 =	sadd.s32 @!p1 s13, s25  }
0x2eb: {  	s14 =	smin.u32 @!p1 s14, s22  }
0x2ec: {  	p2 =	seq.s32 s11, $0x3D;
	s14 =	smax.u32 @!p1 s5, s14  }
0x2ed: {  	s16 =	simm.s32 @!p1 $0x1000;
	s17 =	simm.s32 @!p1 $0x7A1400;
	s14 =	sshll.u32 @!p1 s14, $0x7  }
0x2ee: {  	s18 =	simm.s32 @!p1 $0x10500;
	p2 =	por !p1, p2;
	s14 =	sadd.s32 @!p1 s1, s14  }
0x2ef: {  	[tilespmem:s18], [sflag:$0x3] =	stream.strided.gather @!p1 [hbm4b:s14+s16], $0x8000, s17, s16, $0x38;
	[tilespmem:$0x1C700] =	vst v63  }
0x2f0: {  	s14 =	sadd.s32 @!p2 s13, s25  }
0x2f1: {  	s14 =	smin.u32 @!p2 s14, s22  }
0x2f2: {  	s14 =	smax.u32 @!p2 s5, s14  }
0x2f3: {  	s16 =	simm.s32 @!p2 $0x1000;
	s14 =	sshll.u32 @!p2 s14, $0x7  }
0x2f4: {  	s17 =	simm.s32 @!p2 $0x7A1400;
	s18 =	simm.s32 @!p2 $0x8500;
	s14 =	sadd.s32 @!p2 s1, s14  }
0x2f5: {  	[tilespmem:s18], [sflag:$0x2] =	stream.strided.gather @!p2 [hbm4b:s14+s16], $0x8000, s17, s16, $0x38;
	[tilespmem:$0x1C700] =	vst v63  }
0x2f6: {  	p2 =	sne.s32 s12, $0x0  }
0x2f7: {  	s14 =	simm.s32 @!p2 $0x2  }
0x2f8: {  	_ =	swait.ge @!p2 [sflag:s14], $0x8000  }
.Ltmp16:
0x2f9: {  	[sflag:s14] =	ssyncset.done @!p2 $0x0;
	(pc) =	sbr.rel @!p0 .LBB2_35-.Ltmp16, $4  }
0x2fa: {  	[sflag:s14] =	ssyncadd.s32 @!p2 $0xFFFF8000;
	s14 =	simm.s32 @p1 $0x3  }
0x2fb: {  	s13 =	sadd.s32 s5, s13;
	_ =	swait.ge @p1 [sflag:s14], $0x8000  }
0x2fc: {  	s13 =	smin.u32 s13, s22;
	[sflag:s14] =	ssyncset.done @p1 $0x0  }
0x2fd: {  	s13 =	smax.u32 s5, s13;
	[sflag:s14] =	ssyncadd.s32 @p1 $0xFFFF8000  }
.Ltmp17:
0x2fe: {  	(pc) =	sbr.rel .LBB2_37-.Ltmp17, $4  }
0x2ff: {  	_ = 	snop  }
0x300: {  	s14 =	sshll.u32 s13, $0x7;
	v8 =	vmov s13  }
0x301: {  	s12 =	sshll.u32 s12, $0xF;
	v10 =	vmov s14;
	s19 =	sadd.s32 $0x200, s14;
	v8 =	vshll.u32 v8, $0x7  }
0x302: {  	s13 =	smov.u32 s15;
	s14 =	simm.s32 $0x0;
	v11 =	vmov s19;
	v9 =	vbroadcast v8, $0x0;
	v8 =	vmov s12;
	s12 =	simm.s32 $0x0  }
.LBB2_41:
0x303: {  	s14 =	sadd.s32 $0x1, s14  }
0x304: {  	p1 =	sne.s32 s14, s9  }
.Ltmp18:
0x305: {  	_ = 	snop;
	(pc) =	sbr.rel @!p1 .LBB2_42-.Ltmp18, $1  }
0x306: {  	_ =	sdelay $0x3  }
.LBB2_37:
0x307: {  	s16 =	sshll.u32 s14, $0x4  }
0x308: {  	v12 =	vld [tilespmem:s16+$0x400];
	_ =	sdelay $0x2  }
0x309: {  	s17 =	ssub.s32 s8, s16  }
0x30a: {  	v13 =	vmov s17  }
0x30b: {  	vm0 =	vgt.s32 v13, v1;
	vm1 =	vge.s32 v12, v10  }
0x30c: {  	vm15 =	vlt.s32 v12, v11;
	vm0 =	vmand vm0, vm1  }
0x30d: {  	vm0 =	vmand vm15, vm0  }
0x30e: {  	v62 =	vsel vm0, $0x1, v7  }
0x30f: {  	(xrf0) =	vadd.scan.msk.s32 $0xffff, v62;
	_ =	sdelay $0x5  }
0x310: {  	v13, _, _ =	vpop (xrf0)  }
0x311: {  	(v2sf) =	vpush v13, $0xF;
	_ =	sdelay $0xd  }
0x312: {  	v14 =	vsel vm0, $0xFFFFFFFF, v7  }
0x313: {  	v14 =	vadd.s32 s12, v14;
	s19 =	spop (v2sf)  }
0x314: {  	v13 =	vadd.s32 v13, v14;
	s12 =	sadd.s32 s12, s19  }
0x315: {  	v63 =	vld [tilespmem:s16+$0x4480];
	p1 =	slt.s32 s12, $0x10  }
.Ltmp19:
0x316: {  	_ = 	snop;
	(pc) =	sbr.rel @p1 .LBB2_41-.Ltmp19, $3  }
0x317: {  	_ =	sdelay $0x1  }
0x318: {  	[tilespmem:v13+s0+$0x0] =	vst.idx.msk vm0, v12  }
0x319: {  	[tilespmem:v13+s30+$0x0] =	vst.idx.msk vm0, v63  }
0x31a: {  	v12 =	vld [tilespmem:$0x1C600];
	_ =	sdelay $0x2  }
0x31b: {  	v14 =	vadd.s32 s10, v1  }
0x31c: {  	s16 =	simm.s32 $0x0;
	v15 =	vand.u32 $0x3F, v14  }
0x31d: {  	v16 =	vshll.u32 v14, $0x1;
	v17 =	vmov s16;
	v13 =	vsub.s32 v12, v9  }
0x31e: {  	v16 =	vand.u32 $0x80, v16;
	v12 =	vand.u32 $0x7F, v12;
	v13 =	vshll.u32 v13, $0x3  }
0x31f: {  	v18 =	vshll.u32 v17, $0x9;
	v12 =	vor.u32 v8, v12;
	v13 =	vand.u32 $0xFFFFFC00, v13  }
0x320: {  	v17 =	vshll.u32 v17, $0x7;
	v12 =	vadd.s32 v13, v12;
	v13 =	vand.u32 $0x7000, v18  }
0x321: {  	v15 =	vor.u32 v15, v16;
	v16 =	vand.u32 $0x200, v17;
	v18 =	vld [tilespmem:$0x1C680];
	v13 =	vadd.s32 v13, v12  }
0x322: {  	v16 =	vor.u32 v16, v13  }
0x323: {  	s17 =	simm.s32 $0x1  }
0x324: {  	v17 =	vmov s17  }
0x325: {  	v13 =	vand.u32 $0x7F, v14;
	v14 =	vshll.u32 v17, $0x9  }
0x326: {  	v13 =	vshll.u32 v13, $0x7;
	v14 =	vand.u32 $0x7000, v14;
	[tilespmem:v15+s31+$0x0] =	vst.idx.msk $0xffff, v18;
	v15 =	vshll.u32 v17, $0x7  }
0x327: {  	v14 =	vadd.s32 v14, v12;
	v17 =	vor.u32 s16, v13;
	v15 =	vand.u32 $0x280, v15;
	v16 =	vld.idx.msk [tilespmem:v16+s2+$0x0], $0xffff  }
0x328: {  	v14 =	vor.u32 v15, v14  }
0x329: {  	s19 =	simm.s32 $0x2  }
0x32a: {  	v15 =	vmov s19  }
0x32b: {  	v18 =	vshll.u32 v15, $0x9  }
0x32c: {  	v15 =	vshll.u32 v15, $0x7;
	[tilespmem:v17+s3+$0x0] =	vst.idx.msk $0xffff, v16;
	v16 =	vand.u32 $0x7000, v18  }
0x32d: {  	v15 =	vand.u32 $0x300, v15;
	v17 =	vor.u32 s17, v13;
	v14 =	vld.idx.msk [tilespmem:v14+s2+$0x0], $0xffff;
	v16 =	vadd.s32 v16, v12  }
0x32e: {  	v15 =	vor.u32 v15, v16  }
0x32f: {  	s18 =	simm.s32 $0x3  }
0x330: {  	v16 =	vmov s18  }
0x331: {  	v18 =	vshll.u32 v16, $0x9  }
0x332: {  	v16 =	vshll.u32 v16, $0x7;
	v18 =	vand.u32 $0x7000, v18;
	[tilespmem:v17+s3+$0x0] =	vst.idx.msk $0xffff, v14  }
0x333: {  	v18 =	vadd.s32 v18, v12;
	v17 =	vand.u32 $0x380, v16;
	v16 =	vor.u32 s19, v13;
	v14 =	vld.idx.msk [tilespmem:v15+s2+$0x0], $0xffff  }
0x334: {  	v15 =	vor.u32 v17, v18;
	_ =	sdelay $0x1  }
0x335: {  	s16 =	simm.s32 $0x4  }
0x336: {  	s17 =	simm.s32 $0x8;
	v17 =	vmov s16  }
.LBB2_39:
0x337: {  	p1 =	sne.s32 s17, $0x3C;
	v18 =	vshll.u32 v17, $0x9;
	[tilespmem:v16+s3+$0x0] =	vst.idx.msk $0xffff, v14  }
0x338: {  	v16 =	vshll.u32 v17, $0x7;
	v14 =	vand.u32 $0x7000, v18;
	v15 =	vld.idx.msk [tilespmem:v15+s2+$0x0], $0xffff  }
0x339: {  	v17 =	vor.u32 s18, v13;
	v16 =	vand.u32 $0x200, v16;
	v14 =	vadd.s32 v14, v12  }
0x33a: {  	v14 =	vor.u32 v16, v14;
	_ =	sdelay $0x1  }
0x33b: {  	s18 =	sadd.s32 $0x1, s16  }
0x33c: {  	v16 =	vmov s18  }
0x33d: {  	v18 =	vshll.u32 v16, $0x9;
	[tilespmem:v17+s3+$0x0] =	vst.idx.msk $0xffff, v15  }
0x33e: {  	v16 =	vshll.u32 v16, $0x7;
	v15 =	vand.u32 $0x7000, v18;
	v14 =	vld.idx.msk [tilespmem:v14+s2+$0x0], $0xffff  }
0x33f: {  	v16 =	vand.u32 $0x280, v16;
	v17 =	vor.u32 s16, v13;
	v15 =	vadd.s32 v15, v12  }
0x340: {  	v15 =	vor.u32 v16, v15;
	_ =	sdelay $0x1  }
0x341: {  	s19 =	sadd.s32 $0x2, s16  }
0x342: {  	v16 =	vmov s19  }
0x343: {  	[tilespmem:v17+s3+$0x0] =	vst.idx.msk $0xffff, v14;
	v14 =	vshll.u32 v16, $0x9  }
0x344: {  	v16 =	vshll.u32 v16, $0x7;
	v15 =	vld.idx.msk [tilespmem:v15+s2+$0x0], $0xffff;
	v14 =	vand.u32 $0x7000, v14  }
0x345: {  	v17 =	vor.u32 s18, v13;
	v16 =	vand.u32 $0x300, v16;
	v14 =	vadd.s32 v14, v12  }
0x346: {  	v14 =	vor.u32 v16, v14;
	_ =	sdelay $0x1  }
0x347: {  	s18 =	sadd.s32 $0x3, s16;
	s16 =	smov.u32 s17  }
0x348: {  	v16 =	vmov s18  }
0x349: {  	[tilespmem:v17+s3+$0x0] =	vst.idx.msk $0xffff, v15;
	v15 =	vshll.u32 v16, $0x9  }
0x34a: {  	v17 =	vshll.u32 v16, $0x7;
	v14 =	vld.idx.msk [tilespmem:v14+s2+$0x0], $0xffff;
	v15 =	vand.u32 $0x7000, v15  }
.Ltmp20:
0x34b: {  	v16 =	vor.u32 s19, v13;
	v17 =	vand.u32 $0x380, v17;
	v15 =	vadd.s32 v15, v12;
	(pc) =	sbr.rel @p1 .LBB2_39-.Ltmp20, $2  }
0x34c: {  	v15 =	vor.u32 v17, v15;
	_ =	sdelay $0x2  }
0x34d: {  	s17 =	sadd.s32 $0x4, s17;
	v17 =	vmov s16  }
0x34e: {  	_ =	sdelay $0x2  }
0x34f: {  	v18 =	vshll.u32 v17, $0x9  }
0x350: {  	[tilespmem:v16+s3+$0x0] =	vst.idx.msk $0xffff, v14;
	v48 =	vshll.u32 v17, $0x7;
	v47 =	vand.u32 $0x7000, v18  }
0x351: {  	v49 =	vor.u32 s18, v13;
	v15 =	vld.idx.msk [tilespmem:v15+s2+$0x0], $0xffff;
	v16 =	vand.u32 $0x200, v48;
	v14 =	vadd.s32 v47, v12  }
0x352: {  	v14 =	vor.u32 v16, v14  }
0x353: {  	s17 =	sadd.s32 $0x1, s16  }
0x354: {  	v50 =	vmov s17  }
0x355: {  	v51 =	vshll.u32 v50, $0x9  }
0x356: {  	v52 =	vand.u32 $0x7000, v51;
	v16 =	vshll.u32 v50, $0x7;
	[tilespmem:v49+s3+$0x0] =	vst.idx.msk $0xffff, v15  }
0x357: {  	v53 =	vor.u32 s16, v13;
	v16 =	vand.u32 $0x280, v16;
	v15 =	vadd.s32 v52, v12;
	v14 =	vld.idx.msk [tilespmem:v14+s2+$0x0], $0xffff  }
0x358: {  	v15 =	vor.u32 v16, v15  }
0x359: {  	s19 =	sadd.s32 $0x2, s16  }
0x35a: {  	v54 =	vmov s19  }
0x35b: {  	v55 =	vshll.u32 v54, $0x9  }
0x35c: {  	v56 =	vand.u32 $0x7000, v55;
	v16 =	vshll.u32 v54, $0x7;
	[tilespmem:v53+s3+$0x0] =	vst.idx.msk $0xffff, v14  }
0x35d: {  	v57 =	vor.u32 s17, v13;
	v16 =	vand.u32 $0x300, v16;
	v14 =	vadd.s32 v56, v12;
	v15 =	vld.idx.msk [tilespmem:v15+s2+$0x0], $0xffff  }
0x35e: {  	v14 =	vor.u32 v16, v14  }
0x35f: {  	s17 =	sadd.s32 $0x3, s16  }
0x360: {  	v58 =	vmov s17  }
0x361: {  	v59 =	vshll.u32 v58, $0x9  }
0x362: {  	v60 =	vand.u32 $0x7000, v59;
	v16 =	vshll.u32 v58, $0x7;
	[tilespmem:v57+s3+$0x0] =	vst.idx.msk $0xffff, v15  }
0x363: {  	v61 =	vor.u32 s19, v13;
	v62 =	vadd.s32 v60, v12;
	v16 =	vand.u32 $0x380, v16;
	v14 =	vld.idx.msk [tilespmem:v14+s2+$0x0], $0xffff  }
0x364: {  	v12 =	vor.u32 v16, v62;
	_ =	sdelay $0x3  }
0x365: {  	[tilespmem:v61+s3+$0x0] =	vst.idx.msk $0xffff, v14  }
0x366: {  	v63 =	vor.u32 s17, v13;
	v12 =	vld.idx.msk [tilespmem:v12+s2+$0x0], $0xffff;
	_ =	sdelay $0x4  }
0x367: {  	[tilespmem:v63+s3+$0x0] =	vst.idx.msk $0xffff, v12  }
0x368: {  	s10 =	sadd.s32 $0x10, s10;
	v12 =	vld [tilespmem:$0x1C610]  }
0x369: {  	s19 =	ssub.s32 s10, s13;
	v13 =	vld [tilespmem:$0x1C690]  }
0x36a: {  	p1 =	slt.s32 s19, $0x40  }
0x36b: {  	s16 =	sshrl.u32 @!p1 s13, $0x6  }
0x36c: {  	s16 =	sand.u32 @!p1 $0x1, s16  }
0x36d: {  	s17 =	sshll.u32 @!p1 s16, $0xD;
	s16 =	sshll.u32 @!p1 s16, $0x7;
	[tilespmem:$0x1C600] =	vst v12  }
0x36e: {  	s19 =	simm.s32 @!p1 $0x40;
	s17 =	sor.u32 @!p1 $0x18500, s17;
	s18 =	sor.u32 @!p1 $0x1C500, s16;
	[tilespmem:$0x1C680] =	vst v13  }
0x36f: {  	[hbm4b:s6+s19] =	stream.indirect.scatter @!p1 [tilespmem:s17], [sflag:$0x1], $0x80, s18, s19, $0xb8;
	[tilespmem:$0x1C700] =	vst v63  }
0x370: {  	s17 =	simm.s32 @!p1 $0x1  }
0x371: {  	_ =	swait.ge @!p1 [sflag:s17], $0x2000  }
0x372: {  	v12 =	vlaneseq.u32 @!p1;
	[sflag:s17] =	ssyncset.done @!p1 $0x0  }
.Ltmp21:
0x373: {  	v13 =	vor.u32 @!p1 $0x4000, v12;
	[sflag:s17] =	ssyncadd.s32 @!p1 $0xFFFFE000;
	(pc) =	sbr.rel .LBB2_41-.Ltmp21, $4  }
0x374: {  	s17 =	sadd.s32 @!p1 $0x40, s13;
	[tilespmem:s16+$0x1C500] =	vst @!p1 v13;
	v13 =	vor.u32 @!p1 $0x4010, v12  }
0x375: {  	s18 =	smov.u32 s17;
	[tilespmem:s16+$0x1C510] =	vst @!p1 v13;
	v13 =	vor.u32 @!p1 $0x4020, v12  }
0x376: {  	[smem:$0x1] =	sst @!p1 s17;
	s17 =	smov.u32 @p1 s13;
	v12 =	vor.u32 @!p1 $0x4030, v12;
	s18 =	smov.u32 @p1 s15;
	[tilespmem:s16+$0x1C520] =	vst @!p1 v13  }
0x377: {  	s12 =	sadd.s32 $0xFFFFFFF0, s12;
	s13 =	smov.u32 s17;
	[tilespmem:s16+$0x1C530] =	vst @!p1 v12;
	s15 =	smov.u32 s18  }
.LBB2_42:
.Ltmp22:
0x378: {  	(pc) =	sbr.rel .LBB2_43-.Ltmp22, $2  }
0x379: {  	_ =	sdelay $0x2  }
0x37a: {  	s13 =	smov.u32 s15  }
.LBB2_35:
0x37b: {  	v8 =	vmov s13  }
0x37c: {  	s12 =	sshll.u32 s12, $0xF;
	v8 =	vshll.u32 v8, $0x7  }
0x37d: {  	s13 =	smov.u32 s15;
	v9 =	vbroadcast v8, $0x0;
	v8 =	vmov s12;
	s12 =	simm.s32 $0x0  }
.LBB2_43:
0x37e: {  	v10 =	vld [tilespmem:$0x1C600];
	_ =	sdelay $0x2  }
0x37f: {  	v11 =	vmov s12;
	s14 =	simm.s32 $0x0  }
0x380: {  	vm0 =	vgt.s32 v11, v1;
	v11 =	vadd.s32 s10, v1;
	v14 =	vmov s14  }
0x381: {  	v12 =	vand.u32 $0x3F, v11;
	v13 =	vshll.u32 v11, $0x1;
	v9 =	vsub.s32 v10, v9  }
0x382: {  	v13 =	vand.u32 $0x80, v13;
	v10 =	vand.u32 $0x7F, v10;
	v9 =	vshll.u32 v9, $0x3  }
0x383: {  	v8 =	vor.u32 v8, v10;
	v10 =	vshll.u32 v14, $0x9;
	v9 =	vand.u32 $0xFFFFFC00, v9  }
0x384: {  	v8 =	vadd.s32 v9, v8;
	v9 =	vand.u32 $0x7000, v10;
	v10 =	vshll.u32 v14, $0x7  }
0x385: {  	v12 =	vor.u32 v12, v13;
	v14 =	vld [tilespmem:$0x1C680];
	v10 =	vand.u32 $0x200, v10;
	v9 =	vadd.s32 v9, v8  }
0x386: {  	v10 =	vor.u32 v10, v9  }
0x387: {  	s15 =	simm.s32 $0x1  }
0x388: {  	v13 =	vmov s15  }
0x389: {  	v9 =	vand.u32 $0x7F, v11;
	v11 =	vshll.u32 v13, $0x9  }
0x38a: {  	v9 =	vshll.u32 v9, $0x7;
	v11 =	vand.u32 $0x7000, v11;
	[tilespmem:v12+s31+$0x0] =	vst.idx.msk vm0, v14;
	v12 =	vshll.u32 v13, $0x7  }
0x38b: {  	v11 =	vadd.s32 v11, v8;
	v13 =	vor.u32 s14, v9;
	v12 =	vand.u32 $0x280, v12;
	v10 =	vld.idx.msk [tilespmem:v10+s2+$0x0], vm0  }
0x38c: {  	v11 =	vor.u32 v12, v11  }
0x38d: {  	s17 =	simm.s32 $0x2  }
0x38e: {  	v12 =	vmov s17  }
0x38f: {  	v14 =	vshll.u32 v12, $0x9  }
0x390: {  	v12 =	vshll.u32 v12, $0x7;
	[tilespmem:v13+s3+$0x0] =	vst.idx.msk vm0, v10;
	v10 =	vand.u32 $0x7000, v14  }
0x391: {  	v12 =	vand.u32 $0x300, v12;
	v13 =	vor.u32 s15, v9;
	v11 =	vld.idx.msk [tilespmem:v11+s2+$0x0], vm0;
	v10 =	vadd.s32 v10, v8  }
0x392: {  	v10 =	vor.u32 v12, v10  }
0x393: {  	s16 =	simm.s32 $0x3  }
0x394: {  	v12 =	vmov s16  }
0x395: {  	v14 =	vshll.u32 v12, $0x9  }
0x396: {  	v12 =	vshll.u32 v12, $0x7;
	v14 =	vand.u32 $0x7000, v14;
	[tilespmem:v13+s3+$0x0] =	vst.idx.msk vm0, v11  }
0x397: {  	v11 =	vand.u32 $0x380, v12;
	v13 =	vadd.s32 v14, v8;
	v12 =	vor.u32 s17, v9;
	v10 =	vld.idx.msk [tilespmem:v10+s2+$0x0], vm0  }
0x398: {  	v11 =	vor.u32 v11, v13;
	_ =	sdelay $0x1  }
0x399: {  	s14 =	simm.s32 $0x4  }
0x39a: {  	s15 =	simm.s32 $0x8;
	v13 =	vmov s14  }
.LBB2_44:
0x39b: {  	p1 =	sne.s32 s15, $0x3C;
	v14 =	vshll.u32 v13, $0x9;
	[tilespmem:v12+s3+$0x0] =	vst.idx.msk vm0, v10  }
0x39c: {  	v12 =	vshll.u32 v13, $0x7;
	v10 =	vand.u32 $0x7000, v14;
	v11 =	vld.idx.msk [tilespmem:v11+s2+$0x0], vm0  }
0x39d: {  	v13 =	vor.u32 s16, v9;
	v12 =	vand.u32 $0x200, v12;
	v10 =	vadd.s32 v10, v8  }
0x39e: {  	v10 =	vor.u32 v12, v10;
	_ =	sdelay $0x1  }
0x39f: {  	s16 =	sadd.s32 $0x1, s14  }
0x3a0: {  	v12 =	vmov s16  }
0x3a1: {  	v14 =	vshll.u32 v12, $0x9;
	[tilespmem:v13+s3+$0x0] =	vst.idx.msk vm0, v11  }
0x3a2: {  	v12 =	vshll.u32 v12, $0x7;
	v11 =	vand.u32 $0x7000, v14;
	v10 =	vld.idx.msk [tilespmem:v10+s2+$0x0], vm0  }
0x3a3: {  	v12 =	vand.u32 $0x280, v12;
	v13 =	vor.u32 s14, v9;
	v11 =	vadd.s32 v11, v8  }
0x3a4: {  	v11 =	vor.u32 v12, v11;
	_ =	sdelay $0x1  }
0x3a5: {  	s17 =	sadd.s32 $0x2, s14  }
0x3a6: {  	v12 =	vmov s17  }
0x3a7: {  	[tilespmem:v13+s3+$0x0] =	vst.idx.msk vm0, v10;
	v10 =	vshll.u32 v12, $0x9  }
0x3a8: {  	v12 =	vshll.u32 v12, $0x7;
	v11 =	vld.idx.msk [tilespmem:v11+s2+$0x0], vm0;
	v10 =	vand.u32 $0x7000, v10  }
0x3a9: {  	v13 =	vor.u32 s16, v9;
	v12 =	vand.u32 $0x300, v12;
	v10 =	vadd.s32 v10, v8  }
0x3aa: {  	v10 =	vor.u32 v12, v10;
	_ =	sdelay $0x1  }
0x3ab: {  	s16 =	sadd.s32 $0x3, s14;
	s14 =	smov.u32 s15  }
0x3ac: {  	v12 =	vmov s16  }
0x3ad: {  	[tilespmem:v13+s3+$0x0] =	vst.idx.msk vm0, v11;
	v11 =	vshll.u32 v12, $0x9  }
0x3ae: {  	v13 =	vshll.u32 v12, $0x7;
	v10 =	vld.idx.msk [tilespmem:v10+s2+$0x0], vm0;
	v11 =	vand.u32 $0x7000, v11  }
.Ltmp23:
0x3af: {  	v12 =	vor.u32 s17, v9;
	v13 =	vand.u32 $0x380, v13;
	v11 =	vadd.s32 v11, v8;
	(pc) =	sbr.rel @p1 .LBB2_44-.Ltmp23, $2  }
0x3b0: {  	v11 =	vor.u32 v13, v11;
	_ =	sdelay $0x2  }
0x3b1: {  	s15 =	sadd.s32 $0x4, s15;
	v13 =	vmov s14  }
0x3b2: {  	_ =	sdelay $0x3  }
0x3b3: {  	v14 =	vshll.u32 v13, $0x9  }
0x3b4: {  	[tilespmem:v12+s3+$0x0] =	vst.idx.msk vm0, v10;
	v49 =	vshll.u32 v13, $0x7;
	v48 =	vand.u32 $0x7000, v14  }
0x3b5: {  	v50 =	vor.u32 s16, v9;
	v11 =	vld.idx.msk [tilespmem:v11+s2+$0x0], vm0;
	v12 =	vand.u32 $0x200, v49;
	v10 =	vadd.s32 v48, v8  }
0x3b6: {  	v10 =	vor.u32 v12, v10  }
0x3b7: {  	s15 =	sadd.s32 $0x1, s14  }
0x3b8: {  	v51 =	vmov s15  }
0x3b9: {  	v52 =	vshll.u32 v51, $0x9  }
0x3ba: {  	v53 =	vand.u32 $0x7000, v52;
	v12 =	vshll.u32 v51, $0x7;
	[tilespmem:v50+s3+$0x0] =	vst.idx.msk vm0, v11  }
0x3bb: {  	v54 =	vor.u32 s14, v9;
	v12 =	vand.u32 $0x280, v12;
	v11 =	vadd.s32 v53, v8;
	v10 =	vld.idx.msk [tilespmem:v10+s2+$0x0], vm0  }
0x3bc: {  	v11 =	vor.u32 v12, v11  }
0x3bd: {  	s18 =	sadd.s32 $0x2, s14  }
0x3be: {  	v55 =	vmov s18  }
0x3bf: {  	v56 =	vshll.u32 v55, $0x9  }
0x3c0: {  	v57 =	vand.u32 $0x7000, v56;
	v12 =	vshll.u32 v55, $0x7;
	[tilespmem:v54+s3+$0x0] =	vst.idx.msk vm0, v10  }
0x3c1: {  	v58 =	vor.u32 s15, v9;
	v12 =	vand.u32 $0x300, v12;
	v10 =	vadd.s32 v57, v8;
	v11 =	vld.idx.msk [tilespmem:v11+s2+$0x0], vm0  }
0x3c2: {  	v10 =	vor.u32 v12, v10  }
0x3c3: {  	s19 =	sadd.s32 $0x3, s14  }
0x3c4: {  	v59 =	vmov s19  }
0x3c5: {  	v60 =	vshll.u32 v59, $0x9  }
0x3c6: {  	v61 =	vand.u32 $0x7000, v60;
	v12 =	vshll.u32 v59, $0x7;
	[tilespmem:v58+s3+$0x0] =	vst.idx.msk vm0, v11  }
0x3c7: {  	v62 =	vor.u32 s18, v9;
	v8 =	vadd.s32 v61, v8;
	v12 =	vand.u32 $0x380, v12;
	v10 =	vld.idx.msk [tilespmem:v10+s2+$0x0], vm0  }
0x3c8: {  	v8 =	vor.u32 v12, v8;
	_ =	sdelay $0x3  }
0x3c9: {  	s10 =	sadd.s32 s10, s12;
	[tilespmem:v62+s3+$0x0] =	vst.idx.msk vm0, v10  }
0x3ca: {  	v63 =	vor.u32 s19, v9;
	s12 =	ssub.s32 s10, s13;
	v8 =	vld.idx.msk [tilespmem:v8+s2+$0x0], vm0  }
0x3cb: {  	p1 =	slt.s32 s12, $0x40  }
0x3cc: {  	s12 =	sshrl.u32 @!p1 s13, $0x6  }
0x3cd: {  	s12 =	sand.u32 @!p1 $0x1, s12  }
0x3ce: {  	[smem:$0x0] =	sst s10;
	s14 =	sshll.u32 @!p1 s12, $0xD;
	s12 =	sshll.u32 @!p1 s12, $0x7  }
0x3cf: {  	s16 =	simm.s32 @!p1 $0x40;
	s14 =	sor.u32 @!p1 $0x18500, s14;
	s15 =	sor.u32 @!p1 $0x1C500, s12;
	[tilespmem:v63+s3+$0x0] =	vst.idx.msk vm0, v8  }
0x3d0: {  	[hbm4b:s6+s16] =	stream.indirect.scatter @!p1 [tilespmem:s14], [sflag:$0x1], $0x80, s15, s16, $0xb8;
	[tilespmem:$0x1C700] =	vst v63  }
0x3d1: {  	[smem:$0x2] =	sst s4;
	s14 =	simm.s32 @!p1 $0x1  }
0x3d2: {  	s11 =	sadd.s32 $0x1, s11;
	_ =	swait.ge @!p1 [sflag:s14], $0x2000  }
0x3d3: {  	p2 =	sne.s32 s11, $0x3E;
	v8 =	vlaneseq.u32 @!p1;
	[sflag:s14] =	ssyncset.done @!p1 $0x0  }
.Ltmp24:
0x3d4: {  	v9 =	vor.u32 @!p1 $0x4000, v8;
	[sflag:s14] =	ssyncadd.s32 @!p1 $0xFFFFE000;
	(pc) =	sbr.rel @p2 .LBB2_34-.Ltmp24, $4  }
0x3d5: {  	[tilespmem:s12+$0x1C500] =	vst @!p1 v9;
	v9 =	vor.u32 @!p1 $0x4010, v8  }
0x3d6: {  	[tilespmem:s12+$0x1C510] =	vst @!p1 v9;
	v9 =	vor.u32 @!p1 $0x4020, v8  }
0x3d7: {  	s15 =	sadd.s32 @!p1 $0x40, s13;
	v8 =	vor.u32 @!p1 $0x4030, v8;
	[tilespmem:s12+$0x1C520] =	vst @!p1 v9  }
0x3d8: {  	[smem:$0x1] =	sst @!p1 s15;
	s15 =	smov.u32 @p1 s13;
	[tilespmem:s12+$0x1C530] =	vst @!p1 v8  }
0x3d9: {  	s8 =	ssub.s32 s10, s15  }
0x3da: {  	p0 =	slt.s32 s8, $0x1  }
0x3db: {  	s8 =	sshrl.u32 @!p0 s15, $0x6  }
0x3dc: {  	s8 =	sand.u32 @!p0 $0x1, s8  }
0x3dd: {  	s9 =	sshll.u32 @!p0 s8, $0xD;
	s8 =	sshll.u32 @!p0 s8, $0x7  }
0x3de: {  	s11 =	simm.s32 @!p0 $0x40;
	s9 =	sor.u32 @!p0 $0x18500, s9;
	s10 =	sor.u32 @!p0 $0x1C500, s8  }
0x3df: {  	[hbm4b:s6+s11] =	stream.indirect.scatter @!p0 [tilespmem:s9], [sflag:$0x1], $0x80, s10, s11, $0xb8;
	[tilespmem:$0x1C700] =	vst v63  }
0x3e0: {  	s9 =	simm.s32 @!p0 $0x1  }
0x3e1: {  	s7 =	sadd.s32 $0x1, s7;
	_ =	swait.ge @!p0 [sflag:s9], $0x2000  }
0x3e2: {  	p1 =	sne.s32 s7, s23;
	v8 =	vlaneseq.u32 @!p0;
	[sflag:s9] =	ssyncset.done @!p0 $0x0  }
.Ltmp25:
0x3e3: {  	v9 =	vor.u32 @!p0 $0x4000, v8;
	[sflag:s9] =	ssyncadd.s32 @!p0 $0xFFFFE000;
	(pc) =	sbr.rel @p1 .LBB2_1-.Ltmp25, $4  }
0x3e4: {  	[tilespmem:s8+$0x1C500] =	vst @!p0 v9;
	v9 =	vor.u32 @!p0 $0x4010, v8  }
0x3e5: {  	[tilespmem:s8+$0x1C510] =	vst @!p0 v9;
	v9 =	vor.u32 @!p0 $0x4020, v8  }
0x3e6: {  	v8 =	vor.u32 @!p0 $0x4030, v8;
	[tilespmem:s8+$0x1C520] =	vst @!p0 v9  }
0x3e7: {  	[tilespmem:s8+$0x1C530] =	vst @!p0 v8  }
0x3e8: {  	_ =	sfence.sel $0x180000  }
0x3e9: {  	[bflag:$0x0] =	sbarrier.arrive $0xFFFF  }
0x3ea: {  	_ =	strace $0x90000047  }
0x3eb: {  	s0 =	stileid.u32;
	[bflag:$0x2] =	sbarrier.arrive $0xFFFF  }
0x3ec: {  	p0 =	sne.s32 s0, $0x0;
	s0 =	rddreg [dreg:$0x3]  }
0x3ed: {  	s0 =	sadd.s32 @!p0 $0x100000, s0  }
0x3ee: {  	[sflag:s0] =	ssyncadd.tile.s32 @!p0 $0x1;
	_ =	shalt  }
.Lfunc_end2:
_tile_overlayer_lowered:
.L_overlay_start_2:
0x3ef: {  	(tag) =	ssettag $0x2  }
0x3f0: {  	s0 =	rddreg [dreg:$0x0];
	s2 =	stileid.u32  }
0x3f1: {  	s1 =	rddreg [dreg:$0x1];
	p0 =	sne.s32 s2, $0x0  }
0x3f2: {  	s3 =	rddreg [dreg:$0x2];
	[bflag:$0x3] =	sbarrier.arrive $0xFFFF;
	s2 =	simm.s32 @!p0 $0x1C04  }
0x3f3: {  	[timem:s3], [sflag:s2] =	dma.local @!p0 [hbm:s0], s1  }
0x3f4: {  	s0 =	simm.s32 @!p0 $0x4  }
0x3f5: {  	_ =	swait.ge @!p0 [sflag:s0], s1  }
0x3f6: {  	s1 =	ssub.s32 @!p0 $0x0, s1;
	[sflag:s0] =	ssyncset.done @!p0 $0x0  }
0x3f7: {  	[sflag:s0] =	ssyncadd.s32 @!p0 s1  }
0x3f8: {  	[bflag:$0x3] =	sbarrier.arrive $0xFFFF  }
0x3f9: {  	_ =	shalt  }

</sc_bundles>
